<compile_context>
chip_gen: v7x
topology: tpu7x:2x2x1
jax: 0.10.2.dev20260603
libtpu: 0.0.44.dev20260713+nightly
codegen_flags: <defaults>
</compile_context>

<pallas_src>
import functools

import jax
import jax.numpy as jnp
from jax import lax
from jax.experimental import pallas as pl
from jax.experimental.pallas import tpu as pltpu
from jax.experimental.pallas import tpu_sc as plsc

_B = 1024
_N = 50000
_NV, _NW, _NA, _NF = 12800, 2048, 4096, 1024
_J = _NV + _NW + _NA + _NF
_L = 16
_NWORKERS = 32
_RPW = _B // _NWORKERS
_H0 = 25088
_H1 = _N - _H0
_HB = _H0
_ZCHUNK = 256
_UNROLL = 8
_SEG_GROUPS = (_NV // _L, _NW // _L, _NA // _L, _NF // _L)


def _sc_body(id_hbm, w_hbm, b_hbm, x_hbm, out_hbm,
             id_v, w_v, b_v, x_v, bh0, bh1, os0, os1):
    wid = lax.axis_index("s") * 2 + lax.axis_index("c")
    pltpu.sync_copy(id_hbm, id_v)
    pltpu.sync_copy(w_hbm, w_v)
    pltpu.sync_copy(b_hbm, b_v)
    pltpu.sync_copy(x_hbm.at[pl.ds(wid * (_RPW * 4 * _L), _RPW * 4 * _L)], x_v)

    zero16 = jnp.zeros((_L,), jnp.float32)

    def row_body(r, carry):
        row = wid * _RPW + r

        @pl.when(r > 0)
        def _():
            pltpu.make_async_copy(bh0.at[pl.ds(0, _H0)],
                                  out_hbm.at[pl.ds(0, _H0)], os0).wait()
            pltpu.make_async_copy(bh1.at[pl.ds(0, _H1)],
                                  out_hbm.at[pl.ds(0, _H1)], os1).wait()

        for buf in (bh0, bh1):
            def zbody(z, c, bf=buf):
                base = z * _ZCHUNK
                for k in range(_ZCHUNK // _L):
                    bf[pl.ds(base + k * _L, _L)] = zero16
                return c

            lax.fori_loop(0, _HB // _ZCHUNK, zbody, 0)

        seg_base = 0
        for m, ngroups in enumerate(_SEG_GROUPS):
            xv = x_v[pl.ds(r * (4 * _L) + m * _L, _L)]
            nsets = ngroups // _UNROLL

            def load_compute(gi, xvec=xv, sb=seg_base):
                base0 = sb + gi * (_UNROLL * _L)
                ids, vals = [], []
                for k in range(_UNROLL):
                    idv = id_v[pl.ds(base0 + k * _L, _L)]
                    wv = w_v[pl.ds(base0 + k * _L, _L)]
                    bv = b_v[pl.ds(base0 + k * _L, _L)]
                    ids.append(idv)
                    vals.append(jnp.maximum(wv * xvec + bv, 0.0))
                return tuple(ids), tuple(vals)

            def sbody(g, carry2, ns=nsets):
                idvs, vals = carry2
                for k in range(_UNROLL):
                    idv = idvs[k]
                    plsc.addupdate_scatter(bh0, [idv], vals[k],
                                           mask=idv < _H0)
                    plsc.addupdate_scatter(bh1, [idv - _H0], vals[k],
                                           mask=idv >= _H0)
                return load_compute(jnp.minimum(g + 1, ns - 1))

            lax.fori_loop(0, nsets, sbody, load_compute(0))
            seg_base += ngroups * _L

        pltpu.async_copy(bh0.at[pl.ds(0, _H0)],
                         out_hbm.at[pl.ds(row * _N, _H0)], os0)
        pltpu.async_copy(bh1.at[pl.ds(0, _H1)],
                         out_hbm.at[pl.ds(row * _N + _H0, _H1)], os1)
        return carry

    lax.fori_loop(0, _RPW, row_body, 0)
    pltpu.make_async_copy(bh0.at[pl.ds(0, _H0)],
                          out_hbm.at[pl.ds(0, _H0)], os0).wait()
    pltpu.make_async_copy(bh1.at[pl.ds(0, _H1)],
                          out_hbm.at[pl.ds(0, _H1)], os1).wait()


_scatter_call = functools.partial(
    pl.kernel,
    mesh=plsc.VectorSubcoreMesh(core_axis_name="c", subcore_axis_name="s"),
    out_type=jax.ShapeDtypeStruct((_B * _N,), jnp.float32),
    compiler_params=pltpu.CompilerParams(needs_layout_passes=False),
    scratch_types=[
        pltpu.VMEM((_J,), jnp.int32),
        pltpu.VMEM((_J,), jnp.float32),
        pltpu.VMEM((_J,), jnp.float32),
        pltpu.VMEM((_RPW * 4 * _L,), jnp.float32),
        pltpu.VMEM((_HB,), jnp.float32),
        pltpu.VMEM((_HB,), jnp.float32),
        pltpu.SemaphoreType.DMA,
        pltpu.SemaphoreType.DMA,
    ],
)(_sc_body)


def kernel(vision, wind_gravity, an, fake_target,
           W_vision, b_vision, W_wind, b_wind, W_an, b_an, W_fake, b_fake,
           id_vision, id_wind, id_an, id_fake):
    w_m = jnp.concatenate(
        [W_vision[:, 0], W_wind[:, 0], W_an[:, 0], W_fake[:, 0]])
    b_m = jnp.concatenate([b_vision, b_wind, b_an, b_fake])
    id_m = jnp.concatenate([id_vision, id_wind, id_an, id_fake])
    x = jnp.concatenate([vision, wind_gravity, an, fake_target], axis=1)
    x_splat = jnp.broadcast_to(x[:, :, None], (_B, 4, _L)).reshape(-1)
    return _scatter_call(id_m, w_m, b_m, x_splat).reshape(_B, _N)

# --- scband reference (transcript-rebuilt; emitter-appended) ---
"""Pipeline reference for scband-env-input-layer-56745107914846 (READ-ONLY COPY).

The authoritative reference and input builder live on the scoring server;
editing this copy changes nothing except your own understanding.
"""

import jax, jax.numpy as jnp
import numpy as np

B = 1024
N_NEURON = 50000
N_V, N_W, N_A, N_F = 12800, 2048, 4096, 1024


def setup_inputs(seed: int = 0) -> dict:
    key = jax.random.key(seed)
    ks = jax.random.split(key, 16)
    return {
        "vision": jax.random.normal(ks[0], (B, 1), dtype=jnp.float32),
        "wind_gravity": jax.random.normal(ks[1], (B, 1), dtype=jnp.float32),
        "an": jax.random.normal(ks[2], (B, 1), dtype=jnp.float32),
        "fake_target": jax.random.normal(ks[3], (B, 1), dtype=jnp.float32),
        "W_vision": jax.random.normal(ks[4], (N_V, 1), dtype=jnp.float32) * 0.02,
        "b_vision": jax.random.normal(ks[5], (N_V,), dtype=jnp.float32) * 0.02,
        "W_wind": jax.random.normal(ks[6], (N_W, 1), dtype=jnp.float32) * 0.02,
        "b_wind": jax.random.normal(ks[7], (N_W,), dtype=jnp.float32) * 0.02,
        "W_an": jax.random.normal(ks[8], (N_A, 1), dtype=jnp.float32) * 0.02,
        "b_an": jax.random.normal(ks[9], (N_A,), dtype=jnp.float32) * 0.02,
        "W_fake": jax.random.normal(ks[10], (N_F, 1), dtype=jnp.float32) * 0.02,
        "b_fake": jax.random.normal(ks[11], (N_F,), dtype=jnp.float32) * 0.02,
        "id_vision": jax.random.randint(ks[12], (N_V,), 0, N_NEURON, dtype=jnp.int32),
        "id_wind": jax.random.randint(ks[13], (N_W,), 0, N_NEURON, dtype=jnp.int32),
        "id_an": jax.random.randint(ks[14], (N_A,), 0, N_NEURON, dtype=jnp.int32),
        "id_fake": jax.random.randint(ks[15], (N_F,), 0, N_NEURON, dtype=jnp.int32),
    }


def _embed(x, W, b):
    # torch.nn.Linear(1, n) + ReLU : x [B,1] @ W.T [1,n] + b -> [B,n]
    return jax.nn.relu(x @ W.T + b)


def reference(vision, wind_gravity, an, fake_target,
              W_vision, b_vision, W_wind, b_wind, W_an, b_an, W_fake, b_fake,
              id_vision, id_wind, id_an, id_fake):
    src_v = _embed(vision, W_vision, b_vision)
    src_w = _embed(wind_gravity, W_wind, b_wind)
    src_a = _embed(an, W_an, b_an)
    src_f = _embed(fake_target, W_fake, b_fake)
    merged_src = jnp.concatenate([src_v, src_w, src_a, src_f], axis=-1)
    merged_index = jnp.concatenate([id_vision, id_wind, id_an, id_fake], axis=-1)
    batch = merged_src.shape[0]
    ret = jnp.zeros((batch, N_NEURON), dtype=merged_src.dtype)
    # scatter_add along last dim (index broadcast over batch, like expand_leading_dims)
    ret = ret.at[:, merged_index].add(merged_src)
    return ret

if __name__ == "__main__":
    import jax
    _d = setup_inputs()
    print(jax.jit(kernel)(*tuple(_d.values())))

</pallas_src>

<mosaic_0001>
#map = affine_map<(d0, d1) -> (0)>
module attributes {stable_mosaic.version = 14 : i64} {
  func.func @_sc_body(%arg0: i32, %arg1: i32, %arg2: memref<19968xi32, #tpu.memory_space<hbm>>, %arg3: memref<19968xf32, #tpu.memory_space<hbm>>, %arg4: memref<19968xf32, #tpu.memory_space<hbm>>, %arg5: memref<65536xf32, #tpu.memory_space<hbm>>, %arg6: memref<51200000xf32, #tpu.memory_space<hbm>>, %arg7: memref<19968xi32, #tpu.memory_space<vmem>>, %arg8: memref<19968xf32, #tpu.memory_space<vmem>>, %arg9: memref<19968xf32, #tpu.memory_space<vmem>>, %arg10: memref<2048xf32, #tpu.memory_space<vmem>>, %arg11: memref<25088xf32, #tpu.memory_space<vmem>>, %arg12: memref<25088xf32, #tpu.memory_space<vmem>>, %arg13: memref<!tpu.dma_semaphore, #tpu.memory_space<semaphore_mem>>, %arg14: memref<!tpu.dma_semaphore, #tpu.memory_space<semaphore_mem>>) attributes {dimension_semantics = [#tpu.dimension_semantics<core_parallel>, #tpu.dimension_semantics<subcore_parallel>], iteration_bounds = array<i64: 2, 16>, scalar_prefetch = 0 : i64, scratch_operands = 8 : i64, tpu.core_type = #tpu.core_type<sc_vector_subcore>, window_params = [{transform_indices = #map}, {transform_indices = #map}, {transform_indices = #map}, {transform_indices = #map}, {transform_indices = #map}]} {
    %mul3A = arith.constant 2 : i32
    %mul3A_0 = arith.muli %arg1, %mul3A : i32
    %add3A = arith.addi %mul3A_0, %arg0 : i32
    "tpu.region"() ({
      %run_scoped3A = tpu.sem_alloc : memref<!tpu.dma_semaphore, #tpu.memory_space<semaphore_mem>>
      tpu.enqueue_dma source(%arg2 : memref<19968xi32, #tpu.memory_space<hbm>>) target(%arg7 : memref<19968xi32, #tpu.memory_space<vmem>>) target_semaphore(%run_scoped3A : memref<!tpu.dma_semaphore, #tpu.memory_space<semaphore_mem>>)
      tpu.wait_dma2 semaphore(%run_scoped3A : memref<!tpu.dma_semaphore, #tpu.memory_space<semaphore_mem>>) src(%arg2 : memref<19968xi32, #tpu.memory_space<hbm>>) dst(%arg7 : memref<19968xi32, #tpu.memory_space<vmem>>)
      tpu.yield
    }) : () -> ()
    "tpu.region"() ({
      %run_scoped3A = tpu.sem_alloc : memref<!tpu.dma_semaphore, #tpu.memory_space<semaphore_mem>>
      tpu.enqueue_dma source(%arg3 : memref<19968xf32, #tpu.memory_space<hbm>>) target(%arg8 : memref<19968xf32, #tpu.memory_space<vmem>>) target_semaphore(%run_scoped3A : memref<!tpu.dma_semaphore, #tpu.memory_space<semaphore_mem>>)
      tpu.wait_dma2 semaphore(%run_scoped3A : memref<!tpu.dma_semaphore, #tpu.memory_space<semaphore_mem>>) src(%arg3 : memref<19968xf32, #tpu.memory_space<hbm>>) dst(%arg8 : memref<19968xf32, #tpu.memory_space<vmem>>)
      tpu.yield
    }) : () -> ()
    "tpu.region"() ({
      %run_scoped3A = tpu.sem_alloc : memref<!tpu.dma_semaphore, #tpu.memory_space<semaphore_mem>>
      tpu.enqueue_dma source(%arg4 : memref<19968xf32, #tpu.memory_space<hbm>>) target(%arg9 : memref<19968xf32, #tpu.memory_space<vmem>>) target_semaphore(%run_scoped3A : memref<!tpu.dma_semaphore, #tpu.memory_space<semaphore_mem>>)
      tpu.wait_dma2 semaphore(%run_scoped3A : memref<!tpu.dma_semaphore, #tpu.memory_space<semaphore_mem>>) src(%arg4 : memref<19968xf32, #tpu.memory_space<hbm>>) dst(%arg9 : memref<19968xf32, #tpu.memory_space<vmem>>)
      tpu.yield
    }) : () -> ()
    %mul3A_1 = arith.constant 2048 : i32
    %mul3A_2 = arith.muli %add3A, %mul3A_1 : i32
    "tpu.region"() ({
      %run_scoped3A = tpu.sem_alloc : memref<!tpu.dma_semaphore, #tpu.memory_space<semaphore_mem>>
      %dma_start3A = tpu.memref_slice %arg5[%mul3A_2] : memref<65536xf32, #tpu.memory_space<hbm>> -> memref<2048xf32, #tpu.memory_space<hbm>>
      %dma_start3A_24 = tpu.memref_slice %arg5[%mul3A_2] : memref<65536xf32, #tpu.memory_space<hbm>> -> memref<2048xf32, #tpu.memory_space<hbm>>
      tpu.enqueue_dma source(%dma_start3A_24 : memref<2048xf32, #tpu.memory_space<hbm>>) target(%arg10 : memref<2048xf32, #tpu.memory_space<vmem>>) target_semaphore(%run_scoped3A : memref<!tpu.dma_semaphore, #tpu.memory_space<semaphore_mem>>)
      %dma_wait3A_25 = tpu.memref_slice %arg5[%mul3A_2] : memref<65536xf32, #tpu.memory_space<hbm>> -> memref<2048xf32, #tpu.memory_space<hbm>>
      %dma_wait3A_26 = tpu.memref_slice %arg5[%mul3A_2] : memref<65536xf32, #tpu.memory_space<hbm>> -> memref<2048xf32, #tpu.memory_space<hbm>>
      tpu.wait_dma2 semaphore(%run_scoped3A : memref<!tpu.dma_semaphore, #tpu.memory_space<semaphore_mem>>) src(%dma_wait3A_26 : memref<2048xf32, #tpu.memory_space<hbm>>) dst(%arg10 : memref<2048xf32, #tpu.memory_space<vmem>>)
      tpu.yield
    }) : () -> ()
    %broadcast_in_dim3A = arith.constant 0.000000e+00 : f32
    %broadcast_in_dim3A_3 = vector.broadcast %broadcast_in_dim3A : f32 to vector<16xf32>
    %scan3A = arith.constant 0 : i32
    %scan3A_4 = arith.constant 0 : i32
    %scan3A_5 = arith.constant 32 : i32
    %scan3A_6 = arith.addi %scan3A_4, %scan3A_5 : i32
    %scan3A_7 = arith.constant 1 : i32
    scf.for %scan3A_24 = %scan3A_4 to %scan3A_6 step %scan3A_7  : i32 {
      %mul3A_25 = arith.constant 32 : i32
      %mul3A_26 = arith.muli %add3A, %mul3A_25 : i32
      %add3A_27 = arith.addi %mul3A_26, %scan3A_24 : i32
      %gt3A = arith.constant 0 : i32
      %gt3A_28 = arith.cmpi sgt, %scan3A_24, %gt3A : i32
      %convert_element_type3A = arith.extui %gt3A_28 : i1 to i32
      %cond3A = arith.constant 0 : i32
      %cond3A_29 = arith.cmpi ne, %convert_element_type3A, %cond3A : i32
      scf.if %cond3A_29 {
        %dma_wait3A_457 = arith.constant 0 : i32
        %dma_wait3A_458 = tpu.memref_slice %arg11[%dma_wait3A_457] : memref<25088xf32, #tpu.memory_space<vmem>> -> memref<25088xf32, #tpu.memory_space<vmem>>
        %dma_wait3A_459 = arith.constant 0 : i32
        %dma_wait3A_460 = tpu.memref_slice %arg6[%dma_wait3A_459] : memref<51200000xf32, #tpu.memory_space<hbm>> -> memref<25088xf32, #tpu.memory_space<hbm>>
        %dma_wait3A_461 = arith.constant 0 : i32
        %dma_wait3A_462 = tpu.memref_slice %arg6[%dma_wait3A_461] : memref<51200000xf32, #tpu.memory_space<hbm>> -> memref<25088xf32, #tpu.memory_space<hbm>>
        %dma_wait3A_463 = arith.constant 0 : i32
        %dma_wait3A_464 = tpu.memref_slice %arg11[%dma_wait3A_463] : memref<25088xf32, #tpu.memory_space<vmem>> -> memref<25088xf32, #tpu.memory_space<vmem>>
        tpu.wait_dma2 semaphore(%arg13 : memref<!tpu.dma_semaphore, #tpu.memory_space<semaphore_mem>>) src(%dma_wait3A_464 : memref<25088xf32, #tpu.memory_space<vmem>>) dst(%dma_wait3A_462 : memref<25088xf32, #tpu.memory_space<hbm>>)
        %dma_wait3A_465 = arith.constant 0 : i32
        %dma_wait3A_466 = tpu.memref_slice %arg12[%dma_wait3A_465] : memref<25088xf32, #tpu.memory_space<vmem>> -> memref<24912xf32, #tpu.memory_space<vmem>>
        %dma_wait3A_467 = arith.constant 0 : i32
        %dma_wait3A_468 = tpu.memref_slice %arg6[%dma_wait3A_467] : memref<51200000xf32, #tpu.memory_space<hbm>> -> memref<24912xf32, #tpu.memory_space<hbm>>
        %dma_wait3A_469 = arith.constant 0 : i32
        %dma_wait3A_470 = tpu.memref_slice %arg6[%dma_wait3A_469] : memref<51200000xf32, #tpu.memory_space<hbm>> -> memref<24912xf32, #tpu.memory_space<hbm>>
        %dma_wait3A_471 = arith.constant 0 : i32
        %dma_wait3A_472 = tpu.memref_slice %arg12[%dma_wait3A_471] : memref<25088xf32, #tpu.memory_space<vmem>> -> memref<24912xf32, #tpu.memory_space<vmem>>
        tpu.wait_dma2 semaphore(%arg14 : memref<!tpu.dma_semaphore, #tpu.memory_space<semaphore_mem>>) src(%dma_wait3A_472 : memref<24912xf32, #tpu.memory_space<vmem>>) dst(%dma_wait3A_470 : memref<24912xf32, #tpu.memory_space<hbm>>)
      } else {
      }
      %scan3A_30 = arith.constant 0 : i32
      %scan3A_31 = arith.constant 0 : i32
      %scan3A_32 = arith.constant 98 : i32
      %scan3A_33 = arith.addi %scan3A_31, %scan3A_32 : i32
      %scan3A_34 = arith.constant 1 : i32
      scf.for %scan3A_457 = %scan3A_31 to %scan3A_33 step %scan3A_34  : i32 {
        %mul3A_458 = arith.constant 256 : i32
        %mul3A_459 = arith.muli %scan3A_457, %mul3A_458 : i32
        %add3A_460 = arith.constant 0 : i32
        %add3A_461 = arith.addi %mul3A_459, %add3A_460 : i32
        %swap3A = arith.index_cast %add3A_461 : i32 to index
        %swap3A_462 = tpu.vector_load %arg11[%swap3A] {strides = array<i32>} : memref<25088xf32, #tpu.memory_space<vmem>>, vector<16xf32>,
        tpu.vector_store %arg11[%swap3A], %broadcast_in_dim3A_3 {strides = array<i32>} : memref<25088xf32, #tpu.memory_space<vmem>>, vector<16xf32>,
        %add3A_463 = arith.constant 16 : i32
        %add3A_464 = arith.addi %mul3A_459, %add3A_463 : i32
        %swap3A_465 = arith.index_cast %add3A_464 : i32 to index
        %swap3A_466 = tpu.vector_load %arg11[%swap3A_465] {strides = array<i32>} : memref<25088xf32, #tpu.memory_space<vmem>>, vector<16xf32>,
        tpu.vector_store %arg11[%swap3A_465], %broadcast_in_dim3A_3 {strides = array<i32>} : memref<25088xf32, #tpu.memory_space<vmem>>, vector<16xf32>,
        %add3A_467 = arith.constant 32 : i32
        %add3A_468 = arith.addi %mul3A_459, %add3A_467 : i32
        %swap3A_469 = arith.index_cast %add3A_468 : i32 to index
        %swap3A_470 = tpu.vector_load %arg11[%swap3A_469] {strides = array<i32>} : memref<25088xf32, #tpu.memory_space<vmem>>, vector<16xf32>,
        tpu.vector_store %arg11[%swap3A_469], %broadcast_in_dim3A_3 {strides = array<i32>} : memref<25088xf32, #tpu.memory_space<vmem>>, vector<16xf32>,
        %add3A_471 = arith.constant 48 : i32
        %add3A_472 = arith.addi %mul3A_459, %add3A_471 : i32
        %swap3A_473 = arith.index_cast %add3A_472 : i32 to index
        %swap3A_474 = tpu.vector_load %arg11[%swap3A_473] {strides = array<i32>} : memref<25088xf32, #tpu.memory_space<vmem>>, vector<16xf32>,
        tpu.vector_store %arg11[%swap3A_473], %broadcast_in_dim3A_3 {strides = array<i32>} : memref<25088xf32, #tpu.memory_space<vmem>>, vector<16xf32>,
        %add3A_475 = arith.constant 64 : i32
        %add3A_476 = arith.addi %mul3A_459, %add3A_475 : i32
        %swap3A_477 = arith.index_cast %add3A_476 : i32 to index
        %swap3A_478 = tpu.vector_load %arg11[%swap3A_477] {strides = array<i32>} : memref<25088xf32, #tpu.memory_space<vmem>>, vector<16xf32>,
        tpu.vector_store %arg11[%swap3A_477], %broadcast_in_dim3A_3 {strides = array<i32>} : memref<25088xf32, #tpu.memory_space<vmem>>, vector<16xf32>,
        %add3A_479 = arith.constant 80 : i32
        %add3A_480 = arith.addi %mul3A_459, %add3A_479 : i32
        %swap3A_481 = arith.index_cast %add3A_480 : i32 to index
        %swap3A_482 = tpu.vector_load %arg11[%swap3A_481] {strides = array<i32>} : memref<25088xf32, #tpu.memory_space<vmem>>, vector<16xf32>,
        tpu.vector_store %arg11[%swap3A_481], %broadcast_in_dim3A_3 {strides = array<i32>} : memref<25088xf32, #tpu.memory_space<vmem>>, vector<16xf32>,
        %add3A_483 = arith.constant 96 : i32
        %add3A_484 = arith.addi %mul3A_459, %add3A_483 : i32
        %swap3A_485 = arith.index_cast %add3A_484 : i32 to index
        %swap3A_486 = tpu.vector_load %arg11[%swap3A_485] {strides = array<i32>} : memref<25088xf32, #tpu.memory_space<vmem>>, vector<16xf32>,
        tpu.vector_store %arg11[%swap3A_485], %broadcast_in_dim3A_3 {strides = array<i32>} : memref<25088xf32, #tpu.memory_space<vmem>>, vector<16xf32>,
        %add3A_487 = arith.constant 112 : i32
        %add3A_488 = arith.addi %mul3A_459, %add3A_487 : i32
        %swap3A_489 = arith.index_cast %add3A_488 : i32 to index
        %swap3A_490 = tpu.vector_load %arg11[%swap3A_489] {strides = array<i32>} : memref<25088xf32, #tpu.memory_space<vmem>>, vector<16xf32>,
        tpu.vector_store %arg11[%swap3A_489], %broadcast_in_dim3A_3 {strides = array<i32>} : memref<25088xf32, #tpu.memory_space<vmem>>, vector<16xf32>,
        %add3A_491 = arith.constant 128 : i32
        %add3A_492 = arith.addi %mul3A_459, %add3A_491 : i32
        %swap3A_493 = arith.index_cast %add3A_492 : i32 to index
        %swap3A_494 = tpu.vector_load %arg11[%swap3A_493] {strides = array<i32>} : memref<25088xf32, #tpu.memory_space<vmem>>, vector<16xf32>,
        tpu.vector_store %arg11[%swap3A_493], %broadcast_in_dim3A_3 {strides = array<i32>} : memref<25088xf32, #tpu.memory_space<vmem>>, vector<16xf32>,
        %add3A_495 = arith.constant 144 : i32
        %add3A_496 = arith.addi %mul3A_459, %add3A_495 : i32
        %swap3A_497 = arith.index_cast %add3A_496 : i32 to index
        %swap3A_498 = tpu.vector_load %arg11[%swap3A_497] {strides = array<i32>} : memref<25088xf32, #tpu.memory_space<vmem>>, vector<16xf32>,
        tpu.vector_store %arg11[%swap3A_497], %broadcast_in_dim3A_3 {strides = array<i32>} : memref<25088xf32, #tpu.memory_space<vmem>>, vector<16xf32>,
        %add3A_499 = arith.constant 160 : i32
        %add3A_500 = arith.addi %mul3A_459, %add3A_499 : i32
        %swap3A_501 = arith.index_cast %add3A_500 : i32 to index
        %swap3A_502 = tpu.vector_load %arg11[%swap3A_501] {strides = array<i32>} : memref<25088xf32, #tpu.memory_space<vmem>>, vector<16xf32>,
        tpu.vector_store %arg11[%swap3A_501], %broadcast_in_dim3A_3 {strides = array<i32>} : memref<25088xf32, #tpu.memory_space<vmem>>, vector<16xf32>,
        %add3A_503 = arith.constant 176 : i32
        %add3A_504 = arith.addi %mul3A_459, %add3A_503 : i32
        %swap3A_505 = arith.index_cast %add3A_504 : i32 to index
        %swap3A_506 = tpu.vector_load %arg11[%swap3A_505] {strides = array<i32>} : memref<25088xf32, #tpu.memory_space<vmem>>, vector<16xf32>,
        tpu.vector_store %arg11[%swap3A_505], %broadcast_in_dim3A_3 {strides = array<i32>} : memref<25088xf32, #tpu.memory_space<vmem>>, vector<16xf32>,
        %add3A_507 = arith.constant 192 : i32
        %add3A_508 = arith.addi %mul3A_459, %add3A_507 : i32
        %swap3A_509 = arith.index_cast %add3A_508 : i32 to index
        %swap3A_510 = tpu.vector_load %arg11[%swap3A_509] {strides = array<i32>} : memref<25088xf32, #tpu.memory_space<vmem>>, vector<16xf32>,
        tpu.vector_store %arg11[%swap3A_509], %broadcast_in_dim3A_3 {strides = array<i32>} : memref<25088xf32, #tpu.memory_space<vmem>>, vector<16xf32>,
        %add3A_511 = arith.constant 208 : i32
        %add3A_512 = arith.addi %mul3A_459, %add3A_511 : i32
        %swap3A_513 = arith.index_cast %add3A_512 : i32 to index
        %swap3A_514 = tpu.vector_load %arg11[%swap3A_513] {strides = array<i32>} : memref<25088xf32, #tpu.memory_space<vmem>>, vector<16xf32>,
        tpu.vector_store %arg11[%swap3A_513], %broadcast_in_dim3A_3 {strides = array<i32>} : memref<25088xf32, #tpu.memory_space<vmem>>, vector<16xf32>,
        %add3A_515 = arith.constant 224 : i32
        %add3A_516 = arith.addi %mul3A_459, %add3A_515 : i32
        %swap3A_517 = arith.index_cast %add3A_516 : i32 to index
        %swap3A_518 = tpu.vector_load %arg11[%swap3A_517] {strides = array<i32>} : memref<25088xf32, #tpu.memory_space<vmem>>, vector<16xf32>,
        tpu.vector_store %arg11[%swap3A_517], %broadcast_in_dim3A_3 {strides = array<i32>} : memref<25088xf32, #tpu.memory_space<vmem>>, vector<16xf32>,
        %add3A_519 = arith.constant 240 : i32
        %add3A_520 = arith.addi %mul3A_459, %add3A_519 : i32
        %swap3A_521 = arith.index_cast %add3A_520 : i32 to index
        %swap3A_522 = tpu.vector_load %arg11[%swap3A_521] {strides = array<i32>} : memref<25088xf32, #tpu.memory_space<vmem>>, vector<16xf32>,
        tpu.vector_store %arg11[%swap3A_521], %broadcast_in_dim3A_3 {strides = array<i32>} : memref<25088xf32, #tpu.memory_space<vmem>>, vector<16xf32>,
      }
      %scan3A_35 = arith.constant 98 : i32
      %scan3A_36 = arith.constant 0 : i32
      %scan3A_37 = arith.constant 0 : i32
      %scan3A_38 = arith.constant 98 : i32
      %scan3A_39 = arith.addi %scan3A_37, %scan3A_38 : i32
      %scan3A_40 = arith.constant 1 : i32
      scf.for %scan3A_457 = %scan3A_37 to %scan3A_39 step %scan3A_40  : i32 {
        %mul3A_458 = arith.constant 256 : i32
        %mul3A_459 = arith.muli %scan3A_457, %mul3A_458 : i32
        %add3A_460 = arith.constant 0 : i32
        %add3A_461 = arith.addi %mul3A_459, %add3A_460 : i32
        %swap3A = arith.index_cast %add3A_461 : i32 to index
        %swap3A_462 = tpu.vector_load %arg12[%swap3A] {strides = array<i32>} : memref<25088xf32, #tpu.memory_space<vmem>>, vector<16xf32>,
        tpu.vector_store %arg12[%swap3A], %broadcast_in_dim3A_3 {strides = array<i32>} : memref<25088xf32, #tpu.memory_space<vmem>>, vector<16xf32>,
        %add3A_463 = arith.constant 16 : i32
        %add3A_464 = arith.addi %mul3A_459, %add3A_463 : i32
        %swap3A_465 = arith.index_cast %add3A_464 : i32 to index
        %swap3A_466 = tpu.vector_load %arg12[%swap3A_465] {strides = array<i32>} : memref<25088xf32, #tpu.memory_space<vmem>>, vector<16xf32>,
        tpu.vector_store %arg12[%swap3A_465], %broadcast_in_dim3A_3 {strides = array<i32>} : memref<25088xf32, #tpu.memory_space<vmem>>, vector<16xf32>,
        %add3A_467 = arith.constant 32 : i32
        %add3A_468 = arith.addi %mul3A_459, %add3A_467 : i32
        %swap3A_469 = arith.index_cast %add3A_468 : i32 to index
        %swap3A_470 = tpu.vector_load %arg12[%swap3A_469] {strides = array<i32>} : memref<25088xf32, #tpu.memory_space<vmem>>, vector<16xf32>,
        tpu.vector_store %arg12[%swap3A_469], %broadcast_in_dim3A_3 {strides = array<i32>} : memref<25088xf32, #tpu.memory_space<vmem>>, vector<16xf32>,
        %add3A_471 = arith.constant 48 : i32
        %add3A_472 = arith.addi %mul3A_459, %add3A_471 : i32
        %swap3A_473 = arith.index_cast %add3A_472 : i32 to index
        %swap3A_474 = tpu.vector_load %arg12[%swap3A_473] {strides = array<i32>} : memref<25088xf32, #tpu.memory_space<vmem>>, vector<16xf32>,
        tpu.vector_store %arg12[%swap3A_473], %broadcast_in_dim3A_3 {strides = array<i32>} : memref<25088xf32, #tpu.memory_space<vmem>>, vector<16xf32>,
        %add3A_475 = arith.constant 64 : i32
        %add3A_476 = arith.addi %mul3A_459, %add3A_475 : i32
        %swap3A_477 = arith.index_cast %add3A_476 : i32 to index
        %swap3A_478 = tpu.vector_load %arg12[%swap3A_477] {strides = array<i32>} : memref<25088xf32, #tpu.memory_space<vmem>>, vector<16xf32>,
        tpu.vector_store %arg12[%swap3A_477], %broadcast_in_dim3A_3 {strides = array<i32>} : memref<25088xf32, #tpu.memory_space<vmem>>, vector<16xf32>,
        %add3A_479 = arith.constant 80 : i32
        %add3A_480 = arith.addi %mul3A_459, %add3A_479 : i32
        %swap3A_481 = arith.index_cast %add3A_480 : i32 to index
        %swap3A_482 = tpu.vector_load %arg12[%swap3A_481] {strides = array<i32>} : memref<25088xf32, #tpu.memory_space<vmem>>, vector<16xf32>,
        tpu.vector_store %arg12[%swap3A_481], %broadcast_in_dim3A_3 {strides = array<i32>} : memref<25088xf32, #tpu.memory_space<vmem>>, vector<16xf32>,
        %add3A_483 = arith.constant 96 : i32
        %add3A_484 = arith.addi %mul3A_459, %add3A_483 : i32
        %swap3A_485 = arith.index_cast %add3A_484 : i32 to index
        %swap3A_486 = tpu.vector_load %arg12[%swap3A_485] {strides = array<i32>} : memref<25088xf32, #tpu.memory_space<vmem>>, vector<16xf32>,
        tpu.vector_store %arg12[%swap3A_485], %broadcast_in_dim3A_3 {strides = array<i32>} : memref<25088xf32, #tpu.memory_space<vmem>>, vector<16xf32>,
        %add3A_487 = arith.constant 112 : i32
        %add3A_488 = arith.addi %mul3A_459, %add3A_487 : i32
        %swap3A_489 = arith.index_cast %add3A_488 : i32 to index
        %swap3A_490 = tpu.vector_load %arg12[%swap3A_489] {strides = array<i32>} : memref<25088xf32, #tpu.memory_space<vmem>>, vector<16xf32>,
        tpu.vector_store %arg12[%swap3A_489], %broadcast_in_dim3A_3 {strides = array<i32>} : memref<25088xf32, #tpu.memory_space<vmem>>, vector<16xf32>,
        %add3A_491 = arith.constant 128 : i32
        %add3A_492 = arith.addi %mul3A_459, %add3A_491 : i32
        %swap3A_493 = arith.index_cast %add3A_492 : i32 to index
        %swap3A_494 = tpu.vector_load %arg12[%swap3A_493] {strides = array<i32>} : memref<25088xf32, #tpu.memory_space<vmem>>, vector<16xf32>,
        tpu.vector_store %arg12[%swap3A_493], %broadcast_in_dim3A_3 {strides = array<i32>} : memref<25088xf32, #tpu.memory_space<vmem>>, vector<16xf32>,
        %add3A_495 = arith.constant 144 : i32
        %add3A_496 = arith.addi %mul3A_459, %add3A_495 : i32
        %swap3A_497 = arith.index_cast %add3A_496 : i32 to index
        %swap3A_498 = tpu.vector_load %arg12[%swap3A_497] {strides = array<i32>} : memref<25088xf32, #tpu.memory_space<vmem>>, vector<16xf32>,
        tpu.vector_store %arg12[%swap3A_497], %broadcast_in_dim3A_3 {strides = array<i32>} : memref<25088xf32, #tpu.memory_space<vmem>>, vector<16xf32>,
        %add3A_499 = arith.constant 160 : i32
        %add3A_500 = arith.addi %mul3A_459, %add3A_499 : i32
        %swap3A_501 = arith.index_cast %add3A_500 : i32 to index
        %swap3A_502 = tpu.vector_load %arg12[%swap3A_501] {strides = array<i32>} : memref<25088xf32, #tpu.memory_space<vmem>>, vector<16xf32>,
        tpu.vector_store %arg12[%swap3A_501], %broadcast_in_dim3A_3 {strides = array<i32>} : memref<25088xf32, #tpu.memory_space<vmem>>, vector<16xf32>,
        %add3A_503 = arith.constant 176 : i32
        %add3A_504 = arith.addi %mul3A_459, %add3A_503 : i32
        %swap3A_505 = arith.index_cast %add3A_504 : i32 to index
        %swap3A_506 = tpu.vector_load %arg12[%swap3A_505] {strides = array<i32>} : memref<25088xf32, #tpu.memory_space<vmem>>, vector<16xf32>,
        tpu.vector_store %arg12[%swap3A_505], %broadcast_in_dim3A_3 {strides = array<i32>} : memref<25088xf32, #tpu.memory_space<vmem>>, vector<16xf32>,
        %add3A_507 = arith.constant 192 : i32
        %add3A_508 = arith.addi %mul3A_459, %add3A_507 : i32
        %swap3A_509 = arith.index_cast %add3A_508 : i32 to index
        %swap3A_510 = tpu.vector_load %arg12[%swap3A_509] {strides = array<i32>} : memref<25088xf32, #tpu.memory_space<vmem>>, vector<16xf32>,
        tpu.vector_store %arg12[%swap3A_509], %broadcast_in_dim3A_3 {strides = array<i32>} : memref<25088xf32, #tpu.memory_space<vmem>>, vector<16xf32>,
        %add3A_511 = arith.constant 208 : i32
        %add3A_512 = arith.addi %mul3A_459, %add3A_511 : i32
        %swap3A_513 = arith.index_cast %add3A_512 : i32 to index
        %swap3A_514 = tpu.vector_load %arg12[%swap3A_513] {strides = array<i32>} : memref<25088xf32, #tpu.memory_space<vmem>>, vector<16xf32>,
        tpu.vector_store %arg12[%swap3A_513], %broadcast_in_dim3A_3 {strides = array<i32>} : memref<25088xf32, #tpu.memory_space<vmem>>, vector<16xf32>,
        %add3A_515 = arith.constant 224 : i32
        %add3A_516 = arith.addi %mul3A_459, %add3A_515 : i32
        %swap3A_517 = arith.index_cast %add3A_516 : i32 to index
        %swap3A_518 = tpu.vector_load %arg12[%swap3A_517] {strides = array<i32>} : memref<25088xf32, #tpu.memory_space<vmem>>, vector<16xf32>,
        tpu.vector_store %arg12[%swap3A_517], %broadcast_in_dim3A_3 {strides = array<i32>} : memref<25088xf32, #tpu.memory_space<vmem>>, vector<16xf32>,
        %add3A_519 = arith.constant 240 : i32
        %add3A_520 = arith.addi %mul3A_459, %add3A_519 : i32
        %swap3A_521 = arith.index_cast %add3A_520 : i32 to index
        %swap3A_522 = tpu.vector_load %arg12[%swap3A_521] {strides = array<i32>} : memref<25088xf32, #tpu.memory_space<vmem>>, vector<16xf32>,
        tpu.vector_store %arg12[%swap3A_521], %broadcast_in_dim3A_3 {strides = array<i32>} : memref<25088xf32, #tpu.memory_space<vmem>>, vector<16xf32>,
      }
      %scan3A_41 = arith.constant 98 : i32
      %mul3A_42 = arith.constant 64 : i32
      %mul3A_43 = arith.muli %scan3A_24, %mul3A_42 : i32
      %add3A_44 = arith.constant 0 : i32
      %add3A_45 = arith.addi %mul3A_43, %add3A_44 : i32
      %get3A = arith.index_cast %add3A_45 : i32 to index
      %get3A_46 = tpu.vector_load %arg10[%get3A] {strides = array<i32>} : memref<2048xf32, #tpu.memory_space<vmem>>, vector<16xf32>,
      %get3A_47 = arith.constant 0 : index
      %get3A_48 = tpu.vector_load %arg7[%get3A_47] {strides = array<i32>} : memref<19968xi32, #tpu.memory_space<vmem>>, vector<16xi32>,
      %get3A_49 = arith.constant 0 : index
      %get3A_50 = tpu.vector_load %arg8[%get3A_49] {strides = array<i32>} : memref<19968xf32, #tpu.memory_space<vmem>>, vector<16xf32>,
      %get3A_51 = arith.constant 0 : index
      %get3A_52 = tpu.vector_load %arg9[%get3A_51] {strides = array<i32>} : memref<19968xf32, #tpu.memory_space<vmem>>, vector<16xf32>,
      %mul3A_53 = arith.mulf %get3A_50, %get3A_46 : vector<16xf32>
      %add3A_54 = arith.addf %mul3A_53, %get3A_52 : vector<16xf32>
      %max3A = arith.constant 0.000000e+00 : f32
      %max3A_55 = vector.broadcast %max3A : f32 to vector<16xf32>
      %max3A_56 = arith.maximumf %add3A_54, %max3A_55 : vector<16xf32>
      %get3A_57 = arith.constant 16 : index
      %get3A_58 = tpu.vector_load %arg7[%get3A_57] {strides = array<i32>} : memref<19968xi32, #tpu.memory_space<vmem>>, vector<16xi32>,
      %get3A_59 = arith.constant 16 : index
      %get3A_60 = tpu.vector_load %arg8[%get3A_59] {strides = array<i32>} : memref<19968xf32, #tpu.memory_space<vmem>>, vector<16xf32>,
      %get3A_61 = arith.constant 16 : index
      %get3A_62 = tpu.vector_load %arg9[%get3A_61] {strides = array<i32>} : memref<19968xf32, #tpu.memory_space<vmem>>, vector<16xf32>,
      %mul3A_63 = arith.mulf %get3A_60, %get3A_46 : vector<16xf32>
      %add3A_64 = arith.addf %mul3A_63, %get3A_62 : vector<16xf32>
      %max3A_65 = arith.constant 0.000000e+00 : f32
      %max3A_66 = vector.broadcast %max3A_65 : f32 to vector<16xf32>
      %max3A_67 = arith.maximumf %add3A_64, %max3A_66 : vector<16xf32>
      %get3A_68 = arith.constant 32 : index
      %get3A_69 = tpu.vector_load %arg7[%get3A_68] {strides = array<i32>} : memref<19968xi32, #tpu.memory_space<vmem>>, vector<16xi32>,
      %get3A_70 = arith.constant 32 : index
      %get3A_71 = tpu.vector_load %arg8[%get3A_70] {strides = array<i32>} : memref<19968xf32, #tpu.memory_space<vmem>>, vector<16xf32>,
      %get3A_72 = arith.constant 32 : index
      %get3A_73 = tpu.vector_load %arg9[%get3A_72] {strides = array<i32>} : memref<19968xf32, #tpu.memory_space<vmem>>, vector<16xf32>,
      %mul3A_74 = arith.mulf %get3A_71, %get3A_46 : vector<16xf32>
      %add3A_75 = arith.addf %mul3A_74, %get3A_73 : vector<16xf32>
      %max3A_76 = arith.constant 0.000000e+00 : f32
      %max3A_77 = vector.broadcast %max3A_76 : f32 to vector<16xf32>
      %max3A_78 = arith.maximumf %add3A_75, %max3A_77 : vector<16xf32>
      %get3A_79 = arith.constant 48 : index
      %get3A_80 = tpu.vector_load %arg7[%get3A_79] {strides = array<i32>} : memref<19968xi32, #tpu.memory_space<vmem>>, vector<16xi32>,
      %get3A_81 = arith.constant 48 : index
      %get3A_82 = tpu.vector_load %arg8[%get3A_81] {strides = array<i32>} : memref<19968xf32, #tpu.memory_space<vmem>>, vector<16xf32>,
      %get3A_83 = arith.constant 48 : index
      %get3A_84 = tpu.vector_load %arg9[%get3A_83] {strides = array<i32>} : memref<19968xf32, #tpu.memory_space<vmem>>, vector<16xf32>,
      %mul3A_85 = arith.mulf %get3A_82, %get3A_46 : vector<16xf32>
      %add3A_86 = arith.addf %mul3A_85, %get3A_84 : vector<16xf32>
      %max3A_87 = arith.constant 0.000000e+00 : f32
      %max3A_88 = vector.broadcast %max3A_87 : f32 to vector<16xf32>
      %max3A_89 = arith.maximumf %add3A_86, %max3A_88 : vector<16xf32>
      %get3A_90 = arith.constant 64 : index
      %get3A_91 = tpu.vector_load %arg7[%get3A_90] {strides = array<i32>} : memref<19968xi32, #tpu.memory_space<vmem>>, vector<16xi32>,
      %get3A_92 = arith.constant 64 : index
      %get3A_93 = tpu.vector_load %arg8[%get3A_92] {strides = array<i32>} : memref<19968xf32, #tpu.memory_space<vmem>>, vector<16xf32>,
      %get3A_94 = arith.constant 64 : index
      %get3A_95 = tpu.vector_load %arg9[%get3A_94] {strides = array<i32>} : memref<19968xf32, #tpu.memory_space<vmem>>, vector<16xf32>,
      %mul3A_96 = arith.mulf %get3A_93, %get3A_46 : vector<16xf32>
      %add3A_97 = arith.addf %mul3A_96, %get3A_95 : vector<16xf32>
      %max3A_98 = arith.constant 0.000000e+00 : f32
      %max3A_99 = vector.broadcast %max3A_98 : f32 to vector<16xf32>
      %max3A_100 = arith.maximumf %add3A_97, %max3A_99 : vector<16xf32>
      %get3A_101 = arith.constant 80 : index
      %get3A_102 = tpu.vector_load %arg7[%get3A_101] {strides = array<i32>} : memref<19968xi32, #tpu.memory_space<vmem>>, vector<16xi32>,
      %get3A_103 = arith.constant 80 : index
      %get3A_104 = tpu.vector_load %arg8[%get3A_103] {strides = array<i32>} : memref<19968xf32, #tpu.memory_space<vmem>>, vector<16xf32>,
      %get3A_105 = arith.constant 80 : index
      %get3A_106 = tpu.vector_load %arg9[%get3A_105] {strides = array<i32>} : memref<19968xf32, #tpu.memory_space<vmem>>, vector<16xf32>,
      %mul3A_107 = arith.mulf %get3A_104, %get3A_46 : vector<16xf32>
      %add3A_108 = arith.addf %mul3A_107, %get3A_106 : vector<16xf32>
      %max3A_109 = arith.constant 0.000000e+00 : f32
      %max3A_110 = vector.broadcast %max3A_109 : f32 to vector<16xf32>
      %max3A_111 = arith.maximumf %add3A_108, %max3A_110 : vector<16xf32>
      %get3A_112 = arith.constant 96 : index
      %get3A_113 = tpu.vector_load %arg7[%get3A_112] {strides = array<i32>} : memref<19968xi32, #tpu.memory_space<vmem>>, vector<16xi32>,
      %get3A_114 = arith.constant 96 : index
      %get3A_115 = tpu.vector_load %arg8[%get3A_114] {strides = array<i32>} : memref<19968xf32, #tpu.memory_space<vmem>>, vector<16xf32>,
      %get3A_116 = arith.constant 96 : index
      %get3A_117 = tpu.vector_load %arg9[%get3A_116] {strides = array<i32>} : memref<19968xf32, #tpu.memory_space<vmem>>, vector<16xf32>,
      %mul3A_118 = arith.mulf %get3A_115, %get3A_46 : vector<16xf32>
      %add3A_119 = arith.addf %mul3A_118, %get3A_117 : vector<16xf32>
      %max3A_120 = arith.constant 0.000000e+00 : f32
      %max3A_121 = vector.broadcast %max3A_120 : f32 to vector<16xf32>
      %max3A_122 = arith.maximumf %add3A_119, %max3A_121 : vector<16xf32>
      %get3A_123 = arith.constant 112 : index
      %get3A_124 = tpu.vector_load %arg7[%get3A_123] {strides = array<i32>} : memref<19968xi32, #tpu.memory_space<vmem>>, vector<16xi32>,
      %get3A_125 = arith.constant 112 : index
      %get3A_126 = tpu.vector_load %arg8[%get3A_125] {strides = array<i32>} : memref<19968xf32, #tpu.memory_space<vmem>>, vector<16xf32>,
      %get3A_127 = arith.constant 112 : index
      %get3A_128 = tpu.vector_load %arg9[%get3A_127] {strides = array<i32>} : memref<19968xf32, #tpu.memory_space<vmem>>, vector<16xf32>,
      %mul3A_129 = arith.mulf %get3A_126, %get3A_46 : vector<16xf32>
      %add3A_130 = arith.addf %mul3A_129, %get3A_128 : vector<16xf32>
      %max3A_131 = arith.constant 0.000000e+00 : f32
      %max3A_132 = vector.broadcast %max3A_131 : f32 to vector<16xf32>
      %max3A_133 = arith.maximumf %add3A_130, %max3A_132 : vector<16xf32>
      %scan3A_134 = arith.constant 0 : i32
      %scan3A_135 = arith.constant 100 : i32
      %scan3A_136 = arith.addi %scan3A_134, %scan3A_135 : i32
      %scan3A_137 = arith.constant 1 : i32
      %scan3A_138:16 = scf.for %scan3A_457 = %scan3A_134 to %scan3A_136 step %scan3A_137 iter_args(%scan3A_458 = %get3A_48, %scan3A_459 = %get3A_58, %scan3A_460 = %get3A_69, %scan3A_461 = %get3A_80, %scan3A_462 = %get3A_91, %scan3A_463 = %get3A_102, %scan3A_464 = %get3A_113, %scan3A_465 = %get3A_124, %scan3A_466 = %max3A_56, %scan3A_467 = %max3A_67, %scan3A_468 = %max3A_78, %scan3A_469 = %max3A_89, %scan3A_470 = %max3A_100, %scan3A_471 = %max3A_111, %scan3A_472 = %max3A_122, %scan3A_473 = %max3A_133) -> (vector<16xi32>, vector<16xi32>, vector<16xi32>, vector<16xi32>, vector<16xi32>, vector<16xi32>, vector<16xi32>, vector<16xi32>, vector<16xf32>, vector<16xf32>, vector<16xf32>, vector<16xf32>, vector<16xf32>, vector<16xf32>, vector<16xf32>, vector<16xf32>)  : i32 {
        %lt3A = arith.constant 25088 : i32
        %lt3A_474 = vector.broadcast %lt3A : i32 to vector<16xi32>
        %lt3A_475 = arith.cmpi slt, %scan3A_458, %lt3A_474 : vector<16xi32>
        tpu.vector_store_idx %arg11[%scan3A_458], %scan3A_466 masked %lt3A_475 {add = true} : memref<25088xf32, #tpu.memory_space<vmem>>[vector<16xi32>], vector<16xf32>, vector<16xi1>
        %sub3A = arith.constant 25088 : i32
        %sub3A_476 = vector.broadcast %sub3A : i32 to vector<16xi32>
        %sub3A_477 = arith.subi %scan3A_458, %sub3A_476 : vector<16xi32>
        %ge3A = arith.constant 25088 : i32
        %ge3A_478 = vector.broadcast %ge3A : i32 to vector<16xi32>
        %ge3A_479 = arith.cmpi sge, %scan3A_458, %ge3A_478 : vector<16xi32>
        tpu.vector_store_idx %arg12[%sub3A_477], %scan3A_466 masked %ge3A_479 {add = true} : memref<25088xf32, #tpu.memory_space<vmem>>[vector<16xi32>], vector<16xf32>, vector<16xi1>
        %lt3A_480 = arith.constant 25088 : i32
        %lt3A_481 = vector.broadcast %lt3A_480 : i32 to vector<16xi32>
        %lt3A_482 = arith.cmpi slt, %scan3A_459, %lt3A_481 : vector<16xi32>
        tpu.vector_store_idx %arg11[%scan3A_459], %scan3A_467 masked %lt3A_482 {add = true} : memref<25088xf32, #tpu.memory_space<vmem>>[vector<16xi32>], vector<16xf32>, vector<16xi1>
        %sub3A_483 = arith.constant 25088 : i32
        %sub3A_484 = vector.broadcast %sub3A_483 : i32 to vector<16xi32>
        %sub3A_485 = arith.subi %scan3A_459, %sub3A_484 : vector<16xi32>
        %ge3A_486 = arith.constant 25088 : i32
        %ge3A_487 = vector.broadcast %ge3A_486 : i32 to vector<16xi32>
        %ge3A_488 = arith.cmpi sge, %scan3A_459, %ge3A_487 : vector<16xi32>
        tpu.vector_store_idx %arg12[%sub3A_485], %scan3A_467 masked %ge3A_488 {add = true} : memref<25088xf32, #tpu.memory_space<vmem>>[vector<16xi32>], vector<16xf32>, vector<16xi1>
        %lt3A_489 = arith.constant 25088 : i32
        %lt3A_490 = vector.broadcast %lt3A_489 : i32 to vector<16xi32>
        %lt3A_491 = arith.cmpi slt, %scan3A_460, %lt3A_490 : vector<16xi32>
        tpu.vector_store_idx %arg11[%scan3A_460], %scan3A_468 masked %lt3A_491 {add = true} : memref<25088xf32, #tpu.memory_space<vmem>>[vector<16xi32>], vector<16xf32>, vector<16xi1>
        %sub3A_492 = arith.constant 25088 : i32
        %sub3A_493 = vector.broadcast %sub3A_492 : i32 to vector<16xi32>
        %sub3A_494 = arith.subi %scan3A_460, %sub3A_493 : vector<16xi32>
        %ge3A_495 = arith.constant 25088 : i32
        %ge3A_496 = vector.broadcast %ge3A_495 : i32 to vector<16xi32>
        %ge3A_497 = arith.cmpi sge, %scan3A_460, %ge3A_496 : vector<16xi32>
        tpu.vector_store_idx %arg12[%sub3A_494], %scan3A_468 masked %ge3A_497 {add = true} : memref<25088xf32, #tpu.memory_space<vmem>>[vector<16xi32>], vector<16xf32>, vector<16xi1>
        %lt3A_498 = arith.constant 25088 : i32
        %lt3A_499 = vector.broadcast %lt3A_498 : i32 to vector<16xi32>
        %lt3A_500 = arith.cmpi slt, %scan3A_461, %lt3A_499 : vector<16xi32>
        tpu.vector_store_idx %arg11[%scan3A_461], %scan3A_469 masked %lt3A_500 {add = true} : memref<25088xf32, #tpu.memory_space<vmem>>[vector<16xi32>], vector<16xf32>, vector<16xi1>
        %sub3A_501 = arith.constant 25088 : i32
        %sub3A_502 = vector.broadcast %sub3A_501 : i32 to vector<16xi32>
        %sub3A_503 = arith.subi %scan3A_461, %sub3A_502 : vector<16xi32>
        %ge3A_504 = arith.constant 25088 : i32
        %ge3A_505 = vector.broadcast %ge3A_504 : i32 to vector<16xi32>
        %ge3A_506 = arith.cmpi sge, %scan3A_461, %ge3A_505 : vector<16xi32>
        tpu.vector_store_idx %arg12[%sub3A_503], %scan3A_469 masked %ge3A_506 {add = true} : memref<25088xf32, #tpu.memory_space<vmem>>[vector<16xi32>], vector<16xf32>, vector<16xi1>
        %lt3A_507 = arith.constant 25088 : i32
        %lt3A_508 = vector.broadcast %lt3A_507 : i32 to vector<16xi32>
        %lt3A_509 = arith.cmpi slt, %scan3A_462, %lt3A_508 : vector<16xi32>
        tpu.vector_store_idx %arg11[%scan3A_462], %scan3A_470 masked %lt3A_509 {add = true} : memref<25088xf32, #tpu.memory_space<vmem>>[vector<16xi32>], vector<16xf32>, vector<16xi1>
        %sub3A_510 = arith.constant 25088 : i32
        %sub3A_511 = vector.broadcast %sub3A_510 : i32 to vector<16xi32>
        %sub3A_512 = arith.subi %scan3A_462, %sub3A_511 : vector<16xi32>
        %ge3A_513 = arith.constant 25088 : i32
        %ge3A_514 = vector.broadcast %ge3A_513 : i32 to vector<16xi32>
        %ge3A_515 = arith.cmpi sge, %scan3A_462, %ge3A_514 : vector<16xi32>
        tpu.vector_store_idx %arg12[%sub3A_512], %scan3A_470 masked %ge3A_515 {add = true} : memref<25088xf32, #tpu.memory_space<vmem>>[vector<16xi32>], vector<16xf32>, vector<16xi1>
        %lt3A_516 = arith.constant 25088 : i32
        %lt3A_517 = vector.broadcast %lt3A_516 : i32 to vector<16xi32>
        %lt3A_518 = arith.cmpi slt, %scan3A_463, %lt3A_517 : vector<16xi32>
        tpu.vector_store_idx %arg11[%scan3A_463], %scan3A_471 masked %lt3A_518 {add = true} : memref<25088xf32, #tpu.memory_space<vmem>>[vector<16xi32>], vector<16xf32>, vector<16xi1>
        %sub3A_519 = arith.constant 25088 : i32
        %sub3A_520 = vector.broadcast %sub3A_519 : i32 to vector<16xi32>
        %sub3A_521 = arith.subi %scan3A_463, %sub3A_520 : vector<16xi32>
        %ge3A_522 = arith.constant 25088 : i32
        %ge3A_523 = vector.broadcast %ge3A_522 : i32 to vector<16xi32>
        %ge3A_524 = arith.cmpi sge, %scan3A_463, %ge3A_523 : vector<16xi32>
        tpu.vector_store_idx %arg12[%sub3A_521], %scan3A_471 masked %ge3A_524 {add = true} : memref<25088xf32, #tpu.memory_space<vmem>>[vector<16xi32>], vector<16xf32>, vector<16xi1>
        %lt3A_525 = arith.constant 25088 : i32
        %lt3A_526 = vector.broadcast %lt3A_525 : i32 to vector<16xi32>
        %lt3A_527 = arith.cmpi slt, %scan3A_464, %lt3A_526 : vector<16xi32>
        tpu.vector_store_idx %arg11[%scan3A_464], %scan3A_472 masked %lt3A_527 {add = true} : memref<25088xf32, #tpu.memory_space<vmem>>[vector<16xi32>], vector<16xf32>, vector<16xi1>
        %sub3A_528 = arith.constant 25088 : i32
        %sub3A_529 = vector.broadcast %sub3A_528 : i32 to vector<16xi32>
        %sub3A_530 = arith.subi %scan3A_464, %sub3A_529 : vector<16xi32>
        %ge3A_531 = arith.constant 25088 : i32
        %ge3A_532 = vector.broadcast %ge3A_531 : i32 to vector<16xi32>
        %ge3A_533 = arith.cmpi sge, %scan3A_464, %ge3A_532 : vector<16xi32>
        tpu.vector_store_idx %arg12[%sub3A_530], %scan3A_472 masked %ge3A_533 {add = true} : memref<25088xf32, #tpu.memory_space<vmem>>[vector<16xi32>], vector<16xf32>, vector<16xi1>
        %lt3A_534 = arith.constant 25088 : i32
        %lt3A_535 = vector.broadcast %lt3A_534 : i32 to vector<16xi32>
        %lt3A_536 = arith.cmpi slt, %scan3A_465, %lt3A_535 : vector<16xi32>
        tpu.vector_store_idx %arg11[%scan3A_465], %scan3A_473 masked %lt3A_536 {add = true} : memref<25088xf32, #tpu.memory_space<vmem>>[vector<16xi32>], vector<16xf32>, vector<16xi1>
        %sub3A_537 = arith.constant 25088 : i32
        %sub3A_538 = vector.broadcast %sub3A_537 : i32 to vector<16xi32>
        %sub3A_539 = arith.subi %scan3A_465, %sub3A_538 : vector<16xi32>
        %ge3A_540 = arith.constant 25088 : i32
        %ge3A_541 = vector.broadcast %ge3A_540 : i32 to vector<16xi32>
        %ge3A_542 = arith.cmpi sge, %scan3A_465, %ge3A_541 : vector<16xi32>
        tpu.vector_store_idx %arg12[%sub3A_539], %scan3A_473 masked %ge3A_542 {add = true} : memref<25088xf32, #tpu.memory_space<vmem>>[vector<16xi32>], vector<16xf32>, vector<16xi1>
        %add3A_543 = arith.constant 1 : i32
        %add3A_544 = arith.addi %scan3A_457, %add3A_543 : i32
        %min3A = arith.constant 99 : i32
        %min3A_545 = arith.minsi %add3A_544, %min3A : i32
        %mul3A_546 = arith.constant 128 : i32
        %mul3A_547 = arith.muli %min3A_545, %mul3A_546 : i32
        %add3A_548 = arith.constant 0 : i32
        %add3A_549 = arith.addi %add3A_548, %mul3A_547 : i32
        %add3A_550 = arith.constant 0 : i32
        %add3A_551 = arith.addi %add3A_549, %add3A_550 : i32
        %get3A_552 = arith.index_cast %add3A_551 : i32 to index
        %get3A_553 = tpu.vector_load %arg7[%get3A_552] {strides = array<i32>} : memref<19968xi32, #tpu.memory_space<vmem>>, vector<16xi32>,
        %add3A_554 = arith.constant 0 : i32
        %add3A_555 = arith.addi %add3A_549, %add3A_554 : i32
        %get3A_556 = arith.index_cast %add3A_555 : i32 to index
        %get3A_557 = tpu.vector_load %arg8[%get3A_556] {strides = array<i32>} : memref<19968xf32, #tpu.memory_space<vmem>>, vector<16xf32>,
        %add3A_558 = arith.constant 0 : i32
        %add3A_559 = arith.addi %add3A_549, %add3A_558 : i32
        %get3A_560 = arith.index_cast %add3A_559 : i32 to index
        %get3A_561 = tpu.vector_load %arg9[%get3A_560] {strides = array<i32>} : memref<19968xf32, #tpu.memory_space<vmem>>, vector<16xf32>,
        %mul3A_562 = arith.mulf %get3A_557, %get3A_46 : vector<16xf32>
        %add3A_563 = arith.addf %mul3A_562, %get3A_561 : vector<16xf32>
        %max3A_564 = arith.constant 0.000000e+00 : f32
        %max3A_565 = vector.broadcast %max3A_564 : f32 to vector<16xf32>
        %max3A_566 = arith.maximumf %add3A_563, %max3A_565 : vector<16xf32>
        %add3A_567 = arith.constant 16 : i32
        %add3A_568 = arith.addi %add3A_549, %add3A_567 : i32
        %get3A_569 = arith.index_cast %add3A_568 : i32 to index
        %get3A_570 = tpu.vector_load %arg7[%get3A_569] {strides = array<i32>} : memref<19968xi32, #tpu.memory_space<vmem>>, vector<16xi32>,
        %add3A_571 = arith.constant 16 : i32
        %add3A_572 = arith.addi %add3A_549, %add3A_571 : i32
        %get3A_573 = arith.index_cast %add3A_572 : i32 to index
        %get3A_574 = tpu.vector_load %arg8[%get3A_573] {strides = array<i32>} : memref<19968xf32, #tpu.memory_space<vmem>>, vector<16xf32>,
        %add3A_575 = arith.constant 16 : i32
        %add3A_576 = arith.addi %add3A_549, %add3A_575 : i32
        %get3A_577 = arith.index_cast %add3A_576 : i32 to index
        %get3A_578 = tpu.vector_load %arg9[%get3A_577] {strides = array<i32>} : memref<19968xf32, #tpu.memory_space<vmem>>, vector<16xf32>,
        %mul3A_579 = arith.mulf %get3A_574, %get3A_46 : vector<16xf32>
        %add3A_580 = arith.addf %mul3A_579, %get3A_578 : vector<16xf32>
        %max3A_581 = arith.constant 0.000000e+00 : f32
        %max3A_582 = vector.broadcast %max3A_581 : f32 to vector<16xf32>
        %max3A_583 = arith.maximumf %add3A_580, %max3A_582 : vector<16xf32>
        %add3A_584 = arith.constant 32 : i32
        %add3A_585 = arith.addi %add3A_549, %add3A_584 : i32
        %get3A_586 = arith.index_cast %add3A_585 : i32 to index
        %get3A_587 = tpu.vector_load %arg7[%get3A_586] {strides = array<i32>} : memref<19968xi32, #tpu.memory_space<vmem>>, vector<16xi32>,
        %add3A_588 = arith.constant 32 : i32
        %add3A_589 = arith.addi %add3A_549, %add3A_588 : i32
        %get3A_590 = arith.index_cast %add3A_589 : i32 to index
        %get3A_591 = tpu.vector_load %arg8[%get3A_590] {strides = array<i32>} : memref<19968xf32, #tpu.memory_space<vmem>>, vector<16xf32>,
        %add3A_592 = arith.constant 32 : i32
        %add3A_593 = arith.addi %add3A_549, %add3A_592 : i32
        %get3A_594 = arith.index_cast %add3A_593 : i32 to index
        %get3A_595 = tpu.vector_load %arg9[%get3A_594] {strides = array<i32>} : memref<19968xf32, #tpu.memory_space<vmem>>, vector<16xf32>,
        %mul3A_596 = arith.mulf %get3A_591, %get3A_46 : vector<16xf32>
        %add3A_597 = arith.addf %mul3A_596, %get3A_595 : vector<16xf32>
        %max3A_598 = arith.constant 0.000000e+00 : f32
        %max3A_599 = vector.broadcast %max3A_598 : f32 to vector<16xf32>
        %max3A_600 = arith.maximumf %add3A_597, %max3A_599 : vector<16xf32>
        %add3A_601 = arith.constant 48 : i32
        %add3A_602 = arith.addi %add3A_549, %add3A_601 : i32
        %get3A_603 = arith.index_cast %add3A_602 : i32 to index
        %get3A_604 = tpu.vector_load %arg7[%get3A_603] {strides = array<i32>} : memref<19968xi32, #tpu.memory_space<vmem>>, vector<16xi32>,
        %add3A_605 = arith.constant 48 : i32
        %add3A_606 = arith.addi %add3A_549, %add3A_605 : i32
        %get3A_607 = arith.index_cast %add3A_606 : i32 to index
        %get3A_608 = tpu.vector_load %arg8[%get3A_607] {strides = array<i32>} : memref<19968xf32, #tpu.memory_space<vmem>>, vector<16xf32>,
        %add3A_609 = arith.constant 48 : i32
        %add3A_610 = arith.addi %add3A_549, %add3A_609 : i32
        %get3A_611 = arith.index_cast %add3A_610 : i32 to index
        %get3A_612 = tpu.vector_load %arg9[%get3A_611] {strides = array<i32>} : memref<19968xf32, #tpu.memory_space<vmem>>, vector<16xf32>,
        %mul3A_613 = arith.mulf %get3A_608, %get3A_46 : vector<16xf32>
        %add3A_614 = arith.addf %mul3A_613, %get3A_612 : vector<16xf32>
        %max3A_615 = arith.constant 0.000000e+00 : f32
        %max3A_616 = vector.broadcast %max3A_615 : f32 to vector<16xf32>
        %max3A_617 = arith.maximumf %add3A_614, %max3A_616 : vector<16xf32>
        %add3A_618 = arith.constant 64 : i32
        %add3A_619 = arith.addi %add3A_549, %add3A_618 : i32
        %get3A_620 = arith.index_cast %add3A_619 : i32 to index
        %get3A_621 = tpu.vector_load %arg7[%get3A_620] {strides = array<i32>} : memref<19968xi32, #tpu.memory_space<vmem>>, vector<16xi32>,
        %add3A_622 = arith.constant 64 : i32
        %add3A_623 = arith.addi %add3A_549, %add3A_622 : i32
        %get3A_624 = arith.index_cast %add3A_623 : i32 to index
        %get3A_625 = tpu.vector_load %arg8[%get3A_624] {strides = array<i32>} : memref<19968xf32, #tpu.memory_space<vmem>>, vector<16xf32>,
        %add3A_626 = arith.constant 64 : i32
        %add3A_627 = arith.addi %add3A_549, %add3A_626 : i32
        %get3A_628 = arith.index_cast %add3A_627 : i32 to index
        %get3A_629 = tpu.vector_load %arg9[%get3A_628] {strides = array<i32>} : memref<19968xf32, #tpu.memory_space<vmem>>, vector<16xf32>,
        %mul3A_630 = arith.mulf %get3A_625, %get3A_46 : vector<16xf32>
        %add3A_631 = arith.addf %mul3A_630, %get3A_629 : vector<16xf32>
        %max3A_632 = arith.constant 0.000000e+00 : f32
        %max3A_633 = vector.broadcast %max3A_632 : f32 to vector<16xf32>
        %max3A_634 = arith.maximumf %add3A_631, %max3A_633 : vector<16xf32>
        %add3A_635 = arith.constant 80 : i32
        %add3A_636 = arith.addi %add3A_549, %add3A_635 : i32
        %get3A_637 = arith.index_cast %add3A_636 : i32 to index
        %get3A_638 = tpu.vector_load %arg7[%get3A_637] {strides = array<i32>} : memref<19968xi32, #tpu.memory_space<vmem>>, vector<16xi32>,
        %add3A_639 = arith.constant 80 : i32
        %add3A_640 = arith.addi %add3A_549, %add3A_639 : i32
        %get3A_641 = arith.index_cast %add3A_640 : i32 to index
        %get3A_642 = tpu.vector_load %arg8[%get3A_641] {strides = array<i32>} : memref<19968xf32, #tpu.memory_space<vmem>>, vector<16xf32>,
        %add3A_643 = arith.constant 80 : i32
        %add3A_644 = arith.addi %add3A_549, %add3A_643 : i32
        %get3A_645 = arith.index_cast %add3A_644 : i32 to index
        %get3A_646 = tpu.vector_load %arg9[%get3A_645] {strides = array<i32>} : memref<19968xf32, #tpu.memory_space<vmem>>, vector<16xf32>,
        %mul3A_647 = arith.mulf %get3A_642, %get3A_46 : vector<16xf32>
        %add3A_648 = arith.addf %mul3A_647, %get3A_646 : vector<16xf32>
        %max3A_649 = arith.constant 0.000000e+00 : f32
        %max3A_650 = vector.broadcast %max3A_649 : f32 to vector<16xf32>
        %max3A_651 = arith.maximumf %add3A_648, %max3A_650 : vector<16xf32>
        %add3A_652 = arith.constant 96 : i32
        %add3A_653 = arith.addi %add3A_549, %add3A_652 : i32
        %get3A_654 = arith.index_cast %add3A_653 : i32 to index
        %get3A_655 = tpu.vector_load %arg7[%get3A_654] {strides = array<i32>} : memref<19968xi32, #tpu.memory_space<vmem>>, vector<16xi32>,
        %add3A_656 = arith.constant 96 : i32
        %add3A_657 = arith.addi %add3A_549, %add3A_656 : i32
        %get3A_658 = arith.index_cast %add3A_657 : i32 to index
        %get3A_659 = tpu.vector_load %arg8[%get3A_658] {strides = array<i32>} : memref<19968xf32, #tpu.memory_space<vmem>>, vector<16xf32>,
        %add3A_660 = arith.constant 96 : i32
        %add3A_661 = arith.addi %add3A_549, %add3A_660 : i32
        %get3A_662 = arith.index_cast %add3A_661 : i32 to index
        %get3A_663 = tpu.vector_load %arg9[%get3A_662] {strides = array<i32>} : memref<19968xf32, #tpu.memory_space<vmem>>, vector<16xf32>,
        %mul3A_664 = arith.mulf %get3A_659, %get3A_46 : vector<16xf32>
        %add3A_665 = arith.addf %mul3A_664, %get3A_663 : vector<16xf32>
        %max3A_666 = arith.constant 0.000000e+00 : f32
        %max3A_667 = vector.broadcast %max3A_666 : f32 to vector<16xf32>
        %max3A_668 = arith.maximumf %add3A_665, %max3A_667 : vector<16xf32>
        %add3A_669 = arith.constant 112 : i32
        %add3A_670 = arith.addi %add3A_549, %add3A_669 : i32
        %get3A_671 = arith.index_cast %add3A_670 : i32 to index
        %get3A_672 = tpu.vector_load %arg7[%get3A_671] {strides = array<i32>} : memref<19968xi32, #tpu.memory_space<vmem>>, vector<16xi32>,
        %add3A_673 = arith.constant 112 : i32
        %add3A_674 = arith.addi %add3A_549, %add3A_673 : i32
        %get3A_675 = arith.index_cast %add3A_674 : i32 to index
        %get3A_676 = tpu.vector_load %arg8[%get3A_675] {strides = array<i32>} : memref<19968xf32, #tpu.memory_space<vmem>>, vector<16xf32>,
        %add3A_677 = arith.constant 112 : i32
        %add3A_678 = arith.addi %add3A_549, %add3A_677 : i32
        %get3A_679 = arith.index_cast %add3A_678 : i32 to index
        %get3A_680 = tpu.vector_load %arg9[%get3A_679] {strides = array<i32>} : memref<19968xf32, #tpu.memory_space<vmem>>, vector<16xf32>,
        %mul3A_681 = arith.mulf %get3A_676, %get3A_46 : vector<16xf32>
        %add3A_682 = arith.addf %mul3A_681, %get3A_680 : vector<16xf32>
        %max3A_683 = arith.constant 0.000000e+00 : f32
        %max3A_684 = vector.broadcast %max3A_683 : f32 to vector<16xf32>
        %max3A_685 = arith.maximumf %add3A_682, %max3A_684 : vector<16xf32>
        scf.yield %get3A_553, %get3A_570, %get3A_587, %get3A_604, %get3A_621, %get3A_638, %get3A_655, %get3A_672, %max3A_566, %max3A_583, %max3A_600, %max3A_617, %max3A_634, %max3A_651, %max3A_668, %max3A_685 : vector<16xi32>, vector<16xi32>, vector<16xi32>, vector<16xi32>, vector<16xi32>, vector<16xi32>, vector<16xi32>, vector<16xi32>, vector<16xf32>, vector<16xf32>, vector<16xf32>, vector<16xf32>, vector<16xf32>, vector<16xf32>, vector<16xf32>, vector<16xf32>
      }
      %scan3A_139 = arith.constant 100 : i32
      %mul3A_140 = arith.constant 64 : i32
      %mul3A_141 = arith.muli %scan3A_24, %mul3A_140 : i32
      %add3A_142 = arith.constant 16 : i32
      %add3A_143 = arith.addi %mul3A_141, %add3A_142 : i32
      %get3A_144 = arith.index_cast %add3A_143 : i32 to index
      %get3A_145 = tpu.vector_load %arg10[%get3A_144] {strides = array<i32>} : memref<2048xf32, #tpu.memory_space<vmem>>, vector<16xf32>,
      %get3A_146 = arith.constant 12800 : index
      %get3A_147 = tpu.vector_load %arg7[%get3A_146] {strides = array<i32>} : memref<19968xi32, #tpu.memory_space<vmem>>, vector<16xi32>,
      %get3A_148 = arith.constant 12800 : index
      %get3A_149 = tpu.vector_load %arg8[%get3A_148] {strides = array<i32>} : memref<19968xf32, #tpu.memory_space<vmem>>, vector<16xf32>,
      %get3A_150 = arith.constant 12800 : index
      %get3A_151 = tpu.vector_load %arg9[%get3A_150] {strides = array<i32>} : memref<19968xf32, #tpu.memory_space<vmem>>, vector<16xf32>,
      %mul3A_152 = arith.mulf %get3A_149, %get3A_145 : vector<16xf32>
      %add3A_153 = arith.addf %mul3A_152, %get3A_151 : vector<16xf32>
      %max3A_154 = arith.constant 0.000000e+00 : f32
      %max3A_155 = vector.broadcast %max3A_154 : f32 to vector<16xf32>
      %max3A_156 = arith.maximumf %add3A_153, %max3A_155 : vector<16xf32>
      %get3A_157 = arith.constant 12816 : index
      %get3A_158 = tpu.vector_load %arg7[%get3A_157] {strides = array<i32>} : memref<19968xi32, #tpu.memory_space<vmem>>, vector<16xi32>,
      %get3A_159 = arith.constant 12816 : index
      %get3A_160 = tpu.vector_load %arg8[%get3A_159] {strides = array<i32>} : memref<19968xf32, #tpu.memory_space<vmem>>, vector<16xf32>,
      %get3A_161 = arith.constant 12816 : index
      %get3A_162 = tpu.vector_load %arg9[%get3A_161] {strides = array<i32>} : memref<19968xf32, #tpu.memory_space<vmem>>, vector<16xf32>,
      %mul3A_163 = arith.mulf %get3A_160, %get3A_145 : vector<16xf32>
      %add3A_164 = arith.addf %mul3A_163, %get3A_162 : vector<16xf32>
      %max3A_165 = arith.constant 0.000000e+00 : f32
      %max3A_166 = vector.broadcast %max3A_165 : f32 to vector<16xf32>
      %max3A_167 = arith.maximumf %add3A_164, %max3A_166 : vector<16xf32>
      %get3A_168 = arith.constant 12832 : index
      %get3A_169 = tpu.vector_load %arg7[%get3A_168] {strides = array<i32>} : memref<19968xi32, #tpu.memory_space<vmem>>, vector<16xi32>,
      %get3A_170 = arith.constant 12832 : index
      %get3A_171 = tpu.vector_load %arg8[%get3A_170] {strides = array<i32>} : memref<19968xf32, #tpu.memory_space<vmem>>, vector<16xf32>,
      %get3A_172 = arith.constant 12832 : index
      %get3A_173 = tpu.vector_load %arg9[%get3A_172] {strides = array<i32>} : memref<19968xf32, #tpu.memory_space<vmem>>, vector<16xf32>,
      %mul3A_174 = arith.mulf %get3A_171, %get3A_145 : vector<16xf32>
      %add3A_175 = arith.addf %mul3A_174, %get3A_173 : vector<16xf32>
      %max3A_176 = arith.constant 0.000000e+00 : f32
      %max3A_177 = vector.broadcast %max3A_176 : f32 to vector<16xf32>
      %max3A_178 = arith.maximumf %add3A_175, %max3A_177 : vector<16xf32>
      %get3A_179 = arith.constant 12848 : index
      %get3A_180 = tpu.vector_load %arg7[%get3A_179] {strides = array<i32>} : memref<19968xi32, #tpu.memory_space<vmem>>, vector<16xi32>,
      %get3A_181 = arith.constant 12848 : index
      %get3A_182 = tpu.vector_load %arg8[%get3A_181] {strides = array<i32>} : memref<19968xf32, #tpu.memory_space<vmem>>, vector<16xf32>,
      %get3A_183 = arith.constant 12848 : index
      %get3A_184 = tpu.vector_load %arg9[%get3A_183] {strides = array<i32>} : memref<19968xf32, #tpu.memory_space<vmem>>, vector<16xf32>,
      %mul3A_185 = arith.mulf %get3A_182, %get3A_145 : vector<16xf32>
      %add3A_186 = arith.addf %mul3A_185, %get3A_184 : vector<16xf32>
      %max3A_187 = arith.constant 0.000000e+00 : f32
      %max3A_188 = vector.broadcast %max3A_187 : f32 to vector<16xf32>
      %max3A_189 = arith.maximumf %add3A_186, %max3A_188 : vector<16xf32>
      %get3A_190 = arith.constant 12864 : index
      %get3A_191 = tpu.vector_load %arg7[%get3A_190] {strides = array<i32>} : memref<19968xi32, #tpu.memory_space<vmem>>, vector<16xi32>,
      %get3A_192 = arith.constant 12864 : index
      %get3A_193 = tpu.vector_load %arg8[%get3A_192] {strides = array<i32>} : memref<19968xf32, #tpu.memory_space<vmem>>, vector<16xf32>,
      %get3A_194 = arith.constant 12864 : index
      %get3A_195 = tpu.vector_load %arg9[%get3A_194] {strides = array<i32>} : memref<19968xf32, #tpu.memory_space<vmem>>, vector<16xf32>,
      %mul3A_196 = arith.mulf %get3A_193, %get3A_145 : vector<16xf32>
      %add3A_197 = arith.addf %mul3A_196, %get3A_195 : vector<16xf32>
      %max3A_198 = arith.constant 0.000000e+00 : f32
      %max3A_199 = vector.broadcast %max3A_198 : f32 to vector<16xf32>
      %max3A_200 = arith.maximumf %add3A_197, %max3A_199 : vector<16xf32>
      %get3A_201 = arith.constant 12880 : index
      %get3A_202 = tpu.vector_load %arg7[%get3A_201] {strides = array<i32>} : memref<19968xi32, #tpu.memory_space<vmem>>, vector<16xi32>,
      %get3A_203 = arith.constant 12880 : index
      %get3A_204 = tpu.vector_load %arg8[%get3A_203] {strides = array<i32>} : memref<19968xf32, #tpu.memory_space<vmem>>, vector<16xf32>,
      %get3A_205 = arith.constant 12880 : index
      %get3A_206 = tpu.vector_load %arg9[%get3A_205] {strides = array<i32>} : memref<19968xf32, #tpu.memory_space<vmem>>, vector<16xf32>,
      %mul3A_207 = arith.mulf %get3A_204, %get3A_145 : vector<16xf32>
      %add3A_208 = arith.addf %mul3A_207, %get3A_206 : vector<16xf32>
      %max3A_209 = arith.constant 0.000000e+00 : f32
      %max3A_210 = vector.broadcast %max3A_209 : f32 to vector<16xf32>
      %max3A_211 = arith.maximumf %add3A_208, %max3A_210 : vector<16xf32>
      %get3A_212 = arith.constant 12896 : index
      %get3A_213 = tpu.vector_load %arg7[%get3A_212] {strides = array<i32>} : memref<19968xi32, #tpu.memory_space<vmem>>, vector<16xi32>,
      %get3A_214 = arith.constant 12896 : index
      %get3A_215 = tpu.vector_load %arg8[%get3A_214] {strides = array<i32>} : memref<19968xf32, #tpu.memory_space<vmem>>, vector<16xf32>,
      %get3A_216 = arith.constant 12896 : index
      %get3A_217 = tpu.vector_load %arg9[%get3A_216] {strides = array<i32>} : memref<19968xf32, #tpu.memory_space<vmem>>, vector<16xf32>,
      %mul3A_218 = arith.mulf %get3A_215, %get3A_145 : vector<16xf32>
      %add3A_219 = arith.addf %mul3A_218, %get3A_217 : vector<16xf32>
      %max3A_220 = arith.constant 0.000000e+00 : f32
      %max3A_221 = vector.broadcast %max3A_220 : f32 to vector<16xf32>
      %max3A_222 = arith.maximumf %add3A_219, %max3A_221 : vector<16xf32>
      %get3A_223 = arith.constant 12912 : index
      %get3A_224 = tpu.vector_load %arg7[%get3A_223] {strides = array<i32>} : memref<19968xi32, #tpu.memory_space<vmem>>, vector<16xi32>,
      %get3A_225 = arith.constant 12912 : index
      %get3A_226 = tpu.vector_load %arg8[%get3A_225] {strides = array<i32>} : memref<19968xf32, #tpu.memory_space<vmem>>, vector<16xf32>,
      %get3A_227 = arith.constant 12912 : index
      %get3A_228 = tpu.vector_load %arg9[%get3A_227] {strides = array<i32>} : memref<19968xf32, #tpu.memory_space<vmem>>, vector<16xf32>,
      %mul3A_229 = arith.mulf %get3A_226, %get3A_145 : vector<16xf32>
      %add3A_230 = arith.addf %mul3A_229, %get3A_228 : vector<16xf32>
      %max3A_231 = arith.constant 0.000000e+00 : f32
      %max3A_232 = vector.broadcast %max3A_231 : f32 to vector<16xf32>
      %max3A_233 = arith.maximumf %add3A_230, %max3A_232 : vector<16xf32>
      %scan3A_234 = arith.constant 0 : i32
      %scan3A_235 = arith.constant 16 : i32
      %scan3A_236 = arith.addi %scan3A_234, %scan3A_235 : i32
      %scan3A_237 = arith.constant 1 : i32
      %scan3A_238:16 = scf.for %scan3A_457 = %scan3A_234 to %scan3A_236 step %scan3A_237 iter_args(%scan3A_458 = %get3A_147, %scan3A_459 = %get3A_158, %scan3A_460 = %get3A_169, %scan3A_461 = %get3A_180, %scan3A_462 = %get3A_191, %scan3A_463 = %get3A_202, %scan3A_464 = %get3A_213, %scan3A_465 = %get3A_224, %scan3A_466 = %max3A_156, %scan3A_467 = %max3A_167, %scan3A_468 = %max3A_178, %scan3A_469 = %max3A_189, %scan3A_470 = %max3A_200, %scan3A_471 = %max3A_211, %scan3A_472 = %max3A_222, %scan3A_473 = %max3A_233) -> (vector<16xi32>, vector<16xi32>, vector<16xi32>, vector<16xi32>, vector<16xi32>, vector<16xi32>, vector<16xi32>, vector<16xi32>, vector<16xf32>, vector<16xf32>, vector<16xf32>, vector<16xf32>, vector<16xf32>, vector<16xf32>, vector<16xf32>, vector<16xf32>)  : i32 {
        %lt3A = arith.constant 25088 : i32
        %lt3A_474 = vector.broadcast %lt3A : i32 to vector<16xi32>
        %lt3A_475 = arith.cmpi slt, %scan3A_458, %lt3A_474 : vector<16xi32>
        tpu.vector_store_idx %arg11[%scan3A_458], %scan3A_466 masked %lt3A_475 {add = true} : memref<25088xf32, #tpu.memory_space<vmem>>[vector<16xi32>], vector<16xf32>, vector<16xi1>
        %sub3A = arith.constant 25088 : i32
        %sub3A_476 = vector.broadcast %sub3A : i32 to vector<16xi32>
        %sub3A_477 = arith.subi %scan3A_458, %sub3A_476 : vector<16xi32>
        %ge3A = arith.constant 25088 : i32
        %ge3A_478 = vector.broadcast %ge3A : i32 to vector<16xi32>
        %ge3A_479 = arith.cmpi sge, %scan3A_458, %ge3A_478 : vector<16xi32>
        tpu.vector_store_idx %arg12[%sub3A_477], %scan3A_466 masked %ge3A_479 {add = true} : memref<25088xf32, #tpu.memory_space<vmem>>[vector<16xi32>], vector<16xf32>, vector<16xi1>
        %lt3A_480 = arith.constant 25088 : i32
        %lt3A_481 = vector.broadcast %lt3A_480 : i32 to vector<16xi32>
        %lt3A_482 = arith.cmpi slt, %scan3A_459, %lt3A_481 : vector<16xi32>
        tpu.vector_store_idx %arg11[%scan3A_459], %scan3A_467 masked %lt3A_482 {add = true} : memref<25088xf32, #tpu.memory_space<vmem>>[vector<16xi32>], vector<16xf32>, vector<16xi1>
        %sub3A_483 = arith.constant 25088 : i32
        %sub3A_484 = vector.broadcast %sub3A_483 : i32 to vector<16xi32>
        %sub3A_485 = arith.subi %scan3A_459, %sub3A_484 : vector<16xi32>
        %ge3A_486 = arith.constant 25088 : i32
        %ge3A_487 = vector.broadcast %ge3A_486 : i32 to vector<16xi32>
        %ge3A_488 = arith.cmpi sge, %scan3A_459, %ge3A_487 : vector<16xi32>
        tpu.vector_store_idx %arg12[%sub3A_485], %scan3A_467 masked %ge3A_488 {add = true} : memref<25088xf32, #tpu.memory_space<vmem>>[vector<16xi32>], vector<16xf32>, vector<16xi1>
        %lt3A_489 = arith.constant 25088 : i32
        %lt3A_490 = vector.broadcast %lt3A_489 : i32 to vector<16xi32>
        %lt3A_491 = arith.cmpi slt, %scan3A_460, %lt3A_490 : vector<16xi32>
        tpu.vector_store_idx %arg11[%scan3A_460], %scan3A_468 masked %lt3A_491 {add = true} : memref<25088xf32, #tpu.memory_space<vmem>>[vector<16xi32>], vector<16xf32>, vector<16xi1>
        %sub3A_492 = arith.constant 25088 : i32
        %sub3A_493 = vector.broadcast %sub3A_492 : i32 to vector<16xi32>
        %sub3A_494 = arith.subi %scan3A_460, %sub3A_493 : vector<16xi32>
        %ge3A_495 = arith.constant 25088 : i32
        %ge3A_496 = vector.broadcast %ge3A_495 : i32 to vector<16xi32>
        %ge3A_497 = arith.cmpi sge, %scan3A_460, %ge3A_496 : vector<16xi32>
        tpu.vector_store_idx %arg12[%sub3A_494], %scan3A_468 masked %ge3A_497 {add = true} : memref<25088xf32, #tpu.memory_space<vmem>>[vector<16xi32>], vector<16xf32>, vector<16xi1>
        %lt3A_498 = arith.constant 25088 : i32
        %lt3A_499 = vector.broadcast %lt3A_498 : i32 to vector<16xi32>
        %lt3A_500 = arith.cmpi slt, %scan3A_461, %lt3A_499 : vector<16xi32>
        tpu.vector_store_idx %arg11[%scan3A_461], %scan3A_469 masked %lt3A_500 {add = true} : memref<25088xf32, #tpu.memory_space<vmem>>[vector<16xi32>], vector<16xf32>, vector<16xi1>
        %sub3A_501 = arith.constant 25088 : i32
        %sub3A_502 = vector.broadcast %sub3A_501 : i32 to vector<16xi32>
        %sub3A_503 = arith.subi %scan3A_461, %sub3A_502 : vector<16xi32>
        %ge3A_504 = arith.constant 25088 : i32
        %ge3A_505 = vector.broadcast %ge3A_504 : i32 to vector<16xi32>
        %ge3A_506 = arith.cmpi sge, %scan3A_461, %ge3A_505 : vector<16xi32>
        tpu.vector_store_idx %arg12[%sub3A_503], %scan3A_469 masked %ge3A_506 {add = true} : memref<25088xf32, #tpu.memory_space<vmem>>[vector<16xi32>], vector<16xf32>, vector<16xi1>
        %lt3A_507 = arith.constant 25088 : i32
        %lt3A_508 = vector.broadcast %lt3A_507 : i32 to vector<16xi32>
        %lt3A_509 = arith.cmpi slt, %scan3A_462, %lt3A_508 : vector<16xi32>
        tpu.vector_store_idx %arg11[%scan3A_462], %scan3A_470 masked %lt3A_509 {add = true} : memref<25088xf32, #tpu.memory_space<vmem>>[vector<16xi32>], vector<16xf32>, vector<16xi1>
        %sub3A_510 = arith.constant 25088 : i32
        %sub3A_511 = vector.broadcast %sub3A_510 : i32 to vector<16xi32>
        %sub3A_512 = arith.subi %scan3A_462, %sub3A_511 : vector<16xi32>
        %ge3A_513 = arith.constant 25088 : i32
        %ge3A_514 = vector.broadcast %ge3A_513 : i32 to vector<16xi32>
        %ge3A_515 = arith.cmpi sge, %scan3A_462, %ge3A_514 : vector<16xi32>
        tpu.vector_store_idx %arg12[%sub3A_512], %scan3A_470 masked %ge3A_515 {add = true} : memref<25088xf32, #tpu.memory_space<vmem>>[vector<16xi32>], vector<16xf32>, vector<16xi1>
        %lt3A_516 = arith.constant 25088 : i32
        %lt3A_517 = vector.broadcast %lt3A_516 : i32 to vector<16xi32>
        %lt3A_518 = arith.cmpi slt, %scan3A_463, %lt3A_517 : vector<16xi32>
        tpu.vector_store_idx %arg11[%scan3A_463], %scan3A_471 masked %lt3A_518 {add = true} : memref<25088xf32, #tpu.memory_space<vmem>>[vector<16xi32>], vector<16xf32>, vector<16xi1>
        %sub3A_519 = arith.constant 25088 : i32
        %sub3A_520 = vector.broadcast %sub3A_519 : i32 to vector<16xi32>
        %sub3A_521 = arith.subi %scan3A_463, %sub3A_520 : vector<16xi32>
        %ge3A_522 = arith.constant 25088 : i32
        %ge3A_523 = vector.broadcast %ge3A_522 : i32 to vector<16xi32>
        %ge3A_524 = arith.cmpi sge, %scan3A_463, %ge3A_523 : vector<16xi32>
        tpu.vector_store_idx %arg12[%sub3A_521], %scan3A_471 masked %ge3A_524 {add = true} : memref<25088xf32, #tpu.memory_space<vmem>>[vector<16xi32>], vector<16xf32>, vector<16xi1>
        %lt3A_525 = arith.constant 25088 : i32
        %lt3A_526 = vector.broadcast %lt3A_525 : i32 to vector<16xi32>
        %lt3A_527 = arith.cmpi slt, %scan3A_464, %lt3A_526 : vector<16xi32>
        tpu.vector_store_idx %arg11[%scan3A_464], %scan3A_472 masked %lt3A_527 {add = true} : memref<25088xf32, #tpu.memory_space<vmem>>[vector<16xi32>], vector<16xf32>, vector<16xi1>
        %sub3A_528 = arith.constant 25088 : i32
        %sub3A_529 = vector.broadcast %sub3A_528 : i32 to vector<16xi32>
        %sub3A_530 = arith.subi %scan3A_464, %sub3A_529 : vector<16xi32>
        %ge3A_531 = arith.constant 25088 : i32
        %ge3A_532 = vector.broadcast %ge3A_531 : i32 to vector<16xi32>
        %ge3A_533 = arith.cmpi sge, %scan3A_464, %ge3A_532 : vector<16xi32>
        tpu.vector_store_idx %arg12[%sub3A_530], %scan3A_472 masked %ge3A_533 {add = true} : memref<25088xf32, #tpu.memory_space<vmem>>[vector<16xi32>], vector<16xf32>, vector<16xi1>
        %lt3A_534 = arith.constant 25088 : i32
        %lt3A_535 = vector.broadcast %lt3A_534 : i32 to vector<16xi32>
        %lt3A_536 = arith.cmpi slt, %scan3A_465, %lt3A_535 : vector<16xi32>
        tpu.vector_store_idx %arg11[%scan3A_465], %scan3A_473 masked %lt3A_536 {add = true} : memref<25088xf32, #tpu.memory_space<vmem>>[vector<16xi32>], vector<16xf32>, vector<16xi1>
        %sub3A_537 = arith.constant 25088 : i32
        %sub3A_538 = vector.broadcast %sub3A_537 : i32 to vector<16xi32>
        %sub3A_539 = arith.subi %scan3A_465, %sub3A_538 : vector<16xi32>
        %ge3A_540 = arith.constant 25088 : i32
        %ge3A_541 = vector.broadcast %ge3A_540 : i32 to vector<16xi32>
        %ge3A_542 = arith.cmpi sge, %scan3A_465, %ge3A_541 : vector<16xi32>
        tpu.vector_store_idx %arg12[%sub3A_539], %scan3A_473 masked %ge3A_542 {add = true} : memref<25088xf32, #tpu.memory_space<vmem>>[vector<16xi32>], vector<16xf32>, vector<16xi1>
        %add3A_543 = arith.constant 1 : i32
        %add3A_544 = arith.addi %scan3A_457, %add3A_543 : i32
        %min3A = arith.constant 15 : i32
        %min3A_545 = arith.minsi %add3A_544, %min3A : i32
        %mul3A_546 = arith.constant 128 : i32
        %mul3A_547 = arith.muli %min3A_545, %mul3A_546 : i32
        %add3A_548 = arith.constant 12800 : i32
        %add3A_549 = arith.addi %add3A_548, %mul3A_547 : i32
        %add3A_550 = arith.constant 0 : i32
        %add3A_551 = arith.addi %add3A_549, %add3A_550 : i32
        %get3A_552 = arith.index_cast %add3A_551 : i32 to index
        %get3A_553 = tpu.vector_load %arg7[%get3A_552] {strides = array<i32>} : memref<19968xi32, #tpu.memory_space<vmem>>, vector<16xi32>,
        %add3A_554 = arith.constant 0 : i32
        %add3A_555 = arith.addi %add3A_549, %add3A_554 : i32
        %get3A_556 = arith.index_cast %add3A_555 : i32 to index
        %get3A_557 = tpu.vector_load %arg8[%get3A_556] {strides = array<i32>} : memref<19968xf32, #tpu.memory_space<vmem>>, vector<16xf32>,
        %add3A_558 = arith.constant 0 : i32
        %add3A_559 = arith.addi %add3A_549, %add3A_558 : i32
        %get3A_560 = arith.index_cast %add3A_559 : i32 to index
        %get3A_561 = tpu.vector_load %arg9[%get3A_560] {strides = array<i32>} : memref<19968xf32, #tpu.memory_space<vmem>>, vector<16xf32>,
        %mul3A_562 = arith.mulf %get3A_557, %get3A_145 : vector<16xf32>
        %add3A_563 = arith.addf %mul3A_562, %get3A_561 : vector<16xf32>
        %max3A_564 = arith.constant 0.000000e+00 : f32
        %max3A_565 = vector.broadcast %max3A_564 : f32 to vector<16xf32>
        %max3A_566 = arith.maximumf %add3A_563, %max3A_565 : vector<16xf32>
        %add3A_567 = arith.constant 16 : i32
        %add3A_568 = arith.addi %add3A_549, %add3A_567 : i32
        %get3A_569 = arith.index_cast %add3A_568 : i32 to index
        %get3A_570 = tpu.vector_load %arg7[%get3A_569] {strides = array<i32>} : memref<19968xi32, #tpu.memory_space<vmem>>, vector<16xi32>,
        %add3A_571 = arith.constant 16 : i32
        %add3A_572 = arith.addi %add3A_549, %add3A_571 : i32
        %get3A_573 = arith.index_cast %add3A_572 : i32 to index
        %get3A_574 = tpu.vector_load %arg8[%get3A_573] {strides = array<i32>} : memref<19968xf32, #tpu.memory_space<vmem>>, vector<16xf32>,
        %add3A_575 = arith.constant 16 : i32
        %add3A_576 = arith.addi %add3A_549, %add3A_575 : i32
        %get3A_577 = arith.index_cast %add3A_576 : i32 to index
        %get3A_578 = tpu.vector_load %arg9[%get3A_577] {strides = array<i32>} : memref<19968xf32, #tpu.memory_space<vmem>>, vector<16xf32>,
        %mul3A_579 = arith.mulf %get3A_574, %get3A_145 : vector<16xf32>
        %add3A_580 = arith.addf %mul3A_579, %get3A_578 : vector<16xf32>
        %max3A_581 = arith.constant 0.000000e+00 : f32
        %max3A_582 = vector.broadcast %max3A_581 : f32 to vector<16xf32>
        %max3A_583 = arith.maximumf %add3A_580, %max3A_582 : vector<16xf32>
        %add3A_584 = arith.constant 32 : i32
        %add3A_585 = arith.addi %add3A_549, %add3A_584 : i32
        %get3A_586 = arith.index_cast %add3A_585 : i32 to index
        %get3A_587 = tpu.vector_load %arg7[%get3A_586] {strides = array<i32>} : memref<19968xi32, #tpu.memory_space<vmem>>, vector<16xi32>,
        %add3A_588 = arith.constant 32 : i32
        %add3A_589 = arith.addi %add3A_549, %add3A_588 : i32
        %get3A_590 = arith.index_cast %add3A_589 : i32 to index
        %get3A_591 = tpu.vector_load %arg8[%get3A_590] {strides = array<i32>} : memref<19968xf32, #tpu.memory_space<vmem>>, vector<16xf32>,
        %add3A_592 = arith.constant 32 : i32
        %add3A_593 = arith.addi %add3A_549, %add3A_592 : i32
        %get3A_594 = arith.index_cast %add3A_593 : i32 to index
        %get3A_595 = tpu.vector_load %arg9[%get3A_594] {strides = array<i32>} : memref<19968xf32, #tpu.memory_space<vmem>>, vector<16xf32>,
        %mul3A_596 = arith.mulf %get3A_591, %get3A_145 : vector<16xf32>
        %add3A_597 = arith.addf %mul3A_596, %get3A_595 : vector<16xf32>
        %max3A_598 = arith.constant 0.000000e+00 : f32
        %max3A_599 = vector.broadcast %max3A_598 : f32 to vector<16xf32>
        %max3A_600 = arith.maximumf %add3A_597, %max3A_599 : vector<16xf32>
        %add3A_601 = arith.constant 48 : i32
        %add3A_602 = arith.addi %add3A_549, %add3A_601 : i32
        %get3A_603 = arith.index_cast %add3A_602 : i32 to index
        %get3A_604 = tpu.vector_load %arg7[%get3A_603] {strides = array<i32>} : memref<19968xi32, #tpu.memory_space<vmem>>, vector<16xi32>,
        %add3A_605 = arith.constant 48 : i32
        %add3A_606 = arith.addi %add3A_549, %add3A_605 : i32
        %get3A_607 = arith.index_cast %add3A_606 : i32 to index
        %get3A_608 = tpu.vector_load %arg8[%get3A_607] {strides = array<i32>} : memref<19968xf32, #tpu.memory_space<vmem>>, vector<16xf32>,
        %add3A_609 = arith.constant 48 : i32
        %add3A_610 = arith.addi %add3A_549, %add3A_609 : i32
        %get3A_611 = arith.index_cast %add3A_610 : i32 to index
        %get3A_612 = tpu.vector_load %arg9[%get3A_611] {strides = array<i32>} : memref<19968xf32, #tpu.memory_space<vmem>>, vector<16xf32>,
        %mul3A_613 = arith.mulf %get3A_608, %get3A_145 : vector<16xf32>
        %add3A_614 = arith.addf %mul3A_613, %get3A_612 : vector<16xf32>
        %max3A_615 = arith.constant 0.000000e+00 : f32
        %max3A_616 = vector.broadcast %max3A_615 : f32 to vector<16xf32>
        %max3A_617 = arith.maximumf %add3A_614, %max3A_616 : vector<16xf32>
        %add3A_618 = arith.constant 64 : i32
        %add3A_619 = arith.addi %add3A_549, %add3A_618 : i32
        %get3A_620 = arith.index_cast %add3A_619 : i32 to index
        %get3A_621 = tpu.vector_load %arg7[%get3A_620] {strides = array<i32>} : memref<19968xi32, #tpu.memory_space<vmem>>, vector<16xi32>,
        %add3A_622 = arith.constant 64 : i32
        %add3A_623 = arith.addi %add3A_549, %add3A_622 : i32
        %get3A_624 = arith.index_cast %add3A_623 : i32 to index
        %get3A_625 = tpu.vector_load %arg8[%get3A_624] {strides = array<i32>} : memref<19968xf32, #tpu.memory_space<vmem>>, vector<16xf32>,
        %add3A_626 = arith.constant 64 : i32
        %add3A_627 = arith.addi %add3A_549, %add3A_626 : i32
        %get3A_628 = arith.index_cast %add3A_627 : i32 to index
        %get3A_629 = tpu.vector_load %arg9[%get3A_628] {strides = array<i32>} : memref<19968xf32, #tpu.memory_space<vmem>>, vector<16xf32>,
        %mul3A_630 = arith.mulf %get3A_625, %get3A_145 : vector<16xf32>
        %add3A_631 = arith.addf %mul3A_630, %get3A_629 : vector<16xf32>
        %max3A_632 = arith.constant 0.000000e+00 : f32
        %max3A_633 = vector.broadcast %max3A_632 : f32 to vector<16xf32>
        %max3A_634 = arith.maximumf %add3A_631, %max3A_633 : vector<16xf32>
        %add3A_635 = arith.constant 80 : i32
        %add3A_636 = arith.addi %add3A_549, %add3A_635 : i32
        %get3A_637 = arith.index_cast %add3A_636 : i32 to index
        %get3A_638 = tpu.vector_load %arg7[%get3A_637] {strides = array<i32>} : memref<19968xi32, #tpu.memory_space<vmem>>, vector<16xi32>,
        %add3A_639 = arith.constant 80 : i32
        %add3A_640 = arith.addi %add3A_549, %add3A_639 : i32
        %get3A_641 = arith.index_cast %add3A_640 : i32 to index
        %get3A_642 = tpu.vector_load %arg8[%get3A_641] {strides = array<i32>} : memref<19968xf32, #tpu.memory_space<vmem>>, vector<16xf32>,
        %add3A_643 = arith.constant 80 : i32
        %add3A_644 = arith.addi %add3A_549, %add3A_643 : i32
        %get3A_645 = arith.index_cast %add3A_644 : i32 to index
        %get3A_646 = tpu.vector_load %arg9[%get3A_645] {strides = array<i32>} : memref<19968xf32, #tpu.memory_space<vmem>>, vector<16xf32>,
        %mul3A_647 = arith.mulf %get3A_642, %get3A_145 : vector<16xf32>
        %add3A_648 = arith.addf %mul3A_647, %get3A_646 : vector<16xf32>
        %max3A_649 = arith.constant 0.000000e+00 : f32
        %max3A_650 = vector.broadcast %max3A_649 : f32 to vector<16xf32>
        %max3A_651 = arith.maximumf %add3A_648, %max3A_650 : vector<16xf32>
        %add3A_652 = arith.constant 96 : i32
        %add3A_653 = arith.addi %add3A_549, %add3A_652 : i32
        %get3A_654 = arith.index_cast %add3A_653 : i32 to index
        %get3A_655 = tpu.vector_load %arg7[%get3A_654] {strides = array<i32>} : memref<19968xi32, #tpu.memory_space<vmem>>, vector<16xi32>,
        %add3A_656 = arith.constant 96 : i32
        %add3A_657 = arith.addi %add3A_549, %add3A_656 : i32
        %get3A_658 = arith.index_cast %add3A_657 : i32 to index
        %get3A_659 = tpu.vector_load %arg8[%get3A_658] {strides = array<i32>} : memref<19968xf32, #tpu.memory_space<vmem>>, vector<16xf32>,
        %add3A_660 = arith.constant 96 : i32
        %add3A_661 = arith.addi %add3A_549, %add3A_660 : i32
        %get3A_662 = arith.index_cast %add3A_661 : i32 to index
        %get3A_663 = tpu.vector_load %arg9[%get3A_662] {strides = array<i32>} : memref<19968xf32, #tpu.memory_space<vmem>>, vector<16xf32>,
        %mul3A_664 = arith.mulf %get3A_659, %get3A_145 : vector<16xf32>
        %add3A_665 = arith.addf %mul3A_664, %get3A_663 : vector<16xf32>
        %max3A_666 = arith.constant 0.000000e+00 : f32
        %max3A_667 = vector.broadcast %max3A_666 : f32 to vector<16xf32>
        %max3A_668 = arith.maximumf %add3A_665, %max3A_667 : vector<16xf32>
        %add3A_669 = arith.constant 112 : i32
        %add3A_670 = arith.addi %add3A_549, %add3A_669 : i32
        %get3A_671 = arith.index_cast %add3A_670 : i32 to index
        %get3A_672 = tpu.vector_load %arg7[%get3A_671] {strides = array<i32>} : memref<19968xi32, #tpu.memory_space<vmem>>, vector<16xi32>,
        %add3A_673 = arith.constant 112 : i32
        %add3A_674 = arith.addi %add3A_549, %add3A_673 : i32
        %get3A_675 = arith.index_cast %add3A_674 : i32 to index
        %get3A_676 = tpu.vector_load %arg8[%get3A_675] {strides = array<i32>} : memref<19968xf32, #tpu.memory_space<vmem>>, vector<16xf32>,
        %add3A_677 = arith.constant 112 : i32
        %add3A_678 = arith.addi %add3A_549, %add3A_677 : i32
        %get3A_679 = arith.index_cast %add3A_678 : i32 to index
        %get3A_680 = tpu.vector_load %arg9[%get3A_679] {strides = array<i32>} : memref<19968xf32, #tpu.memory_space<vmem>>, vector<16xf32>,
        %mul3A_681 = arith.mulf %get3A_676, %get3A_145 : vector<16xf32>
        %add3A_682 = arith.addf %mul3A_681, %get3A_680 : vector<16xf32>
        %max3A_683 = arith.constant 0.000000e+00 : f32
        %max3A_684 = vector.broadcast %max3A_683 : f32 to vector<16xf32>
        %max3A_685 = arith.maximumf %add3A_682, %max3A_684 : vector<16xf32>
        scf.yield %get3A_553, %get3A_570, %get3A_587, %get3A_604, %get3A_621, %get3A_638, %get3A_655, %get3A_672, %max3A_566, %max3A_583, %max3A_600, %max3A_617, %max3A_634, %max3A_651, %max3A_668, %max3A_685 : vector<16xi32>, vector<16xi32>, vector<16xi32>, vector<16xi32>, vector<16xi32>, vector<16xi32>, vector<16xi32>, vector<16xi32>, vector<16xf32>, vector<16xf32>, vector<16xf32>, vector<16xf32>, vector<16xf32>, vector<16xf32>, vector<16xf32>, vector<16xf32>
      }
      %scan3A_239 = arith.constant 16 : i32
      %mul3A_240 = arith.constant 64 : i32
      %mul3A_241 = arith.muli %scan3A_24, %mul3A_240 : i32
      %add3A_242 = arith.constant 32 : i32
      %add3A_243 = arith.addi %mul3A_241, %add3A_242 : i32
      %get3A_244 = arith.index_cast %add3A_243 : i32 to index
      %get3A_245 = tpu.vector_load %arg10[%get3A_244] {strides = array<i32>} : memref<2048xf32, #tpu.memory_space<vmem>>, vector<16xf32>,
      %get3A_246 = arith.constant 14848 : index
      %get3A_247 = tpu.vector_load %arg7[%get3A_246] {strides = array<i32>} : memref<19968xi32, #tpu.memory_space<vmem>>, vector<16xi32>,
      %get3A_248 = arith.constant 14848 : index
      %get3A_249 = tpu.vector_load %arg8[%get3A_248] {strides = array<i32>} : memref<19968xf32, #tpu.memory_space<vmem>>, vector<16xf32>,
      %get3A_250 = arith.constant 14848 : index
      %get3A_251 = tpu.vector_load %arg9[%get3A_250] {strides = array<i32>} : memref<19968xf32, #tpu.memory_space<vmem>>, vector<16xf32>,
      %mul3A_252 = arith.mulf %get3A_249, %get3A_245 : vector<16xf32>
      %add3A_253 = arith.addf %mul3A_252, %get3A_251 : vector<16xf32>
      %max3A_254 = arith.constant 0.000000e+00 : f32
      %max3A_255 = vector.broadcast %max3A_254 : f32 to vector<16xf32>
      %max3A_256 = arith.maximumf %add3A_253, %max3A_255 : vector<16xf32>
      %get3A_257 = arith.constant 14864 : index
      %get3A_258 = tpu.vector_load %arg7[%get3A_257] {strides = array<i32>} : memref<19968xi32, #tpu.memory_space<vmem>>, vector<16xi32>,
      %get3A_259 = arith.constant 14864 : index
      %get3A_260 = tpu.vector_load %arg8[%get3A_259] {strides = array<i32>} : memref<19968xf32, #tpu.memory_space<vmem>>, vector<16xf32>,
      %get3A_261 = arith.constant 14864 : index
      %get3A_262 = tpu.vector_load %arg9[%get3A_261] {strides = array<i32>} : memref<19968xf32, #tpu.memory_space<vmem>>, vector<16xf32>,
      %mul3A_263 = arith.mulf %get3A_260, %get3A_245 : vector<16xf32>
      %add3A_264 = arith.addf %mul3A_263, %get3A_262 : vector<16xf32>
      %max3A_265 = arith.constant 0.000000e+00 : f32
      %max3A_266 = vector.broadcast %max3A_265 : f32 to vector<16xf32>
      %max3A_267 = arith.maximumf %add3A_264, %max3A_266 : vector<16xf32>
      %get3A_268 = arith.constant 14880 : index
      %get3A_269 = tpu.vector_load %arg7[%get3A_268] {strides = array<i32>} : memref<19968xi32, #tpu.memory_space<vmem>>, vector<16xi32>,
      %get3A_270 = arith.constant 14880 : index
      %get3A_271 = tpu.vector_load %arg8[%get3A_270] {strides = array<i32>} : memref<19968xf32, #tpu.memory_space<vmem>>, vector<16xf32>,
      %get3A_272 = arith.constant 14880 : index
      %get3A_273 = tpu.vector_load %arg9[%get3A_272] {strides = array<i32>} : memref<19968xf32, #tpu.memory_space<vmem>>, vector<16xf32>,
      %mul3A_274 = arith.mulf %get3A_271, %get3A_245 : vector<16xf32>
      %add3A_275 = arith.addf %mul3A_274, %get3A_273 : vector<16xf32>
      %max3A_276 = arith.constant 0.000000e+00 : f32
      %max3A_277 = vector.broadcast %max3A_276 : f32 to vector<16xf32>
      %max3A_278 = arith.maximumf %add3A_275, %max3A_277 : vector<16xf32>
      %get3A_279 = arith.constant 14896 : index
      %get3A_280 = tpu.vector_load %arg7[%get3A_279] {strides = array<i32>} : memref<19968xi32, #tpu.memory_space<vmem>>, vector<16xi32>,
      %get3A_281 = arith.constant 14896 : index
      %get3A_282 = tpu.vector_load %arg8[%get3A_281] {strides = array<i32>} : memref<19968xf32, #tpu.memory_space<vmem>>, vector<16xf32>,
      %get3A_283 = arith.constant 14896 : index
      %get3A_284 = tpu.vector_load %arg9[%get3A_283] {strides = array<i32>} : memref<19968xf32, #tpu.memory_space<vmem>>, vector<16xf32>,
      %mul3A_285 = arith.mulf %get3A_282, %get3A_245 : vector<16xf32>
      %add3A_286 = arith.addf %mul3A_285, %get3A_284 : vector<16xf32>
      %max3A_287 = arith.constant 0.000000e+00 : f32
      %max3A_288 = vector.broadcast %max3A_287 : f32 to vector<16xf32>
      %max3A_289 = arith.maximumf %add3A_286, %max3A_288 : vector<16xf32>
      %get3A_290 = arith.constant 14912 : index
      %get3A_291 = tpu.vector_load %arg7[%get3A_290] {strides = array<i32>} : memref<19968xi32, #tpu.memory_space<vmem>>, vector<16xi32>,
      %get3A_292 = arith.constant 14912 : index
      %get3A_293 = tpu.vector_load %arg8[%get3A_292] {strides = array<i32>} : memref<19968xf32, #tpu.memory_space<vmem>>, vector<16xf32>,
      %get3A_294 = arith.constant 14912 : index
      %get3A_295 = tpu.vector_load %arg9[%get3A_294] {strides = array<i32>} : memref<19968xf32, #tpu.memory_space<vmem>>, vector<16xf32>,
      %mul3A_296 = arith.mulf %get3A_293, %get3A_245 : vector<16xf32>
      %add3A_297 = arith.addf %mul3A_296, %get3A_295 : vector<16xf32>
      %max3A_298 = arith.constant 0.000000e+00 : f32
      %max3A_299 = vector.broadcast %max3A_298 : f32 to vector<16xf32>
      %max3A_300 = arith.maximumf %add3A_297, %max3A_299 : vector<16xf32>
      %get3A_301 = arith.constant 14928 : index
      %get3A_302 = tpu.vector_load %arg7[%get3A_301] {strides = array<i32>} : memref<19968xi32, #tpu.memory_space<vmem>>, vector<16xi32>,
      %get3A_303 = arith.constant 14928 : index
      %get3A_304 = tpu.vector_load %arg8[%get3A_303] {strides = array<i32>} : memref<19968xf32, #tpu.memory_space<vmem>>, vector<16xf32>,
      %get3A_305 = arith.constant 14928 : index
      %get3A_306 = tpu.vector_load %arg9[%get3A_305] {strides = array<i32>} : memref<19968xf32, #tpu.memory_space<vmem>>, vector<16xf32>,
      %mul3A_307 = arith.mulf %get3A_304, %get3A_245 : vector<16xf32>
      %add3A_308 = arith.addf %mul3A_307, %get3A_306 : vector<16xf32>
      %max3A_309 = arith.constant 0.000000e+00 : f32
      %max3A_310 = vector.broadcast %max3A_309 : f32 to vector<16xf32>
      %max3A_311 = arith.maximumf %add3A_308, %max3A_310 : vector<16xf32>
      %get3A_312 = arith.constant 14944 : index
      %get3A_313 = tpu.vector_load %arg7[%get3A_312] {strides = array<i32>} : memref<19968xi32, #tpu.memory_space<vmem>>, vector<16xi32>,
      %get3A_314 = arith.constant 14944 : index
      %get3A_315 = tpu.vector_load %arg8[%get3A_314] {strides = array<i32>} : memref<19968xf32, #tpu.memory_space<vmem>>, vector<16xf32>,
      %get3A_316 = arith.constant 14944 : index
      %get3A_317 = tpu.vector_load %arg9[%get3A_316] {strides = array<i32>} : memref<19968xf32, #tpu.memory_space<vmem>>, vector<16xf32>,
      %mul3A_318 = arith.mulf %get3A_315, %get3A_245 : vector<16xf32>
      %add3A_319 = arith.addf %mul3A_318, %get3A_317 : vector<16xf32>
      %max3A_320 = arith.constant 0.000000e+00 : f32
      %max3A_321 = vector.broadcast %max3A_320 : f32 to vector<16xf32>
      %max3A_322 = arith.maximumf %add3A_319, %max3A_321 : vector<16xf32>
      %get3A_323 = arith.constant 14960 : index
      %get3A_324 = tpu.vector_load %arg7[%get3A_323] {strides = array<i32>} : memref<19968xi32, #tpu.memory_space<vmem>>, vector<16xi32>,
      %get3A_325 = arith.constant 14960 : index
      %get3A_326 = tpu.vector_load %arg8[%get3A_325] {strides = array<i32>} : memref<19968xf32, #tpu.memory_space<vmem>>, vector<16xf32>,
      %get3A_327 = arith.constant 14960 : index
      %get3A_328 = tpu.vector_load %arg9[%get3A_327] {strides = array<i32>} : memref<19968xf32, #tpu.memory_space<vmem>>, vector<16xf32>,
      %mul3A_329 = arith.mulf %get3A_326, %get3A_245 : vector<16xf32>
      %add3A_330 = arith.addf %mul3A_329, %get3A_328 : vector<16xf32>
      %max3A_331 = arith.constant 0.000000e+00 : f32
      %max3A_332 = vector.broadcast %max3A_331 : f32 to vector<16xf32>
      %max3A_333 = arith.maximumf %add3A_330, %max3A_332 : vector<16xf32>
      %scan3A_334 = arith.constant 0 : i32
      %scan3A_335 = arith.constant 32 : i32
      %scan3A_336 = arith.addi %scan3A_334, %scan3A_335 : i32
      %scan3A_337 = arith.constant 1 : i32
      %scan3A_338:16 = scf.for %scan3A_457 = %scan3A_334 to %scan3A_336 step %scan3A_337 iter_args(%scan3A_458 = %get3A_247, %scan3A_459 = %get3A_258, %scan3A_460 = %get3A_269, %scan3A_461 = %get3A_280, %scan3A_462 = %get3A_291, %scan3A_463 = %get3A_302, %scan3A_464 = %get3A_313, %scan3A_465 = %get3A_324, %scan3A_466 = %max3A_256, %scan3A_467 = %max3A_267, %scan3A_468 = %max3A_278, %scan3A_469 = %max3A_289, %scan3A_470 = %max3A_300, %scan3A_471 = %max3A_311, %scan3A_472 = %max3A_322, %scan3A_473 = %max3A_333) -> (vector<16xi32>, vector<16xi32>, vector<16xi32>, vector<16xi32>, vector<16xi32>, vector<16xi32>, vector<16xi32>, vector<16xi32>, vector<16xf32>, vector<16xf32>, vector<16xf32>, vector<16xf32>, vector<16xf32>, vector<16xf32>, vector<16xf32>, vector<16xf32>)  : i32 {
        %lt3A = arith.constant 25088 : i32
        %lt3A_474 = vector.broadcast %lt3A : i32 to vector<16xi32>
        %lt3A_475 = arith.cmpi slt, %scan3A_458, %lt3A_474 : vector<16xi32>
        tpu.vector_store_idx %arg11[%scan3A_458], %scan3A_466 masked %lt3A_475 {add = true} : memref<25088xf32, #tpu.memory_space<vmem>>[vector<16xi32>], vector<16xf32>, vector<16xi1>
        %sub3A = arith.constant 25088 : i32
        %sub3A_476 = vector.broadcast %sub3A : i32 to vector<16xi32>
        %sub3A_477 = arith.subi %scan3A_458, %sub3A_476 : vector<16xi32>
        %ge3A = arith.constant 25088 : i32
        %ge3A_478 = vector.broadcast %ge3A : i32 to vector<16xi32>
        %ge3A_479 = arith.cmpi sge, %scan3A_458, %ge3A_478 : vector<16xi32>
        tpu.vector_store_idx %arg12[%sub3A_477], %scan3A_466 masked %ge3A_479 {add = true} : memref<25088xf32, #tpu.memory_space<vmem>>[vector<16xi32>], vector<16xf32>, vector<16xi1>
        %lt3A_480 = arith.constant 25088 : i32
        %lt3A_481 = vector.broadcast %lt3A_480 : i32 to vector<16xi32>
        %lt3A_482 = arith.cmpi slt, %scan3A_459, %lt3A_481 : vector<16xi32>
        tpu.vector_store_idx %arg11[%scan3A_459], %scan3A_467 masked %lt3A_482 {add = true} : memref<25088xf32, #tpu.memory_space<vmem>>[vector<16xi32>], vector<16xf32>, vector<16xi1>
        %sub3A_483 = arith.constant 25088 : i32
        %sub3A_484 = vector.broadcast %sub3A_483 : i32 to vector<16xi32>
        %sub3A_485 = arith.subi %scan3A_459, %sub3A_484 : vector<16xi32>
        %ge3A_486 = arith.constant 25088 : i32
        %ge3A_487 = vector.broadcast %ge3A_486 : i32 to vector<16xi32>
        %ge3A_488 = arith.cmpi sge, %scan3A_459, %ge3A_487 : vector<16xi32>
        tpu.vector_store_idx %arg12[%sub3A_485], %scan3A_467 masked %ge3A_488 {add = true} : memref<25088xf32, #tpu.memory_space<vmem>>[vector<16xi32>], vector<16xf32>, vector<16xi1>
        %lt3A_489 = arith.constant 25088 : i32
        %lt3A_490 = vector.broadcast %lt3A_489 : i32 to vector<16xi32>
        %lt3A_491 = arith.cmpi slt, %scan3A_460, %lt3A_490 : vector<16xi32>
        tpu.vector_store_idx %arg11[%scan3A_460], %scan3A_468 masked %lt3A_491 {add = true} : memref<25088xf32, #tpu.memory_space<vmem>>[vector<16xi32>], vector<16xf32>, vector<16xi1>
        %sub3A_492 = arith.constant 25088 : i32
        %sub3A_493 = vector.broadcast %sub3A_492 : i32 to vector<16xi32>
        %sub3A_494 = arith.subi %scan3A_460, %sub3A_493 : vector<16xi32>
        %ge3A_495 = arith.constant 25088 : i32
        %ge3A_496 = vector.broadcast %ge3A_495 : i32 to vector<16xi32>
        %ge3A_497 = arith.cmpi sge, %scan3A_460, %ge3A_496 : vector<16xi32>
        tpu.vector_store_idx %arg12[%sub3A_494], %scan3A_468 masked %ge3A_497 {add = true} : memref<25088xf32, #tpu.memory_space<vmem>>[vector<16xi32>], vector<16xf32>, vector<16xi1>
        %lt3A_498 = arith.constant 25088 : i32
        %lt3A_499 = vector.broadcast %lt3A_498 : i32 to vector<16xi32>
        %lt3A_500 = arith.cmpi slt, %scan3A_461, %lt3A_499 : vector<16xi32>
        tpu.vector_store_idx %arg11[%scan3A_461], %scan3A_469 masked %lt3A_500 {add = true} : memref<25088xf32, #tpu.memory_space<vmem>>[vector<16xi32>], vector<16xf32>, vector<16xi1>
        %sub3A_501 = arith.constant 25088 : i32
        %sub3A_502 = vector.broadcast %sub3A_501 : i32 to vector<16xi32>
        %sub3A_503 = arith.subi %scan3A_461, %sub3A_502 : vector<16xi32>
        %ge3A_504 = arith.constant 25088 : i32
        %ge3A_505 = vector.broadcast %ge3A_504 : i32 to vector<16xi32>
        %ge3A_506 = arith.cmpi sge, %scan3A_461, %ge3A_505 : vector<16xi32>
        tpu.vector_store_idx %arg12[%sub3A_503], %scan3A_469 masked %ge3A_506 {add = true} : memref<25088xf32, #tpu.memory_space<vmem>>[vector<16xi32>], vector<16xf32>, vector<16xi1>
        %lt3A_507 = arith.constant 25088 : i32
        %lt3A_508 = vector.broadcast %lt3A_507 : i32 to vector<16xi32>
        %lt3A_509 = arith.cmpi slt, %scan3A_462, %lt3A_508 : vector<16xi32>
        tpu.vector_store_idx %arg11[%scan3A_462], %scan3A_470 masked %lt3A_509 {add = true} : memref<25088xf32, #tpu.memory_space<vmem>>[vector<16xi32>], vector<16xf32>, vector<16xi1>
        %sub3A_510 = arith.constant 25088 : i32
        %sub3A_511 = vector.broadcast %sub3A_510 : i32 to vector<16xi32>
        %sub3A_512 = arith.subi %scan3A_462, %sub3A_511 : vector<16xi32>
        %ge3A_513 = arith.constant 25088 : i32
        %ge3A_514 = vector.broadcast %ge3A_513 : i32 to vector<16xi32>
        %ge3A_515 = arith.cmpi sge, %scan3A_462, %ge3A_514 : vector<16xi32>
        tpu.vector_store_idx %arg12[%sub3A_512], %scan3A_470 masked %ge3A_515 {add = true} : memref<25088xf32, #tpu.memory_space<vmem>>[vector<16xi32>], vector<16xf32>, vector<16xi1>
        %lt3A_516 = arith.constant 25088 : i32
        %lt3A_517 = vector.broadcast %lt3A_516 : i32 to vector<16xi32>
        %lt3A_518 = arith.cmpi slt, %scan3A_463, %lt3A_517 : vector<16xi32>
        tpu.vector_store_idx %arg11[%scan3A_463], %scan3A_471 masked %lt3A_518 {add = true} : memref<25088xf32, #tpu.memory_space<vmem>>[vector<16xi32>], vector<16xf32>, vector<16xi1>
        %sub3A_519 = arith.constant 25088 : i32
        %sub3A_520 = vector.broadcast %sub3A_519 : i32 to vector<16xi32>
        %sub3A_521 = arith.subi %scan3A_463, %sub3A_520 : vector<16xi32>
        %ge3A_522 = arith.constant 25088 : i32
        %ge3A_523 = vector.broadcast %ge3A_522 : i32 to vector<16xi32>
        %ge3A_524 = arith.cmpi sge, %scan3A_463, %ge3A_523 : vector<16xi32>
        tpu.vector_store_idx %arg12[%sub3A_521], %scan3A_471 masked %ge3A_524 {add = true} : memref<25088xf32, #tpu.memory_space<vmem>>[vector<16xi32>], vector<16xf32>, vector<16xi1>
        %lt3A_525 = arith.constant 25088 : i32
        %lt3A_526 = vector.broadcast %lt3A_525 : i32 to vector<16xi32>
        %lt3A_527 = arith.cmpi slt, %scan3A_464, %lt3A_526 : vector<16xi32>
        tpu.vector_store_idx %arg11[%scan3A_464], %scan3A_472 masked %lt3A_527 {add = true} : memref<25088xf32, #tpu.memory_space<vmem>>[vector<16xi32>], vector<16xf32>, vector<16xi1>
        %sub3A_528 = arith.constant 25088 : i32
        %sub3A_529 = vector.broadcast %sub3A_528 : i32 to vector<16xi32>
        %sub3A_530 = arith.subi %scan3A_464, %sub3A_529 : vector<16xi32>
        %ge3A_531 = arith.constant 25088 : i32
        %ge3A_532 = vector.broadcast %ge3A_531 : i32 to vector<16xi32>
        %ge3A_533 = arith.cmpi sge, %scan3A_464, %ge3A_532 : vector<16xi32>
        tpu.vector_store_idx %arg12[%sub3A_530], %scan3A_472 masked %ge3A_533 {add = true} : memref<25088xf32, #tpu.memory_space<vmem>>[vector<16xi32>], vector<16xf32>, vector<16xi1>
        %lt3A_534 = arith.constant 25088 : i32
        %lt3A_535 = vector.broadcast %lt3A_534 : i32 to vector<16xi32>
        %lt3A_536 = arith.cmpi slt, %scan3A_465, %lt3A_535 : vector<16xi32>
        tpu.vector_store_idx %arg11[%scan3A_465], %scan3A_473 masked %lt3A_536 {add = true} : memref<25088xf32, #tpu.memory_space<vmem>>[vector<16xi32>], vector<16xf32>, vector<16xi1>
        %sub3A_537 = arith.constant 25088 : i32
        %sub3A_538 = vector.broadcast %sub3A_537 : i32 to vector<16xi32>
        %sub3A_539 = arith.subi %scan3A_465, %sub3A_538 : vector<16xi32>
        %ge3A_540 = arith.constant 25088 : i32
        %ge3A_541 = vector.broadcast %ge3A_540 : i32 to vector<16xi32>
        %ge3A_542 = arith.cmpi sge, %scan3A_465, %ge3A_541 : vector<16xi32>
        tpu.vector_store_idx %arg12[%sub3A_539], %scan3A_473 masked %ge3A_542 {add = true} : memref<25088xf32, #tpu.memory_space<vmem>>[vector<16xi32>], vector<16xf32>, vector<16xi1>
        %add3A_543 = arith.constant 1 : i32
        %add3A_544 = arith.addi %scan3A_457, %add3A_543 : i32
        %min3A = arith.constant 31 : i32
        %min3A_545 = arith.minsi %add3A_544, %min3A : i32
        %mul3A_546 = arith.constant 128 : i32
        %mul3A_547 = arith.muli %min3A_545, %mul3A_546 : i32
        %add3A_548 = arith.constant 14848 : i32
        %add3A_549 = arith.addi %add3A_548, %mul3A_547 : i32
        %add3A_550 = arith.constant 0 : i32
        %add3A_551 = arith.addi %add3A_549, %add3A_550 : i32
        %get3A_552 = arith.index_cast %add3A_551 : i32 to index
        %get3A_553 = tpu.vector_load %arg7[%get3A_552] {strides = array<i32>} : memref<19968xi32, #tpu.memory_space<vmem>>, vector<16xi32>,
        %add3A_554 = arith.constant 0 : i32
        %add3A_555 = arith.addi %add3A_549, %add3A_554 : i32
        %get3A_556 = arith.index_cast %add3A_555 : i32 to index
        %get3A_557 = tpu.vector_load %arg8[%get3A_556] {strides = array<i32>} : memref<19968xf32, #tpu.memory_space<vmem>>, vector<16xf32>,
        %add3A_558 = arith.constant 0 : i32
        %add3A_559 = arith.addi %add3A_549, %add3A_558 : i32
        %get3A_560 = arith.index_cast %add3A_559 : i32 to index
        %get3A_561 = tpu.vector_load %arg9[%get3A_560] {strides = array<i32>} : memref<19968xf32, #tpu.memory_space<vmem>>, vector<16xf32>,
        %mul3A_562 = arith.mulf %get3A_557, %get3A_245 : vector<16xf32>
        %add3A_563 = arith.addf %mul3A_562, %get3A_561 : vector<16xf32>
        %max3A_564 = arith.constant 0.000000e+00 : f32
        %max3A_565 = vector.broadcast %max3A_564 : f32 to vector<16xf32>
        %max3A_566 = arith.maximumf %add3A_563, %max3A_565 : vector<16xf32>
        %add3A_567 = arith.constant 16 : i32
        %add3A_568 = arith.addi %add3A_549, %add3A_567 : i32
        %get3A_569 = arith.index_cast %add3A_568 : i32 to index
        %get3A_570 = tpu.vector_load %arg7[%get3A_569] {strides = array<i32>} : memref<19968xi32, #tpu.memory_space<vmem>>, vector<16xi32>,
        %add3A_571 = arith.constant 16 : i32
        %add3A_572 = arith.addi %add3A_549, %add3A_571 : i32
        %get3A_573 = arith.index_cast %add3A_572 : i32 to index
        %get3A_574 = tpu.vector_load %arg8[%get3A_573] {strides = array<i32>} : memref<19968xf32, #tpu.memory_space<vmem>>, vector<16xf32>,
        %add3A_575 = arith.constant 16 : i32
        %add3A_576 = arith.addi %add3A_549, %add3A_575 : i32
        %get3A_577 = arith.index_cast %add3A_576 : i32 to index
        %get3A_578 = tpu.vector_load %arg9[%get3A_577] {strides = array<i32>} : memref<19968xf32, #tpu.memory_space<vmem>>, vector<16xf32>,
        %mul3A_579 = arith.mulf %get3A_574, %get3A_245 : vector<16xf32>
        %add3A_580 = arith.addf %mul3A_579, %get3A_578 : vector<16xf32>
        %max3A_581 = arith.constant 0.000000e+00 : f32
        %max3A_582 = vector.broadcast %max3A_581 : f32 to vector<16xf32>
        %max3A_583 = arith.maximumf %add3A_580, %max3A_582 : vector<16xf32>
        %add3A_584 = arith.constant 32 : i32
        %add3A_585 = arith.addi %add3A_549, %add3A_584 : i32
        %get3A_586 = arith.index_cast %add3A_585 : i32 to index
        %get3A_587 = tpu.vector_load %arg7[%get3A_586] {strides = array<i32>} : memref<19968xi32, #tpu.memory_space<vmem>>, vector<16xi32>,
        %add3A_588 = arith.constant 32 : i32
        %add3A_589 = arith.addi %add3A_549, %add3A_588 : i32
        %get3A_590 = arith.index_cast %add3A_589 : i32 to index
        %get3A_591 = tpu.vector_load %arg8[%get3A_590] {strides = array<i32>} : memref<19968xf32, #tpu.memory_space<vmem>>, vector<16xf32>,
        %add3A_592 = arith.constant 32 : i32
        %add3A_593 = arith.addi %add3A_549, %add3A_592 : i32
        %get3A_594 = arith.index_cast %add3A_593 : i32 to index
        %get3A_595 = tpu.vector_load %arg9[%get3A_594] {strides = array<i32>} : memref<19968xf32, #tpu.memory_space<vmem>>, vector<16xf32>,
        %mul3A_596 = arith.mulf %get3A_591, %get3A_245 : vector<16xf32>
        %add3A_597 = arith.addf %mul3A_596, %get3A_595 : vector<16xf32>
        %max3A_598 = arith.constant 0.000000e+00 : f32
        %max3A_599 = vector.broadcast %max3A_598 : f32 to vector<16xf32>
        %max3A_600 = arith.maximumf %add3A_597, %max3A_599 : vector<16xf32>
        %add3A_601 = arith.constant 48 : i32
        %add3A_602 = arith.addi %add3A_549, %add3A_601 : i32
        %get3A_603 = arith.index_cast %add3A_602 : i32 to index
        %get3A_604 = tpu.vector_load %arg7[%get3A_603] {strides = array<i32>} : memref<19968xi32, #tpu.memory_space<vmem>>, vector<16xi32>,
        %add3A_605 = arith.constant 48 : i32
        %add3A_606 = arith.addi %add3A_549, %add3A_605 : i32
        %get3A_607 = arith.index_cast %add3A_606 : i32 to index
        %get3A_608 = tpu.vector_load %arg8[%get3A_607] {strides = array<i32>} : memref<19968xf32, #tpu.memory_space<vmem>>, vector<16xf32>,
        %add3A_609 = arith.constant 48 : i32
        %add3A_610 = arith.addi %add3A_549, %add3A_609 : i32
        %get3A_611 = arith.index_cast %add3A_610 : i32 to index
        %get3A_612 = tpu.vector_load %arg9[%get3A_611] {strides = array<i32>} : memref<19968xf32, #tpu.memory_space<vmem>>, vector<16xf32>,
        %mul3A_613 = arith.mulf %get3A_608, %get3A_245 : vector<16xf32>
        %add3A_614 = arith.addf %mul3A_613, %get3A_612 : vector<16xf32>
        %max3A_615 = arith.constant 0.000000e+00 : f32
        %max3A_616 = vector.broadcast %max3A_615 : f32 to vector<16xf32>
        %max3A_617 = arith.maximumf %add3A_614, %max3A_616 : vector<16xf32>
        %add3A_618 = arith.constant 64 : i32
        %add3A_619 = arith.addi %add3A_549, %add3A_618 : i32
        %get3A_620 = arith.index_cast %add3A_619 : i32 to index
        %get3A_621 = tpu.vector_load %arg7[%get3A_620] {strides = array<i32>} : memref<19968xi32, #tpu.memory_space<vmem>>, vector<16xi32>,
        %add3A_622 = arith.constant 64 : i32
        %add3A_623 = arith.addi %add3A_549, %add3A_622 : i32
        %get3A_624 = arith.index_cast %add3A_623 : i32 to index
        %get3A_625 = tpu.vector_load %arg8[%get3A_624] {strides = array<i32>} : memref<19968xf32, #tpu.memory_space<vmem>>, vector<16xf32>,
        %add3A_626 = arith.constant 64 : i32
        %add3A_627 = arith.addi %add3A_549, %add3A_626 : i32
        %get3A_628 = arith.index_cast %add3A_627 : i32 to index
        %get3A_629 = tpu.vector_load %arg9[%get3A_628] {strides = array<i32>} : memref<19968xf32, #tpu.memory_space<vmem>>, vector<16xf32>,
        %mul3A_630 = arith.mulf %get3A_625, %get3A_245 : vector<16xf32>
        %add3A_631 = arith.addf %mul3A_630, %get3A_629 : vector<16xf32>
        %max3A_632 = arith.constant 0.000000e+00 : f32
        %max3A_633 = vector.broadcast %max3A_632 : f32 to vector<16xf32>
        %max3A_634 = arith.maximumf %add3A_631, %max3A_633 : vector<16xf32>
        %add3A_635 = arith.constant 80 : i32
        %add3A_636 = arith.addi %add3A_549, %add3A_635 : i32
        %get3A_637 = arith.index_cast %add3A_636 : i32 to index
        %get3A_638 = tpu.vector_load %arg7[%get3A_637] {strides = array<i32>} : memref<19968xi32, #tpu.memory_space<vmem>>, vector<16xi32>,
        %add3A_639 = arith.constant 80 : i32
        %add3A_640 = arith.addi %add3A_549, %add3A_639 : i32
        %get3A_641 = arith.index_cast %add3A_640 : i32 to index
        %get3A_642 = tpu.vector_load %arg8[%get3A_641] {strides = array<i32>} : memref<19968xf32, #tpu.memory_space<vmem>>, vector<16xf32>,
        %add3A_643 = arith.constant 80 : i32
        %add3A_644 = arith.addi %add3A_549, %add3A_643 : i32
        %get3A_645 = arith.index_cast %add3A_644 : i32 to index
        %get3A_646 = tpu.vector_load %arg9[%get3A_645] {strides = array<i32>} : memref<19968xf32, #tpu.memory_space<vmem>>, vector<16xf32>,
        %mul3A_647 = arith.mulf %get3A_642, %get3A_245 : vector<16xf32>
        %add3A_648 = arith.addf %mul3A_647, %get3A_646 : vector<16xf32>
        %max3A_649 = arith.constant 0.000000e+00 : f32
        %max3A_650 = vector.broadcast %max3A_649 : f32 to vector<16xf32>
        %max3A_651 = arith.maximumf %add3A_648, %max3A_650 : vector<16xf32>
        %add3A_652 = arith.constant 96 : i32
        %add3A_653 = arith.addi %add3A_549, %add3A_652 : i32
        %get3A_654 = arith.index_cast %add3A_653 : i32 to index
        %get3A_655 = tpu.vector_load %arg7[%get3A_654] {strides = array<i32>} : memref<19968xi32, #tpu.memory_space<vmem>>, vector<16xi32>,
        %add3A_656 = arith.constant 96 : i32
        %add3A_657 = arith.addi %add3A_549, %add3A_656 : i32
        %get3A_658 = arith.index_cast %add3A_657 : i32 to index
        %get3A_659 = tpu.vector_load %arg8[%get3A_658] {strides = array<i32>} : memref<19968xf32, #tpu.memory_space<vmem>>, vector<16xf32>,
        %add3A_660 = arith.constant 96 : i32
        %add3A_661 = arith.addi %add3A_549, %add3A_660 : i32
        %get3A_662 = arith.index_cast %add3A_661 : i32 to index
        %get3A_663 = tpu.vector_load %arg9[%get3A_662] {strides = array<i32>} : memref<19968xf32, #tpu.memory_space<vmem>>, vector<16xf32>,
        %mul3A_664 = arith.mulf %get3A_659, %get3A_245 : vector<16xf32>
        %add3A_665 = arith.addf %mul3A_664, %get3A_663 : vector<16xf32>
        %max3A_666 = arith.constant 0.000000e+00 : f32
        %max3A_667 = vector.broadcast %max3A_666 : f32 to vector<16xf32>
        %max3A_668 = arith.maximumf %add3A_665, %max3A_667 : vector<16xf32>
        %add3A_669 = arith.constant 112 : i32
        %add3A_670 = arith.addi %add3A_549, %add3A_669 : i32
        %get3A_671 = arith.index_cast %add3A_670 : i32 to index
        %get3A_672 = tpu.vector_load %arg7[%get3A_671] {strides = array<i32>} : memref<19968xi32, #tpu.memory_space<vmem>>, vector<16xi32>,
        %add3A_673 = arith.constant 112 : i32
        %add3A_674 = arith.addi %add3A_549, %add3A_673 : i32
        %get3A_675 = arith.index_cast %add3A_674 : i32 to index
        %get3A_676 = tpu.vector_load %arg8[%get3A_675] {strides = array<i32>} : memref<19968xf32, #tpu.memory_space<vmem>>, vector<16xf32>,
        %add3A_677 = arith.constant 112 : i32
        %add3A_678 = arith.addi %add3A_549, %add3A_677 : i32
        %get3A_679 = arith.index_cast %add3A_678 : i32 to index
        %get3A_680 = tpu.vector_load %arg9[%get3A_679] {strides = array<i32>} : memref<19968xf32, #tpu.memory_space<vmem>>, vector<16xf32>,
        %mul3A_681 = arith.mulf %get3A_676, %get3A_245 : vector<16xf32>
        %add3A_682 = arith.addf %mul3A_681, %get3A_680 : vector<16xf32>
        %max3A_683 = arith.constant 0.000000e+00 : f32
        %max3A_684 = vector.broadcast %max3A_683 : f32 to vector<16xf32>
        %max3A_685 = arith.maximumf %add3A_682, %max3A_684 : vector<16xf32>
        scf.yield %get3A_553, %get3A_570, %get3A_587, %get3A_604, %get3A_621, %get3A_638, %get3A_655, %get3A_672, %max3A_566, %max3A_583, %max3A_600, %max3A_617, %max3A_634, %max3A_651, %max3A_668, %max3A_685 : vector<16xi32>, vector<16xi32>, vector<16xi32>, vector<16xi32>, vector<16xi32>, vector<16xi32>, vector<16xi32>, vector<16xi32>, vector<16xf32>, vector<16xf32>, vector<16xf32>, vector<16xf32>, vector<16xf32>, vector<16xf32>, vector<16xf32>, vector<16xf32>
      }
      %scan3A_339 = arith.constant 32 : i32
      %mul3A_340 = arith.constant 64 : i32
      %mul3A_341 = arith.muli %scan3A_24, %mul3A_340 : i32
      %add3A_342 = arith.constant 48 : i32
      %add3A_343 = arith.addi %mul3A_341, %add3A_342 : i32
      %get3A_344 = arith.index_cast %add3A_343 : i32 to index
      %get3A_345 = tpu.vector_load %arg10[%get3A_344] {strides = array<i32>} : memref<2048xf32, #tpu.memory_space<vmem>>, vector<16xf32>,
      %get3A_346 = arith.constant 18944 : index
      %get3A_347 = tpu.vector_load %arg7[%get3A_346] {strides = array<i32>} : memref<19968xi32, #tpu.memory_space<vmem>>, vector<16xi32>,
      %get3A_348 = arith.constant 18944 : index
      %get3A_349 = tpu.vector_load %arg8[%get3A_348] {strides = array<i32>} : memref<19968xf32, #tpu.memory_space<vmem>>, vector<16xf32>,
      %get3A_350 = arith.constant 18944 : index
      %get3A_351 = tpu.vector_load %arg9[%get3A_350] {strides = array<i32>} : memref<19968xf32, #tpu.memory_space<vmem>>, vector<16xf32>,
      %mul3A_352 = arith.mulf %get3A_349, %get3A_345 : vector<16xf32>
      %add3A_353 = arith.addf %mul3A_352, %get3A_351 : vector<16xf32>
      %max3A_354 = arith.constant 0.000000e+00 : f32
      %max3A_355 = vector.broadcast %max3A_354 : f32 to vector<16xf32>
      %max3A_356 = arith.maximumf %add3A_353, %max3A_355 : vector<16xf32>
      %get3A_357 = arith.constant 18960 : index
      %get3A_358 = tpu.vector_load %arg7[%get3A_357] {strides = array<i32>} : memref<19968xi32, #tpu.memory_space<vmem>>, vector<16xi32>,
      %get3A_359 = arith.constant 18960 : index
      %get3A_360 = tpu.vector_load %arg8[%get3A_359] {strides = array<i32>} : memref<19968xf32, #tpu.memory_space<vmem>>, vector<16xf32>,
      %get3A_361 = arith.constant 18960 : index
      %get3A_362 = tpu.vector_load %arg9[%get3A_361] {strides = array<i32>} : memref<19968xf32, #tpu.memory_space<vmem>>, vector<16xf32>,
      %mul3A_363 = arith.mulf %get3A_360, %get3A_345 : vector<16xf32>
      %add3A_364 = arith.addf %mul3A_363, %get3A_362 : vector<16xf32>
      %max3A_365 = arith.constant 0.000000e+00 : f32
      %max3A_366 = vector.broadcast %max3A_365 : f32 to vector<16xf32>
      %max3A_367 = arith.maximumf %add3A_364, %max3A_366 : vector<16xf32>
      %get3A_368 = arith.constant 18976 : index
      %get3A_369 = tpu.vector_load %arg7[%get3A_368] {strides = array<i32>} : memref<19968xi32, #tpu.memory_space<vmem>>, vector<16xi32>,
      %get3A_370 = arith.constant 18976 : index
      %get3A_371 = tpu.vector_load %arg8[%get3A_370] {strides = array<i32>} : memref<19968xf32, #tpu.memory_space<vmem>>, vector<16xf32>,
      %get3A_372 = arith.constant 18976 : index
      %get3A_373 = tpu.vector_load %arg9[%get3A_372] {strides = array<i32>} : memref<19968xf32, #tpu.memory_space<vmem>>, vector<16xf32>,
      %mul3A_374 = arith.mulf %get3A_371, %get3A_345 : vector<16xf32>
      %add3A_375 = arith.addf %mul3A_374, %get3A_373 : vector<16xf32>
      %max3A_376 = arith.constant 0.000000e+00 : f32
      %max3A_377 = vector.broadcast %max3A_376 : f32 to vector<16xf32>
      %max3A_378 = arith.maximumf %add3A_375, %max3A_377 : vector<16xf32>
      %get3A_379 = arith.constant 18992 : index
      %get3A_380 = tpu.vector_load %arg7[%get3A_379] {strides = array<i32>} : memref<19968xi32, #tpu.memory_space<vmem>>, vector<16xi32>,
      %get3A_381 = arith.constant 18992 : index
      %get3A_382 = tpu.vector_load %arg8[%get3A_381] {strides = array<i32>} : memref<19968xf32, #tpu.memory_space<vmem>>, vector<16xf32>,
      %get3A_383 = arith.constant 18992 : index
      %get3A_384 = tpu.vector_load %arg9[%get3A_383] {strides = array<i32>} : memref<19968xf32, #tpu.memory_space<vmem>>, vector<16xf32>,
      %mul3A_385 = arith.mulf %get3A_382, %get3A_345 : vector<16xf32>
      %add3A_386 = arith.addf %mul3A_385, %get3A_384 : vector<16xf32>
      %max3A_387 = arith.constant 0.000000e+00 : f32
      %max3A_388 = vector.broadcast %max3A_387 : f32 to vector<16xf32>
      %max3A_389 = arith.maximumf %add3A_386, %max3A_388 : vector<16xf32>
      %get3A_390 = arith.constant 19008 : index
      %get3A_391 = tpu.vector_load %arg7[%get3A_390] {strides = array<i32>} : memref<19968xi32, #tpu.memory_space<vmem>>, vector<16xi32>,
      %get3A_392 = arith.constant 19008 : index
      %get3A_393 = tpu.vector_load %arg8[%get3A_392] {strides = array<i32>} : memref<19968xf32, #tpu.memory_space<vmem>>, vector<16xf32>,
      %get3A_394 = arith.constant 19008 : index
      %get3A_395 = tpu.vector_load %arg9[%get3A_394] {strides = array<i32>} : memref<19968xf32, #tpu.memory_space<vmem>>, vector<16xf32>,
      %mul3A_396 = arith.mulf %get3A_393, %get3A_345 : vector<16xf32>
      %add3A_397 = arith.addf %mul3A_396, %get3A_395 : vector<16xf32>
      %max3A_398 = arith.constant 0.000000e+00 : f32
      %max3A_399 = vector.broadcast %max3A_398 : f32 to vector<16xf32>
      %max3A_400 = arith.maximumf %add3A_397, %max3A_399 : vector<16xf32>
      %get3A_401 = arith.constant 19024 : index
      %get3A_402 = tpu.vector_load %arg7[%get3A_401] {strides = array<i32>} : memref<19968xi32, #tpu.memory_space<vmem>>, vector<16xi32>,
      %get3A_403 = arith.constant 19024 : index
      %get3A_404 = tpu.vector_load %arg8[%get3A_403] {strides = array<i32>} : memref<19968xf32, #tpu.memory_space<vmem>>, vector<16xf32>,
      %get3A_405 = arith.constant 19024 : index
      %get3A_406 = tpu.vector_load %arg9[%get3A_405] {strides = array<i32>} : memref<19968xf32, #tpu.memory_space<vmem>>, vector<16xf32>,
      %mul3A_407 = arith.mulf %get3A_404, %get3A_345 : vector<16xf32>
      %add3A_408 = arith.addf %mul3A_407, %get3A_406 : vector<16xf32>
      %max3A_409 = arith.constant 0.000000e+00 : f32
      %max3A_410 = vector.broadcast %max3A_409 : f32 to vector<16xf32>
      %max3A_411 = arith.maximumf %add3A_408, %max3A_410 : vector<16xf32>
      %get3A_412 = arith.constant 19040 : index
      %get3A_413 = tpu.vector_load %arg7[%get3A_412] {strides = array<i32>} : memref<19968xi32, #tpu.memory_space<vmem>>, vector<16xi32>,
      %get3A_414 = arith.constant 19040 : index
      %get3A_415 = tpu.vector_load %arg8[%get3A_414] {strides = array<i32>} : memref<19968xf32, #tpu.memory_space<vmem>>, vector<16xf32>,
      %get3A_416 = arith.constant 19040 : index
      %get3A_417 = tpu.vector_load %arg9[%get3A_416] {strides = array<i32>} : memref<19968xf32, #tpu.memory_space<vmem>>, vector<16xf32>,
      %mul3A_418 = arith.mulf %get3A_415, %get3A_345 : vector<16xf32>
      %add3A_419 = arith.addf %mul3A_418, %get3A_417 : vector<16xf32>
      %max3A_420 = arith.constant 0.000000e+00 : f32
      %max3A_421 = vector.broadcast %max3A_420 : f32 to vector<16xf32>
      %max3A_422 = arith.maximumf %add3A_419, %max3A_421 : vector<16xf32>
      %get3A_423 = arith.constant 19056 : index
      %get3A_424 = tpu.vector_load %arg7[%get3A_423] {strides = array<i32>} : memref<19968xi32, #tpu.memory_space<vmem>>, vector<16xi32>,
      %get3A_425 = arith.constant 19056 : index
      %get3A_426 = tpu.vector_load %arg8[%get3A_425] {strides = array<i32>} : memref<19968xf32, #tpu.memory_space<vmem>>, vector<16xf32>,
      %get3A_427 = arith.constant 19056 : index
      %get3A_428 = tpu.vector_load %arg9[%get3A_427] {strides = array<i32>} : memref<19968xf32, #tpu.memory_space<vmem>>, vector<16xf32>,
      %mul3A_429 = arith.mulf %get3A_426, %get3A_345 : vector<16xf32>
      %add3A_430 = arith.addf %mul3A_429, %get3A_428 : vector<16xf32>
      %max3A_431 = arith.constant 0.000000e+00 : f32
      %max3A_432 = vector.broadcast %max3A_431 : f32 to vector<16xf32>
      %max3A_433 = arith.maximumf %add3A_430, %max3A_432 : vector<16xf32>
      %scan3A_434 = arith.constant 0 : i32
      %scan3A_435 = arith.constant 8 : i32
      %scan3A_436 = arith.addi %scan3A_434, %scan3A_435 : i32
      %scan3A_437 = arith.constant 1 : i32
      %scan3A_438:16 = scf.for %scan3A_457 = %scan3A_434 to %scan3A_436 step %scan3A_437 iter_args(%scan3A_458 = %get3A_347, %scan3A_459 = %get3A_358, %scan3A_460 = %get3A_369, %scan3A_461 = %get3A_380, %scan3A_462 = %get3A_391, %scan3A_463 = %get3A_402, %scan3A_464 = %get3A_413, %scan3A_465 = %get3A_424, %scan3A_466 = %max3A_356, %scan3A_467 = %max3A_367, %scan3A_468 = %max3A_378, %scan3A_469 = %max3A_389, %scan3A_470 = %max3A_400, %scan3A_471 = %max3A_411, %scan3A_472 = %max3A_422, %scan3A_473 = %max3A_433) -> (vector<16xi32>, vector<16xi32>, vector<16xi32>, vector<16xi32>, vector<16xi32>, vector<16xi32>, vector<16xi32>, vector<16xi32>, vector<16xf32>, vector<16xf32>, vector<16xf32>, vector<16xf32>, vector<16xf32>, vector<16xf32>, vector<16xf32>, vector<16xf32>)  : i32 {
        %lt3A = arith.constant 25088 : i32
        %lt3A_474 = vector.broadcast %lt3A : i32 to vector<16xi32>
        %lt3A_475 = arith.cmpi slt, %scan3A_458, %lt3A_474 : vector<16xi32>
        tpu.vector_store_idx %arg11[%scan3A_458], %scan3A_466 masked %lt3A_475 {add = true} : memref<25088xf32, #tpu.memory_space<vmem>>[vector<16xi32>], vector<16xf32>, vector<16xi1>
        %sub3A = arith.constant 25088 : i32
        %sub3A_476 = vector.broadcast %sub3A : i32 to vector<16xi32>
        %sub3A_477 = arith.subi %scan3A_458, %sub3A_476 : vector<16xi32>
        %ge3A = arith.constant 25088 : i32
        %ge3A_478 = vector.broadcast %ge3A : i32 to vector<16xi32>
        %ge3A_479 = arith.cmpi sge, %scan3A_458, %ge3A_478 : vector<16xi32>
        tpu.vector_store_idx %arg12[%sub3A_477], %scan3A_466 masked %ge3A_479 {add = true} : memref<25088xf32, #tpu.memory_space<vmem>>[vector<16xi32>], vector<16xf32>, vector<16xi1>
        %lt3A_480 = arith.constant 25088 : i32
        %lt3A_481 = vector.broadcast %lt3A_480 : i32 to vector<16xi32>
        %lt3A_482 = arith.cmpi slt, %scan3A_459, %lt3A_481 : vector<16xi32>
        tpu.vector_store_idx %arg11[%scan3A_459], %scan3A_467 masked %lt3A_482 {add = true} : memref<25088xf32, #tpu.memory_space<vmem>>[vector<16xi32>], vector<16xf32>, vector<16xi1>
        %sub3A_483 = arith.constant 25088 : i32
        %sub3A_484 = vector.broadcast %sub3A_483 : i32 to vector<16xi32>
        %sub3A_485 = arith.subi %scan3A_459, %sub3A_484 : vector<16xi32>
        %ge3A_486 = arith.constant 25088 : i32
        %ge3A_487 = vector.broadcast %ge3A_486 : i32 to vector<16xi32>
        %ge3A_488 = arith.cmpi sge, %scan3A_459, %ge3A_487 : vector<16xi32>
        tpu.vector_store_idx %arg12[%sub3A_485], %scan3A_467 masked %ge3A_488 {add = true} : memref<25088xf32, #tpu.memory_space<vmem>>[vector<16xi32>], vector<16xf32>, vector<16xi1>
        %lt3A_489 = arith.constant 25088 : i32
        %lt3A_490 = vector.broadcast %lt3A_489 : i32 to vector<16xi32>
        %lt3A_491 = arith.cmpi slt, %scan3A_460, %lt3A_490 : vector<16xi32>
        tpu.vector_store_idx %arg11[%scan3A_460], %scan3A_468 masked %lt3A_491 {add = true} : memref<25088xf32, #tpu.memory_space<vmem>>[vector<16xi32>], vector<16xf32>, vector<16xi1>
        %sub3A_492 = arith.constant 25088 : i32
        %sub3A_493 = vector.broadcast %sub3A_492 : i32 to vector<16xi32>
        %sub3A_494 = arith.subi %scan3A_460, %sub3A_493 : vector<16xi32>
        %ge3A_495 = arith.constant 25088 : i32
        %ge3A_496 = vector.broadcast %ge3A_495 : i32 to vector<16xi32>
        %ge3A_497 = arith.cmpi sge, %scan3A_460, %ge3A_496 : vector<16xi32>
        tpu.vector_store_idx %arg12[%sub3A_494], %scan3A_468 masked %ge3A_497 {add = true} : memref<25088xf32, #tpu.memory_space<vmem>>[vector<16xi32>], vector<16xf32>, vector<16xi1>
        %lt3A_498 = arith.constant 25088 : i32
        %lt3A_499 = vector.broadcast %lt3A_498 : i32 to vector<16xi32>
        %lt3A_500 = arith.cmpi slt, %scan3A_461, %lt3A_499 : vector<16xi32>
        tpu.vector_store_idx %arg11[%scan3A_461], %scan3A_469 masked %lt3A_500 {add = true} : memref<25088xf32, #tpu.memory_space<vmem>>[vector<16xi32>], vector<16xf32>, vector<16xi1>
        %sub3A_501 = arith.constant 25088 : i32
        %sub3A_502 = vector.broadcast %sub3A_501 : i32 to vector<16xi32>
        %sub3A_503 = arith.subi %scan3A_461, %sub3A_502 : vector<16xi32>
        %ge3A_504 = arith.constant 25088 : i32
        %ge3A_505 = vector.broadcast %ge3A_504 : i32 to vector<16xi32>
        %ge3A_506 = arith.cmpi sge, %scan3A_461, %ge3A_505 : vector<16xi32>
        tpu.vector_store_idx %arg12[%sub3A_503], %scan3A_469 masked %ge3A_506 {add = true} : memref<25088xf32, #tpu.memory_space<vmem>>[vector<16xi32>], vector<16xf32>, vector<16xi1>
        %lt3A_507 = arith.constant 25088 : i32
        %lt3A_508 = vector.broadcast %lt3A_507 : i32 to vector<16xi32>
        %lt3A_509 = arith.cmpi slt, %scan3A_462, %lt3A_508 : vector<16xi32>
        tpu.vector_store_idx %arg11[%scan3A_462], %scan3A_470 masked %lt3A_509 {add = true} : memref<25088xf32, #tpu.memory_space<vmem>>[vector<16xi32>], vector<16xf32>, vector<16xi1>
        %sub3A_510 = arith.constant 25088 : i32
        %sub3A_511 = vector.broadcast %sub3A_510 : i32 to vector<16xi32>
        %sub3A_512 = arith.subi %scan3A_462, %sub3A_511 : vector<16xi32>
        %ge3A_513 = arith.constant 25088 : i32
        %ge3A_514 = vector.broadcast %ge3A_513 : i32 to vector<16xi32>
        %ge3A_515 = arith.cmpi sge, %scan3A_462, %ge3A_514 : vector<16xi32>
        tpu.vector_store_idx %arg12[%sub3A_512], %scan3A_470 masked %ge3A_515 {add = true} : memref<25088xf32, #tpu.memory_space<vmem>>[vector<16xi32>], vector<16xf32>, vector<16xi1>
        %lt3A_516 = arith.constant 25088 : i32
        %lt3A_517 = vector.broadcast %lt3A_516 : i32 to vector<16xi32>
        %lt3A_518 = arith.cmpi slt, %scan3A_463, %lt3A_517 : vector<16xi32>
        tpu.vector_store_idx %arg11[%scan3A_463], %scan3A_471 masked %lt3A_518 {add = true} : memref<25088xf32, #tpu.memory_space<vmem>>[vector<16xi32>], vector<16xf32>, vector<16xi1>
        %sub3A_519 = arith.constant 25088 : i32
        %sub3A_520 = vector.broadcast %sub3A_519 : i32 to vector<16xi32>
        %sub3A_521 = arith.subi %scan3A_463, %sub3A_520 : vector<16xi32>
        %ge3A_522 = arith.constant 25088 : i32
        %ge3A_523 = vector.broadcast %ge3A_522 : i32 to vector<16xi32>
        %ge3A_524 = arith.cmpi sge, %scan3A_463, %ge3A_523 : vector<16xi32>
        tpu.vector_store_idx %arg12[%sub3A_521], %scan3A_471 masked %ge3A_524 {add = true} : memref<25088xf32, #tpu.memory_space<vmem>>[vector<16xi32>], vector<16xf32>, vector<16xi1>
        %lt3A_525 = arith.constant 25088 : i32
        %lt3A_526 = vector.broadcast %lt3A_525 : i32 to vector<16xi32>
        %lt3A_527 = arith.cmpi slt, %scan3A_464, %lt3A_526 : vector<16xi32>
        tpu.vector_store_idx %arg11[%scan3A_464], %scan3A_472 masked %lt3A_527 {add = true} : memref<25088xf32, #tpu.memory_space<vmem>>[vector<16xi32>], vector<16xf32>, vector<16xi1>
        %sub3A_528 = arith.constant 25088 : i32
        %sub3A_529 = vector.broadcast %sub3A_528 : i32 to vector<16xi32>
        %sub3A_530 = arith.subi %scan3A_464, %sub3A_529 : vector<16xi32>
        %ge3A_531 = arith.constant 25088 : i32
        %ge3A_532 = vector.broadcast %ge3A_531 : i32 to vector<16xi32>
        %ge3A_533 = arith.cmpi sge, %scan3A_464, %ge3A_532 : vector<16xi32>
        tpu.vector_store_idx %arg12[%sub3A_530], %scan3A_472 masked %ge3A_533 {add = true} : memref<25088xf32, #tpu.memory_space<vmem>>[vector<16xi32>], vector<16xf32>, vector<16xi1>
        %lt3A_534 = arith.constant 25088 : i32
        %lt3A_535 = vector.broadcast %lt3A_534 : i32 to vector<16xi32>
        %lt3A_536 = arith.cmpi slt, %scan3A_465, %lt3A_535 : vector<16xi32>
        tpu.vector_store_idx %arg11[%scan3A_465], %scan3A_473 masked %lt3A_536 {add = true} : memref<25088xf32, #tpu.memory_space<vmem>>[vector<16xi32>], vector<16xf32>, vector<16xi1>
        %sub3A_537 = arith.constant 25088 : i32
        %sub3A_538 = vector.broadcast %sub3A_537 : i32 to vector<16xi32>
        %sub3A_539 = arith.subi %scan3A_465, %sub3A_538 : vector<16xi32>
        %ge3A_540 = arith.constant 25088 : i32
        %ge3A_541 = vector.broadcast %ge3A_540 : i32 to vector<16xi32>
        %ge3A_542 = arith.cmpi sge, %scan3A_465, %ge3A_541 : vector<16xi32>
        tpu.vector_store_idx %arg12[%sub3A_539], %scan3A_473 masked %ge3A_542 {add = true} : memref<25088xf32, #tpu.memory_space<vmem>>[vector<16xi32>], vector<16xf32>, vector<16xi1>
        %add3A_543 = arith.constant 1 : i32
        %add3A_544 = arith.addi %scan3A_457, %add3A_543 : i32
        %min3A = arith.constant 7 : i32
        %min3A_545 = arith.minsi %add3A_544, %min3A : i32
        %mul3A_546 = arith.constant 128 : i32
        %mul3A_547 = arith.muli %min3A_545, %mul3A_546 : i32
        %add3A_548 = arith.constant 18944 : i32
        %add3A_549 = arith.addi %add3A_548, %mul3A_547 : i32
        %add3A_550 = arith.constant 0 : i32
        %add3A_551 = arith.addi %add3A_549, %add3A_550 : i32
        %get3A_552 = arith.index_cast %add3A_551 : i32 to index
        %get3A_553 = tpu.vector_load %arg7[%get3A_552] {strides = array<i32>} : memref<19968xi32, #tpu.memory_space<vmem>>, vector<16xi32>,
        %add3A_554 = arith.constant 0 : i32
        %add3A_555 = arith.addi %add3A_549, %add3A_554 : i32
        %get3A_556 = arith.index_cast %add3A_555 : i32 to index
        %get3A_557 = tpu.vector_load %arg8[%get3A_556] {strides = array<i32>} : memref<19968xf32, #tpu.memory_space<vmem>>, vector<16xf32>,
        %add3A_558 = arith.constant 0 : i32
        %add3A_559 = arith.addi %add3A_549, %add3A_558 : i32
        %get3A_560 = arith.index_cast %add3A_559 : i32 to index
        %get3A_561 = tpu.vector_load %arg9[%get3A_560] {strides = array<i32>} : memref<19968xf32, #tpu.memory_space<vmem>>, vector<16xf32>,
        %mul3A_562 = arith.mulf %get3A_557, %get3A_345 : vector<16xf32>
        %add3A_563 = arith.addf %mul3A_562, %get3A_561 : vector<16xf32>
        %max3A_564 = arith.constant 0.000000e+00 : f32
        %max3A_565 = vector.broadcast %max3A_564 : f32 to vector<16xf32>
        %max3A_566 = arith.maximumf %add3A_563, %max3A_565 : vector<16xf32>
        %add3A_567 = arith.constant 16 : i32
        %add3A_568 = arith.addi %add3A_549, %add3A_567 : i32
        %get3A_569 = arith.index_cast %add3A_568 : i32 to index
        %get3A_570 = tpu.vector_load %arg7[%get3A_569] {strides = array<i32>} : memref<19968xi32, #tpu.memory_space<vmem>>, vector<16xi32>,
        %add3A_571 = arith.constant 16 : i32
        %add3A_572 = arith.addi %add3A_549, %add3A_571 : i32
        %get3A_573 = arith.index_cast %add3A_572 : i32 to index
        %get3A_574 = tpu.vector_load %arg8[%get3A_573] {strides = array<i32>} : memref<19968xf32, #tpu.memory_space<vmem>>, vector<16xf32>,
        %add3A_575 = arith.constant 16 : i32
        %add3A_576 = arith.addi %add3A_549, %add3A_575 : i32
        %get3A_577 = arith.index_cast %add3A_576 : i32 to index
        %get3A_578 = tpu.vector_load %arg9[%get3A_577] {strides = array<i32>} : memref<19968xf32, #tpu.memory_space<vmem>>, vector<16xf32>,
        %mul3A_579 = arith.mulf %get3A_574, %get3A_345 : vector<16xf32>
        %add3A_580 = arith.addf %mul3A_579, %get3A_578 : vector<16xf32>
        %max3A_581 = arith.constant 0.000000e+00 : f32
        %max3A_582 = vector.broadcast %max3A_581 : f32 to vector<16xf32>
        %max3A_583 = arith.maximumf %add3A_580, %max3A_582 : vector<16xf32>
        %add3A_584 = arith.constant 32 : i32
        %add3A_585 = arith.addi %add3A_549, %add3A_584 : i32
        %get3A_586 = arith.index_cast %add3A_585 : i32 to index
        %get3A_587 = tpu.vector_load %arg7[%get3A_586] {strides = array<i32>} : memref<19968xi32, #tpu.memory_space<vmem>>, vector<16xi32>,
        %add3A_588 = arith.constant 32 : i32
        %add3A_589 = arith.addi %add3A_549, %add3A_588 : i32
        %get3A_590 = arith.index_cast %add3A_589 : i32 to index
        %get3A_591 = tpu.vector_load %arg8[%get3A_590] {strides = array<i32>} : memref<19968xf32, #tpu.memory_space<vmem>>, vector<16xf32>,
        %add3A_592 = arith.constant 32 : i32
        %add3A_593 = arith.addi %add3A_549, %add3A_592 : i32
        %get3A_594 = arith.index_cast %add3A_593 : i32 to index
        %get3A_595 = tpu.vector_load %arg9[%get3A_594] {strides = array<i32>} : memref<19968xf32, #tpu.memory_space<vmem>>, vector<16xf32>,
        %mul3A_596 = arith.mulf %get3A_591, %get3A_345 : vector<16xf32>
        %add3A_597 = arith.addf %mul3A_596, %get3A_595 : vector<16xf32>
        %max3A_598 = arith.constant 0.000000e+00 : f32
        %max3A_599 = vector.broadcast %max3A_598 : f32 to vector<16xf32>
        %max3A_600 = arith.maximumf %add3A_597, %max3A_599 : vector<16xf32>
        %add3A_601 = arith.constant 48 : i32
        %add3A_602 = arith.addi %add3A_549, %add3A_601 : i32
        %get3A_603 = arith.index_cast %add3A_602 : i32 to index
        %get3A_604 = tpu.vector_load %arg7[%get3A_603] {strides = array<i32>} : memref<19968xi32, #tpu.memory_space<vmem>>, vector<16xi32>,
        %add3A_605 = arith.constant 48 : i32
        %add3A_606 = arith.addi %add3A_549, %add3A_605 : i32
        %get3A_607 = arith.index_cast %add3A_606 : i32 to index
        %get3A_608 = tpu.vector_load %arg8[%get3A_607] {strides = array<i32>} : memref<19968xf32, #tpu.memory_space<vmem>>, vector<16xf32>,
        %add3A_609 = arith.constant 48 : i32
        %add3A_610 = arith.addi %add3A_549, %add3A_609 : i32
        %get3A_611 = arith.index_cast %add3A_610 : i32 to index
        %get3A_612 = tpu.vector_load %arg9[%get3A_611] {strides = array<i32>} : memref<19968xf32, #tpu.memory_space<vmem>>, vector<16xf32>,
        %mul3A_613 = arith.mulf %get3A_608, %get3A_345 : vector<16xf32>
        %add3A_614 = arith.addf %mul3A_613, %get3A_612 : vector<16xf32>
        %max3A_615 = arith.constant 0.000000e+00 : f32
        %max3A_616 = vector.broadcast %max3A_615 : f32 to vector<16xf32>
        %max3A_617 = arith.maximumf %add3A_614, %max3A_616 : vector<16xf32>
        %add3A_618 = arith.constant 64 : i32
        %add3A_619 = arith.addi %add3A_549, %add3A_618 : i32
        %get3A_620 = arith.index_cast %add3A_619 : i32 to index
        %get3A_621 = tpu.vector_load %arg7[%get3A_620] {strides = array<i32>} : memref<19968xi32, #tpu.memory_space<vmem>>, vector<16xi32>,
        %add3A_622 = arith.constant 64 : i32
        %add3A_623 = arith.addi %add3A_549, %add3A_622 : i32
        %get3A_624 = arith.index_cast %add3A_623 : i32 to index
        %get3A_625 = tpu.vector_load %arg8[%get3A_624] {strides = array<i32>} : memref<19968xf32, #tpu.memory_space<vmem>>, vector<16xf32>,
        %add3A_626 = arith.constant 64 : i32
        %add3A_627 = arith.addi %add3A_549, %add3A_626 : i32
        %get3A_628 = arith.index_cast %add3A_627 : i32 to index
        %get3A_629 = tpu.vector_load %arg9[%get3A_628] {strides = array<i32>} : memref<19968xf32, #tpu.memory_space<vmem>>, vector<16xf32>,
        %mul3A_630 = arith.mulf %get3A_625, %get3A_345 : vector<16xf32>
        %add3A_631 = arith.addf %mul3A_630, %get3A_629 : vector<16xf32>
        %max3A_632 = arith.constant 0.000000e+00 : f32
        %max3A_633 = vector.broadcast %max3A_632 : f32 to vector<16xf32>
        %max3A_634 = arith.maximumf %add3A_631, %max3A_633 : vector<16xf32>
        %add3A_635 = arith.constant 80 : i32
        %add3A_636 = arith.addi %add3A_549, %add3A_635 : i32
        %get3A_637 = arith.index_cast %add3A_636 : i32 to index
        %get3A_638 = tpu.vector_load %arg7[%get3A_637] {strides = array<i32>} : memref<19968xi32, #tpu.memory_space<vmem>>, vector<16xi32>,
        %add3A_639 = arith.constant 80 : i32
        %add3A_640 = arith.addi %add3A_549, %add3A_639 : i32
        %get3A_641 = arith.index_cast %add3A_640 : i32 to index
        %get3A_642 = tpu.vector_load %arg8[%get3A_641] {strides = array<i32>} : memref<19968xf32, #tpu.memory_space<vmem>>, vector<16xf32>,
        %add3A_643 = arith.constant 80 : i32
        %add3A_644 = arith.addi %add3A_549, %add3A_643 : i32
        %get3A_645 = arith.index_cast %add3A_644 : i32 to index
        %get3A_646 = tpu.vector_load %arg9[%get3A_645] {strides = array<i32>} : memref<19968xf32, #tpu.memory_space<vmem>>, vector<16xf32>,
        %mul3A_647 = arith.mulf %get3A_642, %get3A_345 : vector<16xf32>
        %add3A_648 = arith.addf %mul3A_647, %get3A_646 : vector<16xf32>
        %max3A_649 = arith.constant 0.000000e+00 : f32
        %max3A_650 = vector.broadcast %max3A_649 : f32 to vector<16xf32>
        %max3A_651 = arith.maximumf %add3A_648, %max3A_650 : vector<16xf32>
        %add3A_652 = arith.constant 96 : i32
        %add3A_653 = arith.addi %add3A_549, %add3A_652 : i32
        %get3A_654 = arith.index_cast %add3A_653 : i32 to index
        %get3A_655 = tpu.vector_load %arg7[%get3A_654] {strides = array<i32>} : memref<19968xi32, #tpu.memory_space<vmem>>, vector<16xi32>,
        %add3A_656 = arith.constant 96 : i32
        %add3A_657 = arith.addi %add3A_549, %add3A_656 : i32
        %get3A_658 = arith.index_cast %add3A_657 : i32 to index
        %get3A_659 = tpu.vector_load %arg8[%get3A_658] {strides = array<i32>} : memref<19968xf32, #tpu.memory_space<vmem>>, vector<16xf32>,
        %add3A_660 = arith.constant 96 : i32
        %add3A_661 = arith.addi %add3A_549, %add3A_660 : i32
        %get3A_662 = arith.index_cast %add3A_661 : i32 to index
        %get3A_663 = tpu.vector_load %arg9[%get3A_662] {strides = array<i32>} : memref<19968xf32, #tpu.memory_space<vmem>>, vector<16xf32>,
        %mul3A_664 = arith.mulf %get3A_659, %get3A_345 : vector<16xf32>
        %add3A_665 = arith.addf %mul3A_664, %get3A_663 : vector<16xf32>
        %max3A_666 = arith.constant 0.000000e+00 : f32
        %max3A_667 = vector.broadcast %max3A_666 : f32 to vector<16xf32>
        %max3A_668 = arith.maximumf %add3A_665, %max3A_667 : vector<16xf32>
        %add3A_669 = arith.constant 112 : i32
        %add3A_670 = arith.addi %add3A_549, %add3A_669 : i32
        %get3A_671 = arith.index_cast %add3A_670 : i32 to index
        %get3A_672 = tpu.vector_load %arg7[%get3A_671] {strides = array<i32>} : memref<19968xi32, #tpu.memory_space<vmem>>, vector<16xi32>,
        %add3A_673 = arith.constant 112 : i32
        %add3A_674 = arith.addi %add3A_549, %add3A_673 : i32
        %get3A_675 = arith.index_cast %add3A_674 : i32 to index
        %get3A_676 = tpu.vector_load %arg8[%get3A_675] {strides = array<i32>} : memref<19968xf32, #tpu.memory_space<vmem>>, vector<16xf32>,
        %add3A_677 = arith.constant 112 : i32
        %add3A_678 = arith.addi %add3A_549, %add3A_677 : i32
        %get3A_679 = arith.index_cast %add3A_678 : i32 to index
        %get3A_680 = tpu.vector_load %arg9[%get3A_679] {strides = array<i32>} : memref<19968xf32, #tpu.memory_space<vmem>>, vector<16xf32>,
        %mul3A_681 = arith.mulf %get3A_676, %get3A_345 : vector<16xf32>
        %add3A_682 = arith.addf %mul3A_681, %get3A_680 : vector<16xf32>
        %max3A_683 = arith.constant 0.000000e+00 : f32
        %max3A_684 = vector.broadcast %max3A_683 : f32 to vector<16xf32>
        %max3A_685 = arith.maximumf %add3A_682, %max3A_684 : vector<16xf32>
        scf.yield %get3A_553, %get3A_570, %get3A_587, %get3A_604, %get3A_621, %get3A_638, %get3A_655, %get3A_672, %max3A_566, %max3A_583, %max3A_600, %max3A_617, %max3A_634, %max3A_651, %max3A_668, %max3A_685 : vector<16xi32>, vector<16xi32>, vector<16xi32>, vector<16xi32>, vector<16xi32>, vector<16xi32>, vector<16xi32>, vector<16xi32>, vector<16xf32>, vector<16xf32>, vector<16xf32>, vector<16xf32>, vector<16xf32>, vector<16xf32>, vector<16xf32>, vector<16xf32>
      }
      %scan3A_439 = arith.constant 8 : i32
      %mul3A_440 = arith.constant 50000 : i32
      %mul3A_441 = arith.muli %add3A_27, %mul3A_440 : i32
      %dma_start3A = arith.constant 0 : i32
      %dma_start3A_442 = tpu.memref_slice %arg11[%dma_start3A] : memref<25088xf32, #tpu.memory_space<vmem>> -> memref<25088xf32, #tpu.memory_space<vmem>>
      %dma_start3A_443 = tpu.memref_slice %arg6[%mul3A_441] : memref<51200000xf32, #tpu.memory_space<hbm>> -> memref<25088xf32, #tpu.memory_space<hbm>>
      %dma_start3A_444 = tpu.memref_slice %arg6[%mul3A_441] : memref<51200000xf32, #tpu.memory_space<hbm>> -> memref<25088xf32, #tpu.memory_space<hbm>>
      %dma_start3A_445 = arith.constant 0 : i32
      %dma_start3A_446 = tpu.memref_slice %arg11[%dma_start3A_445] : memref<25088xf32, #tpu.memory_space<vmem>> -> memref<25088xf32, #tpu.memory_space<vmem>>
      tpu.enqueue_dma source(%dma_start3A_446 : memref<25088xf32, #tpu.memory_space<vmem>>) target(%dma_start3A_444 : memref<25088xf32, #tpu.memory_space<hbm>>) target_semaphore(%arg13 : memref<!tpu.dma_semaphore, #tpu.memory_space<semaphore_mem>>)
      %mul3A_447 = arith.constant 50000 : i32
      %mul3A_448 = arith.muli %add3A_27, %mul3A_447 : i32
      %add3A_449 = arith.constant 25088 : i32
      %add3A_450 = arith.addi %mul3A_448, %add3A_449 : i32
      %dma_start3A_451 = arith.constant 0 : i32
      %dma_start3A_452 = tpu.memref_slice %arg12[%dma_start3A_451] : memref<25088xf32, #tpu.memory_space<vmem>> -> memref<24912xf32, #tpu.memory_space<vmem>>
      %dma_start3A_453 = tpu.memref_slice %arg6[%add3A_450] : memref<51200000xf32, #tpu.memory_space<hbm>> -> memref<24912xf32, #tpu.memory_space<hbm>>
      %dma_start3A_454 = tpu.memref_slice %arg6[%add3A_450] : memref<51200000xf32, #tpu.memory_space<hbm>> -> memref<24912xf32, #tpu.memory_space<hbm>>
      %dma_start3A_455 = arith.constant 0 : i32
      %dma_start3A_456 = tpu.memref_slice %arg12[%dma_start3A_455] : memref<25088xf32, #tpu.memory_space<vmem>> -> memref<24912xf32, #tpu.memory_space<vmem>>
      tpu.enqueue_dma source(%dma_start3A_456 : memref<24912xf32, #tpu.memory_space<vmem>>) target(%dma_start3A_454 : memref<24912xf32, #tpu.memory_space<hbm>>) target_semaphore(%arg14 : memref<!tpu.dma_semaphore, #tpu.memory_space<semaphore_mem>>)
    }
    %scan3A_8 = arith.constant 32 : i32
    %dma_wait3A = arith.constant 0 : i32
    %dma_wait3A_9 = tpu.memref_slice %arg11[%dma_wait3A] : memref<25088xf32, #tpu.memory_space<vmem>> -> memref<25088xf32, #tpu.memory_space<vmem>>
    %dma_wait3A_10 = arith.constant 0 : i32
    %dma_wait3A_11 = tpu.memref_slice %arg6[%dma_wait3A_10] : memref<51200000xf32, #tpu.memory_space<hbm>> -> memref<25088xf32, #tpu.memory_space<hbm>>
    %dma_wait3A_12 = arith.constant 0 : i32
    %dma_wait3A_13 = tpu.memref_slice %arg6[%dma_wait3A_12] : memref<51200000xf32, #tpu.memory_space<hbm>> -> memref<25088xf32, #tpu.memory_space<hbm>>
    %dma_wait3A_14 = arith.constant 0 : i32
    %dma_wait3A_15 = tpu.memref_slice %arg11[%dma_wait3A_14] : memref<25088xf32, #tpu.memory_space<vmem>> -> memref<25088xf32, #tpu.memory_space<vmem>>
    tpu.wait_dma2 semaphore(%arg13 : memref<!tpu.dma_semaphore, #tpu.memory_space<semaphore_mem>>) src(%dma_wait3A_15 : memref<25088xf32, #tpu.memory_space<vmem>>) dst(%dma_wait3A_13 : memref<25088xf32, #tpu.memory_space<hbm>>)
    %dma_wait3A_16 = arith.constant 0 : i32
    %dma_wait3A_17 = tpu.memref_slice %arg12[%dma_wait3A_16] : memref<25088xf32, #tpu.memory_space<vmem>> -> memref<24912xf32, #tpu.memory_space<vmem>>
    %dma_wait3A_18 = arith.constant 0 : i32
    %dma_wait3A_19 = tpu.memref_slice %arg6[%dma_wait3A_18] : memref<51200000xf32, #tpu.memory_space<hbm>> -> memref<24912xf32, #tpu.memory_space<hbm>>
    %dma_wait3A_20 = arith.constant 0 : i32
    %dma_wait3A_21 = tpu.memref_slice %arg6[%dma_wait3A_20] : memref<51200000xf32, #tpu.memory_space<hbm>> -> memref<24912xf32, #tpu.memory_space<hbm>>
    %dma_wait3A_22 = arith.constant 0 : i32
    %dma_wait3A_23 = tpu.memref_slice %arg12[%dma_wait3A_22] : memref<25088xf32, #tpu.memory_space<vmem>> -> memref<24912xf32, #tpu.memory_space<vmem>>
    tpu.wait_dma2 semaphore(%arg14 : memref<!tpu.dma_semaphore, #tpu.memory_space<semaphore_mem>>) src(%dma_wait3A_23 : memref<24912xf32, #tpu.memory_space<vmem>>) dst(%dma_wait3A_21 : memref<24912xf32, #tpu.memory_space<hbm>>)
    return
  }
}

</mosaic_0001>

<sc_bundles>
// kernel: kernel.3.cloned.1.call-start
scs
__scs_entry_jumppad:
0x0: {  	(pc) =	sbr.rel $0x88, $3  }
0x1: {  	(tag) =	ssettag $0x0;
	lr =	simm.s32 $0x1  }
0x2: {  	[smem:$0x3F91] =	sst lr;
	_ =	strace $0xD0000000  }
0x3: {  	_ = 	snop  }
0x4: {  	_ = 	snop  }
0x5: {  	_ = 	snop  }
0x6: {  	_ = 	snop  }
0x7: {  	_ = 	snop  }
__scs_overlays_trampoline_lowered:
0x8: {  	[smem:$0x3FA0] =	sst s0  }
0x9: {  	[smem:$0x3FA1] =	sst s1  }
0xa: {  	[smem:$0x3FA2] =	sst s2  }
0xb: {  	[smem:$0x3FA3] =	sst s3  }
0xc: {  	[smem:$0x3FA4] =	sst s4  }
0xd: {  	[smem:$0x3FA5] =	sst s5  }
0xe: {  	[smem:$0x3FA6] =	sst s6  }
0xf: {  	[smem:$0x3FA7] =	sst s7  }
0x10: {  	[smem:$0x3FA8] =	sst s8  }
0x11: {  	[smem:$0x3FA9] =	sst s9;
	s0 =	simm.s32 @!p0 $0x0  }
0x12: {  	s1 =	sld [smem:$0x3F8F];
	s0 =	simm.s32 @p0 $0x1  }
0x13: {  	[smem:$0x3FAA] =	sst s0;
	s0 =	simm.s32 @!p1 $0x0  }
0x14: {  	s2 =	sld [smem:$0x3F8E];
	s0 =	simm.s32 @p1 $0x1  }
0x15: {  	[smem:$0x3FAB] =	sst s0;
	s0 =	simm.s32 @!p2 $0x0  }
0x16: {  	s3 =	sld [smem:$0x3FDB];
	s0 =	simm.s32 @p2 $0x1  }
0x17: {  	s4 =	simm.s32 $0x1BF5;
	[smem:$0x3FAD] =	sst s0  }
0x18: {  	s0 =	sld [smem:$0x3F90];
	_ =	swait.ge [sflag:s4], $0x0  }
0x19: {  	s7 =	sld [smem:$0x3F91]  }
0x1a: {  	s8 =	sadd.s32 $0xFFFFE003, lr  }
0x1b: {  	s9 =	sadd.s32 $0xFFFFFEF7, lr;
	s5 =	simm.s32 $0xFFFFFFFF;
	p2 =	slt.u32 s8, $0xFFFFF086  }
0x1c: {  	p1 =	slt.u32 s9, $0xF7A;
	s5 =	simm.s32 @!p2 $0x0  }
0x1d: {  	s5 =	simm.s32 @p1 $0x1;
	p0 =	seq.s32 s7, s2  }
0x1e: {  	s7 =	smul.u32 @!p0 $0xF7A, s2;
	p2 =	seq.s32 @!p0 s5, $0x0  }
0x1f: {  	s9 =	smul.u32 $0xF7A, s1;
	s8 =	simm.s32 @!p0 $0x1BF5;
	p2 =	por !p2, p0  }
0x20: {  	[sflag:s8] =	ssyncset.s32 @!p0 $0xFFFFF086;
	s6 =	sadd.s32 @!p0 s3, s7;
	s7 =	simm.s32 @!p0 $0x108  }
0x21: {  	s3 =	sadd.s32 s3, s9;
	s6 =	sadd.s32 @!p0 $0x88, s6;
	s7 =	simm.s32 @p2 $0x1082  }
0x22: {  	[simem:s7], [sflag:s8] =	dma.local @!p0 [hbm:s6], $0xF7A  }
0x23: {  	s9 =	sor.u32 $0xD0000000, s2;
	s6 =	simm.s32 $0x108;
	_ =	swait.ge @!p0 [sflag:s8], $0x0  }
0x24: {  	s3 =	sadd.s32 $0x88, s3;
	s6 =	simm.s32 @!p1 $0x1082;
	[sflag:s4] =	ssyncset.s32 $0xFFFFF086  }
0x25: {  	[simem:s6], [sflag:s4] =	dma.local [hbm:s3], $0xF7A  }
0x26: {  	[smem:$0x3F91] =	sst s1;
	(tag) =	ssettag s2;
	_ =	strace s9  }
0x27: {  	s1 =	sld [smem:$0x3FA1]  }
0x28: {  	s2 =	sld [smem:$0x3FA2]  }
0x29: {  	s4 =	sld [smem:$0x3FA4]  }
0x2a: {  	p0 =	seq.s32 s5, $0x0;
	s5 =	sld [smem:$0x3FA5]  }
0x2b: {  	s6 =	sld [smem:$0x3FA6]  }
0x2c: {  	s7 =	sld [smem:$0x3FA7]  }
0x2d: {  	s3 =	simm.s32 $0x108;
	s8 =	sld [smem:$0x3FA8]  }
0x2e: {  	s3 =	simm.s32 @!p0 $0x1082;
	s9 =	sld [smem:$0x3FA9]  }
0x2f: {  	lr =	sadd.s32 s0, s3;
	s0 =	sld [smem:$0x3FA0]  }
0x30: {  	s3 =	sld [smem:$0x3FA3]  }
0x31: {  	[smem:$0x3FAC] =	sst s10  }
0x32: {  	s10 =	sld [smem:$0x3FAA];
	_ =	sdelay $0x3  }
0x33: {  	p0 =	seq.s32 s10, $0x1;
	s10 =	sld [smem:$0x3FAC];
	_ =	sdelay $0x3  }
0x34: {  	[smem:$0x3FAC] =	sst s10  }
0x35: {  	s10 =	sld [smem:$0x3FAB];
	_ =	sdelay $0x3  }
0x36: {  	p1 =	seq.s32 s10, $0x1;
	s10 =	sld [smem:$0x3FAC];
	_ =	sdelay $0x3  }
0x37: {  	[smem:$0x3FAC] =	sst s10  }
0x38: {  	s10 =	sld [smem:$0x3FAD]  }
0x39: {  	_ = 	snop;
	(pc) =	sbr.ind lr, $3  }
0x3a: {  	_ = 	snop  }
0x3b: {  	_ = 	snop  }
0x3c: {  	p2 =	seq.s32 s10, $0x1;
	s10 =	sld [smem:$0x3FAC]  }
0x3d: {  	_ =	shalt  }
0x3e: {  	_ =	shalt  }
0x3f: {  	_ =	shalt  }
0x40: {  	_ =	shalt  }
0x41: {  	_ =	shalt  }
0x42: {  	_ =	shalt  }
0x43: {  	_ =	shalt  }
0x44: {  	_ =	shalt  }
0x45: {  	_ =	shalt  }
0x46: {  	_ =	shalt  }
0x47: {  	_ =	shalt  }
0x48: {  	_ =	shalt  }
0x49: {  	_ =	shalt  }
0x4a: {  	_ =	shalt  }
0x4b: {  	_ =	shalt  }
0x4c: {  	_ =	shalt  }
0x4d: {  	_ =	shalt  }
0x4e: {  	_ =	shalt  }
0x4f: {  	_ =	shalt  }
0x50: {  	_ =	shalt  }
0x51: {  	_ =	shalt  }
0x52: {  	_ =	shalt  }
0x53: {  	_ =	shalt  }
0x54: {  	_ =	shalt  }
0x55: {  	_ =	shalt  }
0x56: {  	_ =	shalt  }
0x57: {  	_ =	shalt  }
0x58: {  	_ =	shalt  }
0x59: {  	_ =	shalt  }
0x5a: {  	_ =	shalt  }
0x5b: {  	_ =	shalt  }
0x5c: {  	_ =	shalt  }
0x5d: {  	_ =	shalt  }
0x5e: {  	_ =	shalt  }
0x5f: {  	_ =	shalt  }
0x60: {  	_ =	shalt  }
0x61: {  	_ =	shalt  }
0x62: {  	_ =	shalt  }
0x63: {  	_ =	shalt  }
0x64: {  	_ =	shalt  }
0x65: {  	_ =	shalt  }
0x66: {  	_ =	shalt  }
0x67: {  	_ =	shalt  }
0x68: {  	_ =	shalt  }
0x69: {  	_ =	shalt  }
0x6a: {  	_ =	shalt  }
0x6b: {  	_ =	shalt  }
0x6c: {  	_ =	shalt  }
0x6d: {  	_ =	shalt  }
0x6e: {  	_ =	shalt  }
0x6f: {  	_ =	shalt  }
0x70: {  	_ =	shalt  }
0x71: {  	_ =	shalt  }
0x72: {  	_ =	shalt  }
0x73: {  	_ =	shalt  }
0x74: {  	_ =	shalt  }
0x75: {  	_ =	shalt  }
0x76: {  	_ =	shalt  }
0x77: {  	_ =	shalt  }
0x78: {  	_ =	shalt  }
0x79: {  	_ =	shalt  }
0x7a: {  	_ =	shalt  }
0x7b: {  	_ =	shalt  }
0x7c: {  	_ =	shalt  }
0x7d: {  	_ =	shalt  }
0x7e: {  	_ =	shalt  }
0x7f: {  	_ =	shalt  }
0x80: {  	_ =	shalt  }
0x81: {  	_ =	shalt  }
0x82: {  	_ =	shalt  }
0x83: {  	_ =	shalt  }
0x84: {  	_ =	shalt  }
0x85: {  	_ =	shalt  }
0x86: {  	_ =	shalt  }
0x87: {  	_ =	shalt  }
.Lfunc_end0:
.L_simem_size_0:
called_computation.1_lowered:
.L_overlay_start_0:
0x88: {  	s2 =	sld [smem:$0x3FD9]  }
0x89: {  	s3 =	sld [smem:$0x3FFE];
	_ =	sdelay $0x1  }
0x8a: {  	s1 =	srdreg.scid  }
0x8b: {  	s0 =	sand.u32 $0x1, s1  }
0x8c: {  	s17 =	sshll.u32 s0, $0xA;
	s2 =	sadd.s32 s3, s2  }
0x8d: {  	s2 =	sadd.s32 s2, s17  }
0x8e: {  	[smem:$0x3FB8] =	sst s2  }
0x8f: {  	_ = 	snop  }
0x90: {  	s2 =	sld [smem:$0x3FD0];
	(tm) =	ssettm $0x1  }
0x91: {  	s18 =	sld [smem:$0x3FFB];
	_ =	sdelay $0x3  }
0x92: {  	_ =	strace s18  }
0x93: {  	s3 =	sld [smem:$0x3FFC];
	_ =	sdelay $0x3  }
0x94: {  	_ =	strace s3  }
0x95: {  	s3 =	sld [smem:$0x3FFD];
	_ =	sdelay $0x3  }
0x96: {  	_ =	strace s3  }
0x97: {  	_ =	strace $0x8FFFFFFF  }
0x98: {  	s19 =	sld [smem:$0x3FDB];
	_ =	sdelay $0x1  }
0x99: {  	s4 =	simm.s32 $_scs_section_size  }
0x9a: {  	s5 =	simm.s32 $_size__tile_overlayer_lowered;
	s6 =	simm.s32 $_tile_overlayer_lowered  }
0x9b: {  	s22 =	simm.s32 $0x1BFF;
	s21 =	sshll.u32 s6, $0x1;
	s3 =	sadd.s32 s4, s19  }
0x9c: {  	s7 =	simm.s32 $0x0;
	s20 =	sshll.u32 s5, $0x1;
	s5 =	sadd.s32 s21, s3  }
0x9d: {  	[timem:s7], [sflag:s22] =	dma.local [hbm:s5], s20  }
0x9e: {  	_ =	swait.ge [sflag:s22], s20  }
0x9f: {  	s4 =	ssub.s32 $0x0, s20;
	[sflag:s22] =	ssyncset.done $0x0  }
0xa0: {  	[sflag:s22] =	ssyncadd.s32 s4;
	_ =	sdelay $0x1  }
0xa1: {  	s23 =	simm.s32 $0x1B8B  }
0xa2: {  	_ =	swait.ge [sflag:s23], $0x1  }
0xa3: {  	[sflag:s23] =	ssyncset.done $0x0  }
0xa4: {  	s25 =	simm.s32 $0x1B8E;
	s24 =	sld [smem:$0x3FFE];
	[sflag:s23] =	ssyncadd.s32 $0xFFFFFFFF  }
0xa5: {  	s26 =	simm.s32 $execute0_lowered;
	[smem:$0x3FD2] =	sst s25  }
0xa6: {  	s5 =	sshll.u32 s26, $0x1;
	_ =	strace $0x80000046;
	[dreg:$0x1] =	wrdreg $0xFFFFFFFF  }
0xa7: {  	s28 =	simm.s32 $_size_execute0_lowered;
	s3 =	sadd.s32 s3, s5;
	[dreg:$0x0] =	wrdreg $0x0  }
0xa8: {  	s5 =	sshll.u32 s28, $0x1;
	[dreg:$0x2] =	wrdreg s3  }
0xa9: {  	[dreg:$0x3] =	wrdreg s5  }
0xaa: {  	[dreg:$0x4] =	wrdreg $0xC0  }
0xab: {  	_ =	task [dreg:s7], $0x5FFFF  }
0xac: {  	[dreg:$0x1] =	wrdreg $0xFFFFFFFF  }
0xad: {  	[dreg:$0x0] =	wrdreg $0x60  }
0xae: {  	[dreg:$0x2] =	wrdreg s24  }
0xaf: {  	[dreg:$0x3] =	wrdreg s2  }
0xb0: {  	[dreg:$0x4] =	wrdreg $0x9  }
0xb1: {  	_ =	task.clear_ibuf [dreg:s7], $0x5FFFF;
	_ =	strace $0x90000046  }
0xb2: {  	s29 =	simm.s32 $0x9;
	_ =	strace $0x80000048  }
0xb3: {  	_ =	swait.ge [sflag:s29], $0x1  }
0xb4: {  	[sflag:s29] =	ssyncadd.s32 $0xFFFFFFFF  }
0xb5: {  	_ =	strace $0x90000048  }
0xb6: {  	_ =	sfence  }
0xb7: {  	s30 =	sld [smem:$0x0];
	_ =	sdelay $0x2  }
0xb8: {  	s31 =	sshll.u32 s1, $0xD;
	s1 =	sshrl.u32 s1, $0x2  }
0xb9: {  	s3 =	sand.u32 $0x4000, s31;
	s1 =	sadd.s32 s1, s30  }
0xba: {  	s0 =	sor.u32 s3, s0;
	s1 =	sshll.u32 s1, $0x11  }
0xbb: {  	s0 =	sor.u32 s1, s0  }
0xbc: {  	s0 =	sadd.s32 $0x8F2B, s0  }
0xbd: {  	[sflag:s0] =	ssyncadd.remote.s32 $0x1  }
0xbe: {  	_ =	sfence.sel $0xFFFF  }
0xbf: {  	[dreg:$0x0] =	wrdreg $0xFFFFFFFF;
	(pc) =	sbr.abs _section_cstart, $3  }
0xc0: {  	[dreg:$0x1] =	wrdreg $0xFFFFFFFF  }
0xc1: {  	_ =	task.clear_ibuf [dreg:s7], $0x2FFFF;
	_ =	strace $0x9FFFFFFF  }
0xc2: {  	(tm) =	ssettm $0x7FFFFFFF  }
0xc3: {  	_ =	shalt  }
tec
execute0_lowered:
.L_overlay_start_1:
0x0: {  	(tag) =	ssettag $0x1  }
0x1: {  	s0 =	rddreg [dreg:$0x0]  }
0x2: {  	s1 =	rddreg [dreg:$0x1];
	s3 =	simm.s32 $0x0  }
0x3: {  	s2 =	srdreg.scid;
	s4 =	stileid.u32;
	s10 =	simm.s32 $0x3  }
0x4: {  	s11 =	simm.s32 $0x4E00;
	s12 =	simm.s32 $0x9C00;
	s13 =	simm.s32 $0xEA00  }
0x5: {  	s14 =	simm.s32 $0xF200;
	s15 =	simm.s32 $0x15400;
	s16 =	simm.s32 $0x1  }
0x6: {  	s17 =	simm.s32 $0x2;
	s18 =	simm.s32 $0x0;
	[smem:$0x7FF] =	sst s3  }
0x7: {  	s2 =	sand.u32 $0x1, s2;
	s5 =	sshll.u32 s4, $0x1;
	s4 =	sadd.s32 $0x2600, s0  }
0x8: {  	s6 =	sadd.s32 $0x3A00, s0;
	s8 =	sor.u32 s2, s5;
	s2 =	ssub.s32 $0x2, s2  }
0x9: {  	_ =	strace $0x80000047;
	s7 =	sshll.u32 s8, $0x8;
	s9 =	sshrl.u32 s2, $0x1  }
0xa: {  	s5 =	sadd.s32 $0x3000, s0;
	s0 =	sadd.s32 s7, s0;
	s2 =	ssub.s32 s2, s9  }
0xb: {  	v0 =	vimm.f32 $0.0e+00;
	s8 =	sshll.u32 s8, $0x5;
	s7 =	sadd.s32 $0x600, s0;
	s9 =	smax.u32 s2, $0x1  }
.LBB2_1:
0xc: {  	[tilespmem:s3], [sflag:$0x3] =	stream.linear.gather [hbm4b:s4+s3], $0x4E00, $0x38;
	[tilespmem:$0x1B600] =	vst v63  }
0xd: {  	_ =	swait.ge [sflag:s10], $0x4E00  }
0xe: {  	[sflag:s10] =	ssyncset.done $0x0  }
0xf: {  	[sflag:s10] =	ssyncadd.s32 $0xFFFFB200  }
0x10: {  	[tilespmem:s11], [sflag:$0x3] =	stream.linear.gather [hbm4b:s5+s3], $0x4E00, $0x38;
	[tilespmem:$0x1B600] =	vst v63  }
0x11: {  	_ =	swait.ge [sflag:s10], $0x4E00  }
0x12: {  	[sflag:s10] =	ssyncset.done $0x0  }
0x13: {  	[sflag:s10] =	ssyncadd.s32 $0xFFFFB200  }
0x14: {  	[tilespmem:s12], [sflag:$0x3] =	stream.linear.gather [hbm4b:s6+s3], $0x4E00, $0x38;
	[tilespmem:$0x1B600] =	vst v63  }
0x15: {  	_ =	swait.ge [sflag:s10], $0x4E00  }
0x16: {  	[sflag:s10] =	ssyncset.done $0x0  }
0x17: {  	[sflag:s10] =	ssyncadd.s32 $0xFFFFB200  }
0x18: {  	[tilespmem:s13], [sflag:$0x3] =	stream.linear.gather [hbm4b:s7+s3], $0x800, $0x38;
	[tilespmem:$0x1B600] =	vst v63  }
0x19: {  	_ =	swait.ge [sflag:s10], $0x800  }
0x1a: {  	[sflag:s10] =	ssyncset.done $0x0  }
0x1b: {  	s19 =	simm.s32 $0x0;
	[sflag:s10] =	ssyncadd.s32 $0xFFFFF800  }
.LBB2_2:
0x1c: {  	p0 =	seq.s32 s19, $0x0  }
0x1d: {  	s0 =	simm.s32 @!p0 $0x1  }
0x1e: {  	_ =	swait.ge @!p0 [sflag:s0], $0x6200  }
0x1f: {  	[sflag:s0] =	ssyncset.done @!p0 $0x0  }
0x20: {  	[sflag:s0] =	ssyncadd.s32 @!p0 $0xFFFF9E00;
	s0 =	simm.s32 @!p0 $0x2  }
0x21: {  	_ =	swait.ge @!p0 [sflag:s0], $0x6150  }
0x22: {  	s20 =	sadd.s32 s8, s19;
	[sflag:s0] =	ssyncset.done @!p0 $0x0  }
0x23: {  	s2 =	simm.s32 $0x400;
	[sflag:s0] =	ssyncadd.s32 @!p0 $0xFFFF9EB0;
	s0 =	simm.s32 $0x0  }
.LBB2_3:
0x24: {  	p0 =	sne.s32 s2, $0x18400;
	[tilespmem:s0+$0xF2F0] =	vst v0  }
0x25: {  	[tilespmem:s0+$0xF200] =	vst v0  }
0x26: {  	[tilespmem:s0+$0xF210] =	vst v0  }
0x27: {  	[tilespmem:s0+$0xF220] =	vst v0  }
0x28: {  	[tilespmem:s0+$0xF230] =	vst v0  }
0x29: {  	[tilespmem:s0+$0xF240] =	vst v0  }
0x2a: {  	[tilespmem:s0+$0xF250] =	vst v0  }
0x2b: {  	[tilespmem:s0+$0xF260] =	vst v0  }
0x2c: {  	[tilespmem:s0+$0xF270] =	vst v0  }
0x2d: {  	[tilespmem:s0+$0xF280] =	vst v0  }
0x2e: {  	[tilespmem:s0+$0xF290] =	vst v0  }
.Ltmp0:
0x2f: {  	[tilespmem:s0+$0xF2A0] =	vst v0;
	(pc) =	sbr.rel @p0 .LBB2_3-.Ltmp0, $4  }
0x30: {  	[tilespmem:s0+$0xF2B0] =	vst v0  }
0x31: {  	[tilespmem:s0+$0xF2C0] =	vst v0  }
0x32: {  	[tilespmem:s0+$0xF2D0] =	vst v0  }
0x33: {  	[tilespmem:s0+$0xF2E0] =	vst v0;
	s0 =	sshra.s32 s2, $0x2;
	s2 =	sadd.s32 $0x400, s2  }
0x34: {  	[tilespmem:s0+$0xF2F0] =	vst v0  }
0x35: {  	[tilespmem:s0+$0xF200] =	vst v0  }
0x36: {  	[tilespmem:s0+$0xF210] =	vst v0  }
0x37: {  	[tilespmem:s0+$0xF220] =	vst v0  }
0x38: {  	[tilespmem:s0+$0xF230] =	vst v0  }
0x39: {  	[tilespmem:s0+$0xF240] =	vst v0  }
0x3a: {  	[tilespmem:s0+$0xF250] =	vst v0  }
0x3b: {  	[tilespmem:s0+$0xF260] =	vst v0  }
0x3c: {  	[tilespmem:s0+$0xF270] =	vst v0  }
0x3d: {  	[tilespmem:s0+$0xF280] =	vst v0  }
0x3e: {  	[tilespmem:s0+$0xF290] =	vst v0  }
0x3f: {  	[tilespmem:s0+$0xF2A0] =	vst v0  }
0x40: {  	[tilespmem:s0+$0xF2B0] =	vst v0  }
0x41: {  	[tilespmem:s0+$0xF2C0] =	vst v0  }
0x42: {  	[tilespmem:s0+$0xF2D0] =	vst v0  }
0x43: {  	[tilespmem:s0+$0xF2E0] =	vst v0;
	s0 =	simm.s32 $0x0;
	s2 =	simm.s32 $0x400  }
.LBB2_5:
0x44: {  	p0 =	sne.s32 s2, $0x18400;
	[tilespmem:s0+$0x154F0] =	vst v0  }
0x45: {  	[tilespmem:s0+$0x15400] =	vst v0  }
0x46: {  	[tilespmem:s0+$0x15410] =	vst v0  }
0x47: {  	[tilespmem:s0+$0x15420] =	vst v0  }
0x48: {  	[tilespmem:s0+$0x15430] =	vst v0  }
0x49: {  	[tilespmem:s0+$0x15440] =	vst v0  }
0x4a: {  	[tilespmem:s0+$0x15450] =	vst v0  }
0x4b: {  	[tilespmem:s0+$0x15460] =	vst v0  }
0x4c: {  	[tilespmem:s0+$0x15470] =	vst v0  }
0x4d: {  	[tilespmem:s0+$0x15480] =	vst v0  }
0x4e: {  	[tilespmem:s0+$0x15490] =	vst v0  }
.Ltmp1:
0x4f: {  	[tilespmem:s0+$0x154A0] =	vst v0;
	(pc) =	sbr.rel @p0 .LBB2_5-.Ltmp1, $4  }
0x50: {  	[tilespmem:s0+$0x154B0] =	vst v0  }
0x51: {  	[tilespmem:s0+$0x154C0] =	vst v0  }
0x52: {  	[tilespmem:s0+$0x154D0] =	vst v0  }
0x53: {  	[tilespmem:s0+$0x154E0] =	vst v0;
	s0 =	sshra.s32 s2, $0x2;
	s2 =	sadd.s32 $0x400, s2  }
0x54: {  	[tilespmem:s0+$0x154F0] =	vst v0  }
0x55: {  	[tilespmem:s0+$0x15400] =	vst v0  }
0x56: {  	[tilespmem:s0+$0x15410] =	vst v0  }
0x57: {  	[tilespmem:s0+$0x15420] =	vst v0  }
0x58: {  	[tilespmem:s0+$0x15430] =	vst v0  }
0x59: {  	[tilespmem:s0+$0x15440] =	vst v0  }
0x5a: {  	[tilespmem:s0+$0x15450] =	vst v0  }
0x5b: {  	[tilespmem:s0+$0x15460] =	vst v0  }
0x5c: {  	[tilespmem:s0+$0x15470] =	vst v0  }
0x5d: {  	[tilespmem:s0+$0x15480] =	vst v0  }
0x5e: {  	[tilespmem:s0+$0x15490] =	vst v0  }
0x5f: {  	[tilespmem:s0+$0x154A0] =	vst v0  }
0x60: {  	[tilespmem:s0+$0x154B0] =	vst v0  }
0x61: {  	[tilespmem:s0+$0x154C0] =	vst v0  }
0x62: {  	[tilespmem:s0+$0x154D0] =	vst v0  }
0x63: {  	[tilespmem:s0+$0x154E0] =	vst v0  }
0x64: {  	v2 =	vld [tilespmem:$0x4E00]  }
0x65: {  	v3 =	vld [tilespmem:$0x9C00]  }
0x66: {  	v4 =	vld [tilespmem:$0x4E10]  }
0x67: {  	v5 =	vld [tilespmem:$0x9C10]  }
0x68: {  	v6 =	vld [tilespmem:$0x4E20]  }
0x69: {  	v7 =	vld [tilespmem:$0x9C20]  }
0x6a: {  	v8 =	vld [tilespmem:$0x4E30]  }
0x6b: {  	v9 =	vld [tilespmem:$0x9C30]  }
0x6c: {  	v10 =	vld [tilespmem:$0x4E40]  }
0x6d: {  	v11 =	vld [tilespmem:$0x9C40]  }
0x6e: {  	v12 =	vld [tilespmem:$0x4E50]  }
0x6f: {  	v13 =	vld [tilespmem:$0x9C50]  }
0x70: {  	s31 =	simm.s32 $0x0;
	v14 =	vld [tilespmem:$0x4E60]  }
0x71: {  	s2 =	sshll.u32 s19, $0x6;
	v15 =	vld [tilespmem:s31+$0x0]  }
0x72: {  	s21 =	sand.u32 $0x3FFFFFC0, s2;
	v16 =	vld [tilespmem:$0x9C60]  }
0x73: {  	s2 =	simm.s32 $0x10;
	v1 =	vld [tilespmem:s21+$0xEA00]  }
0x74: {  	v17 =	vld [tilespmem:s2+$0x0]  }
0x75: {  	s22 =	simm.s32 $0x20;
	v18 =	vld [tilespmem:$0x4E70]  }
0x76: {  	v19 =	vld [tilespmem:s22+$0x0]  }
0x77: {  	s23 =	simm.s32 $0x30;
	v20 =	vld [tilespmem:$0x9C70];
	vm0 =	vlt.s32 v15, $0x6200  }
0x78: {  	s24 =	simm.s32 $0x40;
	v21 =	vld [tilespmem:s23+$0x0];
	vm1 =	vgt.s32 v15, $0x61FF;
	v2 =	vmul.f32 v2, v1  }
0x79: {  	s26 =	simm.s32 $0x60;
	v22 =	vld [tilespmem:s24+$0x0];
	v23 =	vadd.s32 $0xFFFF9E00, v15;
	vm2 =	vlt.s32 v17, $0x6200  }
0x7a: {  	s25 =	simm.s32 $0x50;
	v24 =	vld [tilespmem:s26+$0x0];
	vm3 =	vgt.s32 v17, $0x61FF;
	v2 =	vadd.f32 v3, v2;
	v3 =	vmul.f32 v4, v1  }
0x7b: {  	s30 =	simm.s32 $0x70;
	vm4 =	vlt.s32 v19, $0x6200;
	vm5 =	vgt.s32 v19, $0x61FF;
	v25 =	vadd.s32 $0xFFFF9E00, v17;
	v4 =	vld [tilespmem:s25+$0x0]  }
0x7c: {  	v6 =	vmul.f32 v6, v1;
	v2 =	vmax.f32 v2, $0.0e+00;
	v3 =	vadd.f32 v5, v3;
	v5 =	vld [tilespmem:s30+$0x0]  }
0x7d: {  	vm6 =	vlt.s32 v21, $0x6200;
	v53 =	vadd.s32 $0xFFFF9E00, v19;
	vm14 =	vgt.s32 v21, $0x61FF;
	[tilespmem:v15+s14+$0x0] =	vst.idx.add.f32.msk vm0, v2  }
0x7e: {  	v6 =	vadd.f32 v7, v6;
	[tilespmem:v23+s15+$0x0] =	vst.idx.add.f32.msk vm1, v2;
	v2 =	vmax.f32 v3, $0.0e+00;
	v3 =	vmul.f32 v8, v1  }
0x7f: {  	v54 =	vadd.s32 $0xFFFF9E00, v21;
	vm15 =	vlt.s32 v22, $0x6200;
	vm9 =	vgt.s32 v22, $0x61FF;
	[tilespmem:v17+s14+$0x0] =	vst.idx.add.f32.msk vm2, v2  }
0x80: {  	v55 =	vmul.f32 v10, v1;
	v6 =	vmax.f32 v6, $0.0e+00;
	v3 =	vadd.f32 v9, v3;
	[tilespmem:v25+s15+$0x0] =	vst.idx.add.f32.msk vm3, v2  }
0x81: {  	v56 =	vadd.s32 $0xFFFF9E00, v22;
	vm10 =	vlt.s32 v4, $0x6200;
	vm11 =	vgt.s32 v4, $0x61FF;
	[tilespmem:v19+s14+$0x0] =	vst.idx.add.f32.msk vm4, v6  }
0x82: {  	v2 =	vmul.f32 v12, v1;
	v9 =	vadd.f32 v11, v55;
	v3 =	vmax.f32 v3, $0.0e+00;
	[tilespmem:v53+s15+$0x0] =	vst.idx.add.f32.msk vm5, v6  }
0x83: {  	vm12 =	vlt.s32 v24, $0x6200;
	vm13 =	vgt.s32 v24, $0x61FF;
	v57 =	vadd.s32 $0xFFFF9E00, v4;
	[tilespmem:v21+s14+$0x0] =	vst.idx.add.f32.msk vm6, v3  }
0x84: {  	v59 =	vmul.f32 v14, v1;
	v2 =	vadd.f32 v13, v2;
	v58 =	vmax.f32 v9, $0.0e+00;
	[tilespmem:v54+s15+$0x0] =	vst.idx.add.f32.msk vm14, v3  }
0x85: {  	v61 =	vmul.f32 v18, v1;
	v3 =	vadd.s32 $0xFFFF9E00, v24;
	vm14 =	vlt.s32 v5, $0x6200;
	[tilespmem:v22+s14+$0x0] =	vst.idx.add.f32.msk vm15, v58  }
0x86: {  	v60 =	vadd.f32 v16, v59;
	v2 =	vmax.f32 v2, $0.0e+00;
	vm15 =	vgt.s32 v5, $0x61FF;
	[tilespmem:v56+s15+$0x0] =	vst.idx.add.f32.msk vm9, v58  }
0x87: {  	v62 =	vadd.s32 $0xFFFF9E00, v5;
	[tilespmem:v4+s14+$0x0] =	vst.idx.add.f32.msk vm10, v2  }
0x88: {  	v63 =	vadd.f32 v20, v61;
	v4 =	vmax.f32 v60, $0.0e+00;
	[tilespmem:v57+s15+$0x0] =	vst.idx.add.f32.msk vm11, v2  }
0x89: {  	[tilespmem:v24+s14+$0x0] =	vst.idx.add.f32.msk vm12, v4  }
0x8a: {  	s31 =	simm.s32 $0x1;
	v2 =	vmax.f32 v63, $0.0e+00;
	[tilespmem:v3+s15+$0x0] =	vst.idx.add.f32.msk vm13, v4  }
0x8b: {  	s0 =	smin.u32 s31, $0x63;
	[tilespmem:v5+s14+$0x0] =	vst.idx.add.f32.msk vm14, v2  }
0x8c: {  	s22 =	simm.s32 $0x2;
	s24 =	sshll.u32 s0, $0x7;
	[tilespmem:v62+s15+$0x0] =	vst.idx.add.f32.msk vm15, v2  }
0x8d: {  	s2 =	sor.u32 $0x10, s24;
	s26 =	sor.u32 $0x20, s24;
	s28 =	sor.u32 $0x30, s24;
	v2 =	vld [tilespmem:s24+$0x4E00]  }
0x8e: {  	s29 =	sor.u32 $0x40, s24;
	s0 =	sor.u32 $0x50, s24;
	s25 =	sor.u32 $0x60, s24;
	v3 =	vld [tilespmem:s24+$0x9C00]  }
.LBB2_7:
0x8f: {  	p0 =	sne.s32 s22, $0x64  }
0x90: {  	v4 =	vld [tilespmem:s24+$0x4E10];
	s30 =	sor.u32 $0x70, s24;
	s23 =	smov.u32 s22;
	s22 =	sadd.s32 $0x1, s22  }
0x91: {  	v5 =	vld [tilespmem:s24+$0x9C10]  }
0x92: {  	v6 =	vld [tilespmem:s29+$0x0]  }
0x93: {  	v2 =	vmul.f32 v2, v1;
	v7 =	vld [tilespmem:s24+$0x4E20]  }
0x94: {  	v8 =	vld [tilespmem:s24+$0x9C20]  }
0x95: {  	v2 =	vadd.f32 v3, v2;
	v3 =	vmul.f32 v4, v1;
	v4 =	vld [tilespmem:s24+$0x4E30]  }
0x96: {  	v9 =	vld [tilespmem:s24+$0x4E40]  }
0x97: {  	v10 =	vld [tilespmem:s2+$0x0];
	v2 =	vmax.f32 v2, $0.0e+00;
	v3 =	vadd.f32 v5, v3  }
0x98: {  	v5 =	vld [tilespmem:s28+$0x0];
	v7 =	vmul.f32 v7, v1  }
0x99: {  	v11 =	vld [tilespmem:s26+$0x0];
	v3 =	vmax.f32 v3, $0.0e+00  }
0x9a: {  	v12 =	vld [tilespmem:s24+$0x0];
	v7 =	vadd.f32 v8, v7  }
0x9b: {  	v8 =	vld [tilespmem:s24+$0x4E50]  }
0x9c: {  	v7 =	vmax.f32 v7, $0.0e+00;
	v13 =	vld [tilespmem:s24+$0x4E60]  }
0x9d: {  	v14 =	vld [tilespmem:s0+$0x0]  }
0x9e: {  	vm3 =	vgt.s32 v10, $0x61FF;
	v15 =	vld [tilespmem:s25+$0x0]  }
0x9f: {  	v4 =	vmul.f32 v4, v1;
	vm0 =	vlt.s32 v5, $0x6200;
	vm9 =	vgt.s32 v12, $0x61FF;
	v16 =	vld [tilespmem:s24+$0x4E70]  }
0xa0: {  	vm10 =	vlt.s32 v10, $0x6200;
	vm1 =	vgt.s32 v5, $0x61FF;
	vm8 =	vlt.s32 v12, $0x6200;
	v17 =	vld [tilespmem:s24+$0x9C30]  }
0xa1: {  	vm2 =	vlt.s32 v6, $0x6200;
	v18 =	vadd.s32 $0xFFFF9E00, v5;
	v19 =	vld [tilespmem:s24+$0x9C40];
	v13 =	vmul.f32 v13, v1  }
0xa2: {  	vm4 =	vgt.s32 v6, $0x61FF;
	v22 =	vadd.s32 $0xFFFF9E00, v10;
	v21 =	vadd.s32 $0xFFFF9E00, v12;
	v20 =	vld [tilespmem:s30+$0x0]  }
0xa3: {  	v23 =	vadd.s32 $0xFFFF9E00, v6;
	v9 =	vmul.f32 v9, v1;
	vm5 =	vlt.s32 v14, $0x6200;
	v24 =	vld [tilespmem:s24+$0x9C50]  }
0xa4: {  	vm11 =	vlt.s32 v11, $0x6200;
	v8 =	vmul.f32 v8, v1;
	vm6 =	vgt.s32 v14, $0x61FF;
	v25 =	vld [tilespmem:s24+$0x9C60]  }
0xa5: {  	vm12 =	vgt.s32 v11, $0x61FF;
	v26 =	vadd.s32 $0xFFFF9E00, v14;
	vm7 =	vlt.s32 v15, $0x6200;
	v27 =	vld [tilespmem:s24+$0x9C70]  }
0xa6: {  	[tilespmem:v12+s14+$0x0] =	vst.idx.add.f32.msk vm8, v2;
	v12 =	vadd.s32 $0xFFFF9E00, v11;
	vm8 =	vgt.s32 v15, $0x61FF;
	v9 =	vadd.f32 v19, v9  }
0xa7: {  	v4 =	vadd.f32 v17, v4;
	[tilespmem:v21+s15+$0x0] =	vst.idx.add.f32.msk vm9, v2;
	v2 =	vadd.s32 $0xFFFF9E00, v15;
	vm9 =	vlt.s32 v20, $0x6200  }
0xa8: {  	[tilespmem:v10+s14+$0x0] =	vst.idx.add.f32.msk vm10, v3;
	v9 =	vmax.f32 v9, $0.0e+00;
	v8 =	vadd.f32 v24, v8;
	v10 =	vmul.f32 v16, v1  }
0xa9: {  	[tilespmem:v22+s15+$0x0] =	vst.idx.add.f32.msk vm3, v3;
	v3 =	vmax.f32 v4, $0.0e+00;
	v4 =	vadd.f32 v25, v13  }
0xaa: {  	[tilespmem:v11+s14+$0x0] =	vst.idx.add.f32.msk vm11, v7;
	v8 =	vmax.f32 v8, $0.0e+00;
	v10 =	vadd.f32 v27, v10  }
0xab: {  	[tilespmem:v12+s15+$0x0] =	vst.idx.add.f32.msk vm12, v7;
	v4 =	vmax.f32 v4, $0.0e+00  }
0xac: {  	[tilespmem:v5+s14+$0x0] =	vst.idx.add.f32.msk vm0, v3;
	v5 =	vmax.f32 v10, $0.0e+00  }
0xad: {  	[tilespmem:v18+s15+$0x0] =	vst.idx.add.f32.msk vm1, v3  }
0xae: {  	vm0 =	vgt.s32 v20, $0x61FF;
	[tilespmem:v6+s14+$0x0] =	vst.idx.add.f32.msk vm2, v9  }
0xaf: {  	v3 =	vadd.s32 $0xFFFF9E00, v20;
	[tilespmem:v23+s15+$0x0] =	vst.idx.add.f32.msk vm4, v9  }
0xb0: {  	[tilespmem:v14+s14+$0x0] =	vst.idx.add.f32.msk vm5, v8  }
0xb1: {  	[tilespmem:v26+s15+$0x0] =	vst.idx.add.f32.msk vm6, v8  }
0xb2: {  	[tilespmem:v15+s14+$0x0] =	vst.idx.add.f32.msk vm7, v4  }
.Ltmp2:
0xb3: {  	[tilespmem:v2+s15+$0x0] =	vst.idx.add.f32.msk vm8, v4;
	(pc) =	sbr.rel @p0 .LBB2_7-.Ltmp2, $4  }
0xb4: {  	s0 =	smin.u32 s23, $0x63;
	[tilespmem:v20+s14+$0x0] =	vst.idx.add.f32.msk vm9, v5  }
0xb5: {  	s24 =	sshll.u32 s0, $0x7;
	[tilespmem:v3+s15+$0x0] =	vst.idx.add.f32.msk vm0, v5  }
0xb6: {  	s2 =	sor.u32 $0x10, s24;
	s26 =	sor.u32 $0x20, s24;
	s28 =	sor.u32 $0x30, s24;
	v2 =	vld [tilespmem:s24+$0x4E00]  }
0xb7: {  	s29 =	sor.u32 $0x40, s24;
	s0 =	sor.u32 $0x50, s24;
	s25 =	sor.u32 $0x60, s24;
	v3 =	vld [tilespmem:s24+$0x9C00]  }
0xb8: {  	v1 =	vld [tilespmem:s21+$0xEA10]  }
0xb9: {  	v2 =	vld [tilespmem:$0x8000]  }
0xba: {  	v3 =	vld [tilespmem:$0xCE00]  }
0xbb: {  	v4 =	vld [tilespmem:$0x8010]  }
0xbc: {  	v5 =	vld [tilespmem:$0xCE10]  }
0xbd: {  	v6 =	vld [tilespmem:$0x8020]  }
0xbe: {  	v7 =	vld [tilespmem:$0xCE20]  }
0xbf: {  	v8 =	vld [tilespmem:$0x8030]  }
0xc0: {  	v9 =	vld [tilespmem:$0xCE30]  }
0xc1: {  	v10 =	vld [tilespmem:$0x8040]  }
0xc2: {  	v11 =	vld [tilespmem:$0xCE40]  }
0xc3: {  	v12 =	vld [tilespmem:$0x8050]  }
0xc4: {  	v13 =	vld [tilespmem:$0xCE50]  }
0xc5: {  	v14 =	vld [tilespmem:$0x8060];
	s0 =	simm.s32 $0x3200  }
0xc6: {  	v15 =	vld [tilespmem:s0+$0x0]  }
0xc7: {  	v16 =	vld [tilespmem:$0xCE60];
	s26 =	simm.s32 $0x3210  }
0xc8: {  	v17 =	vld [tilespmem:s26+$0x0]  }
0xc9: {  	v18 =	vld [tilespmem:$0x8070];
	s2 =	simm.s32 $0x3220  }
0xca: {  	v19 =	vld [tilespmem:s2+$0x0]  }
0xcb: {  	v20 =	vld [tilespmem:$0xCE70];
	s22 =	simm.s32 $0x3230;
	vm0 =	vlt.s32 v15, $0x6200  }
0xcc: {  	s24 =	simm.s32 $0x3250;
	v21 =	vld [tilespmem:s22+$0x0];
	v2 =	vmul.f32 v2, v1;
	vm1 =	vgt.s32 v15, $0x61FF  }
0xcd: {  	s2 =	simm.s32 $0x3240;
	v25 =	vld [tilespmem:s24+$0x0];
	v22 =	vadd.s32 $0xFFFF9E00, v15;
	vm2 =	vlt.s32 v17, $0x6200  }
0xce: {  	s23 =	simm.s32 $0x3270;
	v23 =	vld [tilespmem:s2+$0x0];
	vm3 =	vgt.s32 v17, $0x61FF;
	v2 =	vadd.f32 v3, v2;
	v3 =	vmul.f32 v4, v1  }
0xcf: {  	s25 =	simm.s32 $0x3260;
	v6 =	vmul.f32 v6, v1;
	v24 =	vadd.s32 $0xFFFF9E00, v17;
	vm4 =	vlt.s32 v19, $0x6200;
	v4 =	vld [tilespmem:s23+$0x0]  }
0xd0: {  	vm5 =	vgt.s32 v19, $0x61FF;
	v2 =	vmax.f32 v2, $0.0e+00;
	v3 =	vadd.f32 v5, v3;
	v5 =	vld [tilespmem:s25+$0x0]  }
0xd1: {  	vm14 =	vlt.s32 v21, $0x6200;
	v6 =	vadd.f32 v7, v6;
	v7 =	vadd.s32 $0xFFFF9E00, v19;
	[tilespmem:v15+s14+$0x0] =	vst.idx.add.f32.msk vm0, v2  }
0xd2: {  	vm15 =	vgt.s32 v21, $0x61FF;
	[tilespmem:v22+s15+$0x0] =	vst.idx.add.f32.msk vm1, v2;
	v2 =	vmax.f32 v3, $0.0e+00;
	v3 =	vmul.f32 v8, v1  }
0xd3: {  	vm8 =	vlt.s32 v23, $0x6200;
	vm9 =	vgt.s32 v23, $0x61FF;
	v8 =	vadd.s32 $0xFFFF9E00, v21;
	[tilespmem:v17+s14+$0x0] =	vst.idx.add.f32.msk vm2, v2  }
0xd4: {  	v6 =	vmax.f32 v6, $0.0e+00;
	[tilespmem:v24+s15+$0x0] =	vst.idx.add.f32.msk vm3, v2;
	v2 =	vadd.f32 v9, v3;
	v3 =	vmul.f32 v10, v1  }
0xd5: {  	vm10 =	vlt.s32 v25, $0x6200;
	v9 =	vmul.f32 v12, v1;
	v10 =	vadd.s32 $0xFFFF9E00, v23;
	[tilespmem:v19+s14+$0x0] =	vst.idx.add.f32.msk vm4, v6  }
0xd6: {  	vm11 =	vgt.s32 v25, $0x61FF;
	v2 =	vmax.f32 v2, $0.0e+00;
	v3 =	vadd.f32 v11, v3;
	[tilespmem:v7+s15+$0x0] =	vst.idx.add.f32.msk vm5, v6  }
0xd7: {  	vm12 =	vlt.s32 v5, $0x6200;
	v6 =	vadd.f32 v13, v9;
	v7 =	vadd.s32 $0xFFFF9E00, v25;
	[tilespmem:v21+s14+$0x0] =	vst.idx.add.f32.msk vm14, v2  }
0xd8: {  	vm13 =	vgt.s32 v5, $0x61FF;
	v9 =	vmul.f32 v14, v1;
	v3 =	vmax.f32 v3, $0.0e+00;
	[tilespmem:v8+s15+$0x0] =	vst.idx.add.f32.msk vm15, v2  }
0xd9: {  	vm14 =	vlt.s32 v4, $0x6200;
	v2 =	vmax.f32 v6, $0.0e+00;
	v6 =	vadd.s32 $0xFFFF9E00, v5;
	[tilespmem:v23+s14+$0x0] =	vst.idx.add.f32.msk vm8, v3  }
0xda: {  	v8 =	vadd.f32 v16, v9;
	v9 =	vmul.f32 v18, v1;
	vm15 =	vgt.s32 v4, $0x61FF;
	[tilespmem:v10+s15+$0x0] =	vst.idx.add.f32.msk vm9, v3  }
0xdb: {  	v3 =	vadd.s32 $0xFFFF9E00, v4;
	[tilespmem:v25+s14+$0x0] =	vst.idx.add.f32.msk vm10, v2  }
0xdc: {  	v8 =	vmax.f32 v8, $0.0e+00;
	v9 =	vadd.f32 v20, v9;
	[tilespmem:v7+s15+$0x0] =	vst.idx.add.f32.msk vm11, v2  }
0xdd: {  	[tilespmem:v5+s14+$0x0] =	vst.idx.add.f32.msk vm12, v8  }
0xde: {  	s26 =	simm.s32 $0x1;
	v2 =	vmax.f32 v9, $0.0e+00;
	[tilespmem:v6+s15+$0x0] =	vst.idx.add.f32.msk vm13, v8  }
0xdf: {  	s0 =	smin.u32 s26, $0xF;
	[tilespmem:v4+s14+$0x0] =	vst.idx.add.f32.msk vm14, v2  }
0xe0: {  	s24 =	sshll.u32 s0, $0x7;
	[tilespmem:v3+s15+$0x0] =	vst.idx.add.f32.msk vm15, v2  }
0xe1: {  	v2 =	vld [tilespmem:s24+$0xCE00]  }
0xe2: {  	v5 =	vld [tilespmem:s24+$0xCE60]  }
0xe3: {  	v6 =	vld [tilespmem:s24+$0xCE70]  }
0xe4: {  	v3 =	vld [tilespmem:s24+$0xCE40]  }
0xe5: {  	v4 =	vld [tilespmem:s24+$0xCE30]  }
0xe6: {  	s22 =	simm.s32 $0x2;
	s2 =	sadd.s32 $0x3200, s24;
	s0 =	sadd.s32 $0x3210, s24;
	v7 =	vld [tilespmem:s24+$0xCE50]  }
0xe7: {  	s31 =	sadd.s32 $0x3220, s24;
	s30 =	sadd.s32 $0x3230, s24;
	s28 =	sadd.s32 $0x3240, s24;
	v8 =	vld [tilespmem:s24+$0x8070]  }
0xe8: {  	s26 =	sadd.s32 $0x3250, s24;
	s29 =	sadd.s32 $0x3270, s24;
	s25 =	sadd.s32 $0x3260, s24;
	v9 =	vld [tilespmem:s24+$0x8050]  }
.LBB2_9:
0xe9: {  	p0 =	sne.s32 s22, $0x10;
	v10 =	vld [tilespmem:s24+$0x8060];
	s23 =	smov.u32 s22;
	s22 =	sadd.s32 $0x1, s22  }
0xea: {  	v11 =	vld [tilespmem:s2+$0x0]  }
0xeb: {  	v12 =	vld [tilespmem:s24+$0x8040]  }
0xec: {  	v13 =	vld [tilespmem:s24+$0x8030];
	v8 =	vmul.f32 v8, v1  }
0xed: {  	v14 =	vld [tilespmem:s24+$0x8010];
	v9 =	vmul.f32 v9, v1  }
0xee: {  	v15 =	vld [tilespmem:s24+$0x8020];
	v10 =	vmul.f32 v10, v1;
	v6 =	vadd.f32 v6, v8  }
0xef: {  	v8 =	vld [tilespmem:s24+$0x8000];
	v7 =	vadd.f32 v7, v9  }
0xf0: {  	v9 =	vld [tilespmem:s0+$0x0];
	v5 =	vadd.f32 v5, v10;
	v6 =	vmax.f32 v6, $0.0e+00  }
0xf1: {  	v12 =	vmul.f32 v12, v1;
	v10 =	vld [tilespmem:s24+$0xCE10];
	v7 =	vmax.f32 v7, $0.0e+00  }
0xf2: {  	v13 =	vmul.f32 v13, v1;
	v16 =	vld [tilespmem:s31+$0x0];
	v5 =	vmax.f32 v5, $0.0e+00  }
0xf3: {  	vm0 =	vlt.s32 v11, $0x6200;
	v14 =	vmul.f32 v14, v1;
	v17 =	vld [tilespmem:s24+$0xCE20];
	v15 =	vmul.f32 v15, v1  }
0xf4: {  	vm1 =	vgt.s32 v11, $0x61FF;
	v3 =	vadd.f32 v3, v12;
	v4 =	vadd.f32 v4, v13;
	v18 =	vld [tilespmem:s30+$0x0]  }
0xf5: {  	v12 =	vadd.s32 $0xFFFF9E00, v11;
	v8 =	vmul.f32 v8, v1;
	vm2 =	vlt.s32 v9, $0x6200  }
0xf6: {  	vm3 =	vgt.s32 v9, $0x61FF;
	v4 =	vmax.f32 v4, $0.0e+00;
	v13 =	vld [tilespmem:s28+$0x0];
	v10 =	vadd.f32 v10, v14  }
0xf7: {  	v19 =	vadd.s32 $0xFFFF9E00, v9;
	v2 =	vadd.f32 v2, v8;
	v14 =	vld [tilespmem:s29+$0x0];
	vm4 =	vlt.s32 v16, $0x6200  }
0xf8: {  	v3 =	vmax.f32 v3, $0.0e+00;
	vm5 =	vgt.s32 v16, $0x61FF;
	v8 =	vld [tilespmem:s26+$0x0];
	v15 =	vadd.f32 v17, v15  }
0xf9: {  	v20 =	vadd.s32 $0xFFFF9E00, v16;
	v2 =	vmax.f32 v2, $0.0e+00;
	v17 =	vld [tilespmem:s25+$0x0];
	vm6 =	vlt.s32 v18, $0x6200  }
0xfa: {  	v10 =	vmax.f32 v10, $0.0e+00;
	[tilespmem:v11+s14+$0x0] =	vst.idx.add.f32.msk vm0, v2;
	vm0 =	vgt.s32 v18, $0x61FF;
	v11 =	vmax.f32 v15, $0.0e+00  }
0xfb: {  	[tilespmem:v12+s15+$0x0] =	vst.idx.add.f32.msk vm1, v2;
	v2 =	vadd.s32 $0xFFFF9E00, v18;
	vm1 =	vlt.s32 v13, $0x6200  }
0xfc: {  	[tilespmem:v9+s14+$0x0] =	vst.idx.add.f32.msk vm2, v10;
	vm2 =	vgt.s32 v13, $0x61FF  }
0xfd: {  	v9 =	vadd.s32 $0xFFFF9E00, v13;
	[tilespmem:v19+s15+$0x0] =	vst.idx.add.f32.msk vm3, v10  }
0xfe: {  	vm3 =	vlt.s32 v8, $0x6200;
	[tilespmem:v16+s14+$0x0] =	vst.idx.add.f32.msk vm4, v11  }
0xff: {  	vm4 =	vgt.s32 v8, $0x61FF;
	[tilespmem:v20+s15+$0x0] =	vst.idx.add.f32.msk vm5, v11  }
0x100: {  	v10 =	vadd.s32 $0xFFFF9E00, v8;
	vm5 =	vlt.s32 v17, $0x6200;
	[tilespmem:v18+s14+$0x0] =	vst.idx.add.f32.msk vm6, v4  }
0x101: {  	[tilespmem:v2+s15+$0x0] =	vst.idx.add.f32.msk vm0, v4;
	vm0 =	vgt.s32 v17, $0x61FF  }
0x102: {  	v2 =	vadd.s32 $0xFFFF9E00, v17;
	[tilespmem:v13+s14+$0x0] =	vst.idx.add.f32.msk vm1, v3;
	vm1 =	vlt.s32 v14, $0x6200  }
0x103: {  	[tilespmem:v9+s15+$0x0] =	vst.idx.add.f32.msk vm2, v3;
	vm2 =	vgt.s32 v14, $0x61FF  }
0x104: {  	v3 =	vadd.s32 $0xFFFF9E00, v14;
	[tilespmem:v8+s14+$0x0] =	vst.idx.add.f32.msk vm3, v7  }
0x105: {  	[tilespmem:v10+s15+$0x0] =	vst.idx.add.f32.msk vm4, v7  }
0x106: {  	[tilespmem:v17+s14+$0x0] =	vst.idx.add.f32.msk vm5, v5  }
0x107: {  	[tilespmem:v2+s15+$0x0] =	vst.idx.add.f32.msk vm0, v5  }
0x108: {  	s0 =	smin.u32 s23, $0xF;
	[tilespmem:v14+s14+$0x0] =	vst.idx.add.f32.msk vm1, v6  }
0x109: {  	s24 =	sshll.u32 s0, $0x7;
	[tilespmem:v3+s15+$0x0] =	vst.idx.add.f32.msk vm2, v6  }
0x10a: {  	s2 =	sadd.s32 $0x3200, s24;
	s0 =	sadd.s32 $0x3210, s24;
	s31 =	sadd.s32 $0x3220, s24;
	v2 =	vld [tilespmem:s24+$0xCE00]  }
0x10b: {  	s30 =	sadd.s32 $0x3230, s24;
	s28 =	sadd.s32 $0x3240, s24;
	s26 =	sadd.s32 $0x3250, s24;
	v5 =	vld [tilespmem:s24+$0xCE60]  }
0x10c: {  	s29 =	sadd.s32 $0x3270, s24;
	s25 =	sadd.s32 $0x3260, s24;
	v6 =	vld [tilespmem:s24+$0xCE70]  }
.Ltmp3:
0x10d: {  	v3 =	vld [tilespmem:s24+$0xCE40];
	(pc) =	sbr.rel @p0 .LBB2_9-.Ltmp3, $4  }
0x10e: {  	v4 =	vld [tilespmem:s24+$0xCE30]  }
0x10f: {  	v7 =	vld [tilespmem:s24+$0xCE50]  }
0x110: {  	v8 =	vld [tilespmem:s24+$0x8070]  }
0x111: {  	v9 =	vld [tilespmem:s24+$0x8050]  }
0x112: {  	v1 =	vld [tilespmem:s21+$0xEA20]  }
0x113: {  	v2 =	vld [tilespmem:$0x8800]  }
0x114: {  	v3 =	vld [tilespmem:$0xD600]  }
0x115: {  	v4 =	vld [tilespmem:$0x8810]  }
0x116: {  	v5 =	vld [tilespmem:$0xD610]  }
0x117: {  	v6 =	vld [tilespmem:$0x8820]  }
0x118: {  	v7 =	vld [tilespmem:$0xD620]  }
0x119: {  	v8 =	vld [tilespmem:$0x8830]  }
0x11a: {  	v9 =	vld [tilespmem:$0xD630]  }
0x11b: {  	v10 =	vld [tilespmem:$0x8840]  }
0x11c: {  	v11 =	vld [tilespmem:$0xD640]  }
0x11d: {  	v12 =	vld [tilespmem:$0x8850]  }
0x11e: {  	v13 =	vld [tilespmem:$0xD650]  }
0x11f: {  	v14 =	vld [tilespmem:$0x8860];
	s0 =	simm.s32 $0x3A00  }
0x120: {  	v15 =	vld [tilespmem:s0+$0x0]  }
0x121: {  	v16 =	vld [tilespmem:$0xD660];
	s26 =	simm.s32 $0x3A10  }
0x122: {  	v17 =	vld [tilespmem:s26+$0x0]  }
0x123: {  	v18 =	vld [tilespmem:$0x8870];
	s2 =	simm.s32 $0x3A20  }
0x124: {  	v19 =	vld [tilespmem:s2+$0x0]  }
0x125: {  	v20 =	vld [tilespmem:$0xD670];
	s22 =	simm.s32 $0x3A30;
	vm0 =	vlt.s32 v15, $0x6200  }
0x126: {  	s24 =	simm.s32 $0x3A50;
	v21 =	vld [tilespmem:s22+$0x0];
	v2 =	vmul.f32 v2, v1;
	vm1 =	vgt.s32 v15, $0x61FF  }
0x127: {  	s2 =	simm.s32 $0x3A40;
	v25 =	vld [tilespmem:s24+$0x0];
	v22 =	vadd.s32 $0xFFFF9E00, v15;
	vm2 =	vlt.s32 v17, $0x6200  }
0x128: {  	s23 =	simm.s32 $0x3A70;
	v23 =	vld [tilespmem:s2+$0x0];
	vm3 =	vgt.s32 v17, $0x61FF;
	v2 =	vadd.f32 v3, v2;
	v3 =	vmul.f32 v4, v1  }
0x129: {  	s25 =	simm.s32 $0x3A60;
	v6 =	vmul.f32 v6, v1;
	v24 =	vadd.s32 $0xFFFF9E00, v17;
	vm4 =	vlt.s32 v19, $0x6200;
	v4 =	vld [tilespmem:s23+$0x0]  }
0x12a: {  	vm5 =	vgt.s32 v19, $0x61FF;
	v2 =	vmax.f32 v2, $0.0e+00;
	v3 =	vadd.f32 v5, v3;
	v5 =	vld [tilespmem:s25+$0x0]  }
0x12b: {  	vm14 =	vlt.s32 v21, $0x6200;
	v6 =	vadd.f32 v7, v6;
	v7 =	vadd.s32 $0xFFFF9E00, v19;
	[tilespmem:v15+s14+$0x0] =	vst.idx.add.f32.msk vm0, v2  }
0x12c: {  	vm15 =	vgt.s32 v21, $0x61FF;
	[tilespmem:v22+s15+$0x0] =	vst.idx.add.f32.msk vm1, v2;
	v2 =	vmax.f32 v3, $0.0e+00;
	v3 =	vmul.f32 v8, v1  }
0x12d: {  	vm8 =	vlt.s32 v23, $0x6200;
	vm9 =	vgt.s32 v23, $0x61FF;
	v8 =	vadd.s32 $0xFFFF9E00, v21;
	[tilespmem:v17+s14+$0x0] =	vst.idx.add.f32.msk vm2, v2  }
0x12e: {  	v6 =	vmax.f32 v6, $0.0e+00;
	[tilespmem:v24+s15+$0x0] =	vst.idx.add.f32.msk vm3, v2;
	v2 =	vadd.f32 v9, v3;
	v3 =	vmul.f32 v10, v1  }
0x12f: {  	vm10 =	vlt.s32 v25, $0x6200;
	v9 =	vmul.f32 v12, v1;
	v10 =	vadd.s32 $0xFFFF9E00, v23;
	[tilespmem:v19+s14+$0x0] =	vst.idx.add.f32.msk vm4, v6  }
0x130: {  	vm11 =	vgt.s32 v25, $0x61FF;
	v2 =	vmax.f32 v2, $0.0e+00;
	v3 =	vadd.f32 v11, v3;
	[tilespmem:v7+s15+$0x0] =	vst.idx.add.f32.msk vm5, v6  }
0x131: {  	vm12 =	vlt.s32 v5, $0x6200;
	v6 =	vadd.f32 v13, v9;
	v7 =	vadd.s32 $0xFFFF9E00, v25;
	[tilespmem:v21+s14+$0x0] =	vst.idx.add.f32.msk vm14, v2  }
0x132: {  	vm13 =	vgt.s32 v5, $0x61FF;
	v9 =	vmul.f32 v14, v1;
	v3 =	vmax.f32 v3, $0.0e+00;
	[tilespmem:v8+s15+$0x0] =	vst.idx.add.f32.msk vm15, v2  }
0x133: {  	vm14 =	vlt.s32 v4, $0x6200;
	v2 =	vmax.f32 v6, $0.0e+00;
	v6 =	vadd.s32 $0xFFFF9E00, v5;
	[tilespmem:v23+s14+$0x0] =	vst.idx.add.f32.msk vm8, v3  }
0x134: {  	v8 =	vadd.f32 v16, v9;
	v9 =	vmul.f32 v18, v1;
	vm15 =	vgt.s32 v4, $0x61FF;
	[tilespmem:v10+s15+$0x0] =	vst.idx.add.f32.msk vm9, v3  }
0x135: {  	v3 =	vadd.s32 $0xFFFF9E00, v4;
	[tilespmem:v25+s14+$0x0] =	vst.idx.add.f32.msk vm10, v2  }
0x136: {  	v8 =	vmax.f32 v8, $0.0e+00;
	v9 =	vadd.f32 v20, v9;
	[tilespmem:v7+s15+$0x0] =	vst.idx.add.f32.msk vm11, v2  }
0x137: {  	[tilespmem:v5+s14+$0x0] =	vst.idx.add.f32.msk vm12, v8  }
0x138: {  	s26 =	simm.s32 $0x1;
	v2 =	vmax.f32 v9, $0.0e+00;
	[tilespmem:v6+s15+$0x0] =	vst.idx.add.f32.msk vm13, v8  }
0x139: {  	s0 =	smin.u32 s26, $0x1F;
	[tilespmem:v4+s14+$0x0] =	vst.idx.add.f32.msk vm14, v2  }
0x13a: {  	s24 =	sshll.u32 s0, $0x7;
	[tilespmem:v3+s15+$0x0] =	vst.idx.add.f32.msk vm15, v2  }
0x13b: {  	v2 =	vld [tilespmem:s24+$0xD600]  }
0x13c: {  	v5 =	vld [tilespmem:s24+$0xD660]  }
0x13d: {  	v6 =	vld [tilespmem:s24+$0xD670]  }
0x13e: {  	v3 =	vld [tilespmem:s24+$0xD640]  }
0x13f: {  	v4 =	vld [tilespmem:s24+$0xD630]  }
0x140: {  	s22 =	simm.s32 $0x2;
	s2 =	sadd.s32 $0x3A00, s24;
	s0 =	sadd.s32 $0x3A10, s24;
	v7 =	vld [tilespmem:s24+$0xD650]  }
0x141: {  	s31 =	sadd.s32 $0x3A20, s24;
	s30 =	sadd.s32 $0x3A30, s24;
	s28 =	sadd.s32 $0x3A40, s24;
	v8 =	vld [tilespmem:s24+$0x8870]  }
0x142: {  	s26 =	sadd.s32 $0x3A50, s24;
	s29 =	sadd.s32 $0x3A70, s24;
	s25 =	sadd.s32 $0x3A60, s24;
	v9 =	vld [tilespmem:s24+$0x8850]  }
.LBB2_11:
0x143: {  	p0 =	sne.s32 s22, $0x20;
	v10 =	vld [tilespmem:s24+$0x8860];
	s23 =	smov.u32 s22;
	s22 =	sadd.s32 $0x1, s22  }
0x144: {  	v11 =	vld [tilespmem:s2+$0x0]  }
0x145: {  	v12 =	vld [tilespmem:s24+$0x8840]  }
0x146: {  	v13 =	vld [tilespmem:s24+$0x8830];
	v8 =	vmul.f32 v8, v1  }
0x147: {  	v14 =	vld [tilespmem:s24+$0x8810];
	v9 =	vmul.f32 v9, v1  }
0x148: {  	v15 =	vld [tilespmem:s24+$0x8820];
	v10 =	vmul.f32 v10, v1;
	v6 =	vadd.f32 v6, v8  }
0x149: {  	v8 =	vld [tilespmem:s24+$0x8800];
	v7 =	vadd.f32 v7, v9  }
0x14a: {  	v9 =	vld [tilespmem:s0+$0x0];
	v5 =	vadd.f32 v5, v10;
	v6 =	vmax.f32 v6, $0.0e+00  }
0x14b: {  	v12 =	vmul.f32 v12, v1;
	v10 =	vld [tilespmem:s24+$0xD610];
	v7 =	vmax.f32 v7, $0.0e+00  }
0x14c: {  	v13 =	vmul.f32 v13, v1;
	v16 =	vld [tilespmem:s31+$0x0];
	v5 =	vmax.f32 v5, $0.0e+00  }
0x14d: {  	vm0 =	vlt.s32 v11, $0x6200;
	v14 =	vmul.f32 v14, v1;
	v17 =	vld [tilespmem:s24+$0xD620];
	v15 =	vmul.f32 v15, v1  }
0x14e: {  	vm1 =	vgt.s32 v11, $0x61FF;
	v3 =	vadd.f32 v3, v12;
	v4 =	vadd.f32 v4, v13;
	v18 =	vld [tilespmem:s30+$0x0]  }
0x14f: {  	v12 =	vadd.s32 $0xFFFF9E00, v11;
	v8 =	vmul.f32 v8, v1;
	vm2 =	vlt.s32 v9, $0x6200  }
0x150: {  	vm3 =	vgt.s32 v9, $0x61FF;
	v4 =	vmax.f32 v4, $0.0e+00;
	v13 =	vld [tilespmem:s28+$0x0];
	v10 =	vadd.f32 v10, v14  }
0x151: {  	v19 =	vadd.s32 $0xFFFF9E00, v9;
	v2 =	vadd.f32 v2, v8;
	v14 =	vld [tilespmem:s29+$0x0];
	vm4 =	vlt.s32 v16, $0x6200  }
0x152: {  	v3 =	vmax.f32 v3, $0.0e+00;
	vm5 =	vgt.s32 v16, $0x61FF;
	v8 =	vld [tilespmem:s26+$0x0];
	v15 =	vadd.f32 v17, v15  }
0x153: {  	v20 =	vadd.s32 $0xFFFF9E00, v16;
	v2 =	vmax.f32 v2, $0.0e+00;
	v17 =	vld [tilespmem:s25+$0x0];
	vm6 =	vlt.s32 v18, $0x6200  }
0x154: {  	v10 =	vmax.f32 v10, $0.0e+00;
	[tilespmem:v11+s14+$0x0] =	vst.idx.add.f32.msk vm0, v2;
	vm0 =	vgt.s32 v18, $0x61FF;
	v11 =	vmax.f32 v15, $0.0e+00  }
0x155: {  	[tilespmem:v12+s15+$0x0] =	vst.idx.add.f32.msk vm1, v2;
	v2 =	vadd.s32 $0xFFFF9E00, v18;
	vm1 =	vlt.s32 v13, $0x6200  }
0x156: {  	[tilespmem:v9+s14+$0x0] =	vst.idx.add.f32.msk vm2, v10;
	vm2 =	vgt.s32 v13, $0x61FF  }
0x157: {  	v9 =	vadd.s32 $0xFFFF9E00, v13;
	[tilespmem:v19+s15+$0x0] =	vst.idx.add.f32.msk vm3, v10  }
0x158: {  	vm3 =	vlt.s32 v8, $0x6200;
	[tilespmem:v16+s14+$0x0] =	vst.idx.add.f32.msk vm4, v11  }
0x159: {  	vm4 =	vgt.s32 v8, $0x61FF;
	[tilespmem:v20+s15+$0x0] =	vst.idx.add.f32.msk vm5, v11  }
0x15a: {  	v10 =	vadd.s32 $0xFFFF9E00, v8;
	vm5 =	vlt.s32 v17, $0x6200;
	[tilespmem:v18+s14+$0x0] =	vst.idx.add.f32.msk vm6, v4  }
0x15b: {  	[tilespmem:v2+s15+$0x0] =	vst.idx.add.f32.msk vm0, v4;
	vm0 =	vgt.s32 v17, $0x61FF  }
0x15c: {  	v2 =	vadd.s32 $0xFFFF9E00, v17;
	[tilespmem:v13+s14+$0x0] =	vst.idx.add.f32.msk vm1, v3;
	vm1 =	vlt.s32 v14, $0x6200  }
0x15d: {  	[tilespmem:v9+s15+$0x0] =	vst.idx.add.f32.msk vm2, v3;
	vm2 =	vgt.s32 v14, $0x61FF  }
0x15e: {  	v3 =	vadd.s32 $0xFFFF9E00, v14;
	[tilespmem:v8+s14+$0x0] =	vst.idx.add.f32.msk vm3, v7  }
0x15f: {  	[tilespmem:v10+s15+$0x0] =	vst.idx.add.f32.msk vm4, v7  }
0x160: {  	[tilespmem:v17+s14+$0x0] =	vst.idx.add.f32.msk vm5, v5  }
0x161: {  	[tilespmem:v2+s15+$0x0] =	vst.idx.add.f32.msk vm0, v5  }
0x162: {  	s0 =	smin.u32 s23, $0x1F;
	[tilespmem:v14+s14+$0x0] =	vst.idx.add.f32.msk vm1, v6  }
0x163: {  	s24 =	sshll.u32 s0, $0x7;
	[tilespmem:v3+s15+$0x0] =	vst.idx.add.f32.msk vm2, v6  }
0x164: {  	s2 =	sadd.s32 $0x3A00, s24;
	s0 =	sadd.s32 $0x3A10, s24;
	s31 =	sadd.s32 $0x3A20, s24;
	v2 =	vld [tilespmem:s24+$0xD600]  }
0x165: {  	s30 =	sadd.s32 $0x3A30, s24;
	s28 =	sadd.s32 $0x3A40, s24;
	s26 =	sadd.s32 $0x3A50, s24;
	v5 =	vld [tilespmem:s24+$0xD660]  }
0x166: {  	s29 =	sadd.s32 $0x3A70, s24;
	s25 =	sadd.s32 $0x3A60, s24;
	v6 =	vld [tilespmem:s24+$0xD670]  }
.Ltmp4:
0x167: {  	v3 =	vld [tilespmem:s24+$0xD640];
	(pc) =	sbr.rel @p0 .LBB2_11-.Ltmp4, $4  }
0x168: {  	v4 =	vld [tilespmem:s24+$0xD630]  }
0x169: {  	v7 =	vld [tilespmem:s24+$0xD650]  }
0x16a: {  	v8 =	vld [tilespmem:s24+$0x8870]  }
0x16b: {  	v9 =	vld [tilespmem:s24+$0x8850]  }
0x16c: {  	v1 =	vld [tilespmem:s21+$0xEA30]  }
0x16d: {  	v2 =	vld [tilespmem:$0x9800]  }
0x16e: {  	v3 =	vld [tilespmem:$0xE600]  }
0x16f: {  	v4 =	vld [tilespmem:$0x9810]  }
0x170: {  	v5 =	vld [tilespmem:$0xE610]  }
0x171: {  	v6 =	vld [tilespmem:$0x9820]  }
0x172: {  	v7 =	vld [tilespmem:$0xE620]  }
0x173: {  	v8 =	vld [tilespmem:$0x9830]  }
0x174: {  	v9 =	vld [tilespmem:$0xE630]  }
0x175: {  	v10 =	vld [tilespmem:$0x9840]  }
0x176: {  	v11 =	vld [tilespmem:$0xE640]  }
0x177: {  	v12 =	vld [tilespmem:$0x9850]  }
0x178: {  	v13 =	vld [tilespmem:$0xE650]  }
0x179: {  	v14 =	vld [tilespmem:$0x9860];
	s0 =	simm.s32 $0x4A00  }
0x17a: {  	v15 =	vld [tilespmem:s0+$0x0]  }
0x17b: {  	v16 =	vld [tilespmem:$0xE660];
	s21 =	simm.s32 $0x4A10  }
0x17c: {  	v17 =	vld [tilespmem:s21+$0x0]  }
0x17d: {  	v18 =	vld [tilespmem:$0x9870];
	s22 =	simm.s32 $0x4A20  }
0x17e: {  	v19 =	vld [tilespmem:s22+$0x0]  }
0x17f: {  	v20 =	vld [tilespmem:$0xE670];
	s23 =	simm.s32 $0x4A30;
	vm0 =	vlt.s32 v15, $0x6200  }
0x180: {  	s2 =	simm.s32 $0x4A40;
	v21 =	vld [tilespmem:s23+$0x0];
	v2 =	vmul.f32 v2, v1;
	vm1 =	vgt.s32 v15, $0x61FF  }
0x181: {  	s25 =	simm.s32 $0x4A50;
	v23 =	vld [tilespmem:s2+$0x0];
	v22 =	vadd.s32 $0xFFFF9E00, v15;
	vm2 =	vlt.s32 v17, $0x6200  }
0x182: {  	s24 =	simm.s32 $0x4A70;
	v25 =	vld [tilespmem:s25+$0x0];
	vm3 =	vgt.s32 v17, $0x61FF;
	v2 =	vadd.f32 v3, v2;
	v3 =	vmul.f32 v4, v1  }
0x183: {  	s26 =	simm.s32 $0x4A60;
	v6 =	vmul.f32 v6, v1;
	v24 =	vadd.s32 $0xFFFF9E00, v17;
	vm4 =	vlt.s32 v19, $0x6200;
	v4 =	vld [tilespmem:s24+$0x0]  }
0x184: {  	vm5 =	vgt.s32 v19, $0x61FF;
	v2 =	vmax.f32 v2, $0.0e+00;
	v3 =	vadd.f32 v5, v3;
	v5 =	vld [tilespmem:s26+$0x0]  }
0x185: {  	vm14 =	vlt.s32 v21, $0x6200;
	v6 =	vadd.f32 v7, v6;
	v7 =	vadd.s32 $0xFFFF9E00, v19;
	[tilespmem:v15+s14+$0x0] =	vst.idx.add.f32.msk vm0, v2  }
0x186: {  	vm15 =	vgt.s32 v21, $0x61FF;
	[tilespmem:v22+s15+$0x0] =	vst.idx.add.f32.msk vm1, v2;
	v2 =	vmax.f32 v3, $0.0e+00;
	v3 =	vmul.f32 v8, v1  }
0x187: {  	vm8 =	vlt.s32 v23, $0x6200;
	vm9 =	vgt.s32 v23, $0x61FF;
	v8 =	vadd.s32 $0xFFFF9E00, v21;
	[tilespmem:v17+s14+$0x0] =	vst.idx.add.f32.msk vm2, v2  }
0x188: {  	v6 =	vmax.f32 v6, $0.0e+00;
	[tilespmem:v24+s15+$0x0] =	vst.idx.add.f32.msk vm3, v2;
	v2 =	vadd.f32 v9, v3;
	v3 =	vmul.f32 v10, v1  }
0x189: {  	vm10 =	vlt.s32 v25, $0x6200;
	v9 =	vmul.f32 v12, v1;
	v10 =	vadd.s32 $0xFFFF9E00, v23;
	[tilespmem:v19+s14+$0x0] =	vst.idx.add.f32.msk vm4, v6  }
0x18a: {  	vm11 =	vgt.s32 v25, $0x61FF;
	v2 =	vmax.f32 v2, $0.0e+00;
	v3 =	vadd.f32 v11, v3;
	[tilespmem:v7+s15+$0x0] =	vst.idx.add.f32.msk vm5, v6  }
0x18b: {  	vm12 =	vlt.s32 v5, $0x6200;
	v6 =	vadd.f32 v13, v9;
	v7 =	vadd.s32 $0xFFFF9E00, v25;
	[tilespmem:v21+s14+$0x0] =	vst.idx.add.f32.msk vm14, v2  }
0x18c: {  	vm13 =	vgt.s32 v5, $0x61FF;
	v9 =	vmul.f32 v14, v1;
	v3 =	vmax.f32 v3, $0.0e+00;
	[tilespmem:v8+s15+$0x0] =	vst.idx.add.f32.msk vm15, v2  }
0x18d: {  	vm14 =	vlt.s32 v4, $0x6200;
	v2 =	vmax.f32 v6, $0.0e+00;
	v6 =	vadd.s32 $0xFFFF9E00, v5;
	[tilespmem:v23+s14+$0x0] =	vst.idx.add.f32.msk vm8, v3  }
0x18e: {  	v8 =	vadd.f32 v16, v9;
	v9 =	vmul.f32 v18, v1;
	vm15 =	vgt.s32 v4, $0x61FF;
	[tilespmem:v10+s15+$0x0] =	vst.idx.add.f32.msk vm9, v3  }
0x18f: {  	v3 =	vadd.s32 $0xFFFF9E00, v4;
	[tilespmem:v25+s14+$0x0] =	vst.idx.add.f32.msk vm10, v2  }
0x190: {  	v8 =	vmax.f32 v8, $0.0e+00;
	v9 =	vadd.f32 v20, v9;
	[tilespmem:v7+s15+$0x0] =	vst.idx.add.f32.msk vm11, v2  }
0x191: {  	[tilespmem:v5+s14+$0x0] =	vst.idx.add.f32.msk vm12, v8  }
0x192: {  	s31 =	simm.s32 $0x1;
	v2 =	vmax.f32 v9, $0.0e+00;
	[tilespmem:v6+s15+$0x0] =	vst.idx.add.f32.msk vm13, v8  }
0x193: {  	s0 =	smin.u32 s31, $0x7;
	[tilespmem:v4+s14+$0x0] =	vst.idx.add.f32.msk vm14, v2  }
0x194: {  	s23 =	sshll.u32 s0, $0x7;
	[tilespmem:v3+s15+$0x0] =	vst.idx.add.f32.msk vm15, v2  }
0x195: {  	v2 =	vld [tilespmem:s23+$0xE600]  }
0x196: {  	v5 =	vld [tilespmem:s23+$0xE660]  }
0x197: {  	v6 =	vld [tilespmem:s23+$0xE670]  }
0x198: {  	v3 =	vld [tilespmem:s23+$0xE640]  }
0x199: {  	v4 =	vld [tilespmem:s23+$0xE630]  }
0x19a: {  	s21 =	simm.s32 $0x2;
	s2 =	sadd.s32 $0x4A00, s23;
	s0 =	sadd.s32 $0x4A10, s23;
	v7 =	vld [tilespmem:s23+$0xE650]  }
0x19b: {  	s30 =	sadd.s32 $0x4A20, s23;
	s29 =	sadd.s32 $0x4A30, s23;
	s25 =	sadd.s32 $0x4A50, s23;
	v8 =	vld [tilespmem:s23+$0x9870]  }
0x19c: {  	s28 =	sadd.s32 $0x4A70, s23;
	s24 =	sadd.s32 $0x4A60, s23;
	s26 =	sadd.s32 $0x4A40, s23;
	v9 =	vld [tilespmem:s23+$0x9850]  }
.LBB2_13:
0x19d: {  	p0 =	sne.s32 s21, $0x8;
	v10 =	vld [tilespmem:s23+$0x9860];
	s22 =	smov.u32 s21;
	s21 =	sadd.s32 $0x1, s21  }
0x19e: {  	v11 =	vld [tilespmem:s2+$0x0]  }
0x19f: {  	v12 =	vld [tilespmem:s23+$0x9840]  }
0x1a0: {  	v13 =	vld [tilespmem:s23+$0x9830];
	v8 =	vmul.f32 v8, v1  }
0x1a1: {  	v14 =	vld [tilespmem:s23+$0x9810];
	v9 =	vmul.f32 v9, v1  }
0x1a2: {  	v15 =	vld [tilespmem:s23+$0x9820];
	v10 =	vmul.f32 v10, v1;
	v6 =	vadd.f32 v6, v8  }
0x1a3: {  	v8 =	vld [tilespmem:s23+$0x9800];
	v7 =	vadd.f32 v7, v9  }
0x1a4: {  	v9 =	vld [tilespmem:s0+$0x0];
	v5 =	vadd.f32 v5, v10;
	v6 =	vmax.f32 v6, $0.0e+00  }
0x1a5: {  	v12 =	vmul.f32 v12, v1;
	v10 =	vld [tilespmem:s23+$0xE610];
	v7 =	vmax.f32 v7, $0.0e+00  }
0x1a6: {  	v13 =	vmul.f32 v13, v1;
	v16 =	vld [tilespmem:s30+$0x0];
	v5 =	vmax.f32 v5, $0.0e+00  }
0x1a7: {  	vm0 =	vlt.s32 v11, $0x6200;
	v14 =	vmul.f32 v14, v1;
	v17 =	vld [tilespmem:s23+$0xE620];
	v15 =	vmul.f32 v15, v1  }
0x1a8: {  	vm1 =	vgt.s32 v11, $0x61FF;
	v3 =	vadd.f32 v3, v12;
	v4 =	vadd.f32 v4, v13;
	v18 =	vld [tilespmem:s29+$0x0]  }
0x1a9: {  	v12 =	vadd.s32 $0xFFFF9E00, v11;
	v8 =	vmul.f32 v8, v1;
	vm2 =	vlt.s32 v9, $0x6200  }
0x1aa: {  	vm3 =	vgt.s32 v9, $0x61FF;
	v4 =	vmax.f32 v4, $0.0e+00;
	v13 =	vld [tilespmem:s26+$0x0];
	v10 =	vadd.f32 v10, v14  }
0x1ab: {  	v19 =	vadd.s32 $0xFFFF9E00, v9;
	v2 =	vadd.f32 v2, v8;
	v14 =	vld [tilespmem:s28+$0x0];
	vm4 =	vlt.s32 v16, $0x6200  }
0x1ac: {  	v3 =	vmax.f32 v3, $0.0e+00;
	vm5 =	vgt.s32 v16, $0x61FF;
	v8 =	vld [tilespmem:s25+$0x0];
	v15 =	vadd.f32 v17, v15  }
0x1ad: {  	v20 =	vadd.s32 $0xFFFF9E00, v16;
	v2 =	vmax.f32 v2, $0.0e+00;
	v17 =	vld [tilespmem:s24+$0x0];
	vm6 =	vlt.s32 v18, $0x6200  }
0x1ae: {  	v10 =	vmax.f32 v10, $0.0e+00;
	[tilespmem:v11+s14+$0x0] =	vst.idx.add.f32.msk vm0, v2;
	vm0 =	vgt.s32 v18, $0x61FF;
	v11 =	vmax.f32 v15, $0.0e+00  }
0x1af: {  	[tilespmem:v12+s15+$0x0] =	vst.idx.add.f32.msk vm1, v2;
	v2 =	vadd.s32 $0xFFFF9E00, v18;
	vm1 =	vlt.s32 v13, $0x6200  }
0x1b0: {  	[tilespmem:v9+s14+$0x0] =	vst.idx.add.f32.msk vm2, v10;
	vm2 =	vgt.s32 v13, $0x61FF  }
0x1b1: {  	v9 =	vadd.s32 $0xFFFF9E00, v13;
	[tilespmem:v19+s15+$0x0] =	vst.idx.add.f32.msk vm3, v10  }
0x1b2: {  	vm3 =	vlt.s32 v8, $0x6200;
	[tilespmem:v16+s14+$0x0] =	vst.idx.add.f32.msk vm4, v11  }
0x1b3: {  	vm4 =	vgt.s32 v8, $0x61FF;
	[tilespmem:v20+s15+$0x0] =	vst.idx.add.f32.msk vm5, v11  }
0x1b4: {  	v10 =	vadd.s32 $0xFFFF9E00, v8;
	vm5 =	vlt.s32 v17, $0x6200;
	[tilespmem:v18+s14+$0x0] =	vst.idx.add.f32.msk vm6, v4  }
0x1b5: {  	[tilespmem:v2+s15+$0x0] =	vst.idx.add.f32.msk vm0, v4;
	vm0 =	vgt.s32 v17, $0x61FF  }
0x1b6: {  	v2 =	vadd.s32 $0xFFFF9E00, v17;
	[tilespmem:v13+s14+$0x0] =	vst.idx.add.f32.msk vm1, v3;
	vm1 =	vlt.s32 v14, $0x6200  }
0x1b7: {  	[tilespmem:v9+s15+$0x0] =	vst.idx.add.f32.msk vm2, v3;
	vm2 =	vgt.s32 v14, $0x61FF  }
0x1b8: {  	v3 =	vadd.s32 $0xFFFF9E00, v14;
	[tilespmem:v8+s14+$0x0] =	vst.idx.add.f32.msk vm3, v7  }
0x1b9: {  	[tilespmem:v10+s15+$0x0] =	vst.idx.add.f32.msk vm4, v7  }
0x1ba: {  	[tilespmem:v17+s14+$0x0] =	vst.idx.add.f32.msk vm5, v5  }
0x1bb: {  	[tilespmem:v2+s15+$0x0] =	vst.idx.add.f32.msk vm0, v5  }
0x1bc: {  	s0 =	smin.u32 s22, $0x7;
	[tilespmem:v14+s14+$0x0] =	vst.idx.add.f32.msk vm1, v6  }
0x1bd: {  	s23 =	sshll.u32 s0, $0x7;
	[tilespmem:v3+s15+$0x0] =	vst.idx.add.f32.msk vm2, v6  }
0x1be: {  	s2 =	sadd.s32 $0x4A00, s23;
	s0 =	sadd.s32 $0x4A10, s23;
	s30 =	sadd.s32 $0x4A20, s23;
	v2 =	vld [tilespmem:s23+$0xE600]  }
0x1bf: {  	s29 =	sadd.s32 $0x4A30, s23;
	s26 =	sadd.s32 $0x4A40, s23;
	s25 =	sadd.s32 $0x4A50, s23;
	v5 =	vld [tilespmem:s23+$0xE660]  }
0x1c0: {  	s28 =	sadd.s32 $0x4A70, s23;
	s24 =	sadd.s32 $0x4A60, s23;
	v6 =	vld [tilespmem:s23+$0xE670]  }
.Ltmp5:
0x1c1: {  	v3 =	vld [tilespmem:s23+$0xE640];
	(pc) =	sbr.rel @p0 .LBB2_13-.Ltmp5, $4  }
0x1c2: {  	v4 =	vld [tilespmem:s23+$0xE630]  }
0x1c3: {  	v7 =	vld [tilespmem:s23+$0xE650]  }
0x1c4: {  	v8 =	vld [tilespmem:s23+$0x9870]  }
0x1c5: {  	v9 =	vld [tilespmem:s23+$0x9850]  }
0x1c6: {  	s0 =	smul.u32 $0xC350, s20;
	s19 =	sadd.s32 $0x1, s19  }
0x1c7: {  	p0 =	sne.s32 s19, $0x20  }
.Ltmp6:
0x1c8: {  	s0 =	sshrl.u32 s0, $0x3;
	(pc) =	sbr.rel @p0 .LBB2_2-.Ltmp6, $4  }
0x1c9: {  	s0 =	sadd.s32 s1, s0  }
0x1ca: {  	[hbm4b:s0+s3] =	stream.linear.scatter [tilespmem:s14], [sflag:$0x1], $0x6200, $0x38;
	[tilespmem:$0x1B600] =	vst v63  }
0x1cb: {  	s0 =	sadd.s32 $0xC40, s0  }
0x1cc: {  	[hbm4b:s0+s3] =	stream.linear.scatter [tilespmem:s15], [sflag:$0x2], $0x6150, $0x38;
	[tilespmem:$0x1B600] =	vst v63  }
0x1cd: {  	s18 =	sadd.s32 $0x1, s18  }
0x1ce: {  	_ =	swait.ge [sflag:s16], $0x6200;
	p0 =	sne.s32 s18, s9  }
.Ltmp7:
0x1cf: {  	[sflag:s16] =	ssyncset.done $0x0;
	(pc) =	sbr.rel @p0 .LBB2_1-.Ltmp7, $4  }
0x1d0: {  	[sflag:s16] =	ssyncadd.s32 $0xFFFF9E00  }
0x1d1: {  	_ =	swait.ge [sflag:s17], $0x6150  }
0x1d2: {  	[sflag:s17] =	ssyncset.done $0x0  }
0x1d3: {  	[sflag:s17] =	ssyncadd.s32 $0xFFFF9EB0  }
0x1d4: {  	_ =	sfence.sel $0x180000  }
0x1d5: {  	[bflag:$0x0] =	sbarrier.arrive $0xFFFF  }
0x1d6: {  	_ =	strace $0x90000047  }
0x1d7: {  	s0 =	stileid.u32;
	[bflag:$0x2] =	sbarrier.arrive $0xFFFF  }
0x1d8: {  	p0 =	sne.s32 s0, $0x0;
	s0 =	rddreg [dreg:$0x2]  }
0x1d9: {  	s0 =	sadd.s32 @!p0 $0x100000, s0  }
0x1da: {  	[sflag:s0] =	ssyncadd.tile.s32 @!p0 $0x1;
	_ =	shalt  }
.Lfunc_end2:
_tile_overlayer_lowered:
.L_overlay_start_2:
0x1db: {  	(tag) =	ssettag $0x2  }
0x1dc: {  	s0 =	rddreg [dreg:$0x0];
	s2 =	stileid.u32  }
0x1dd: {  	s1 =	rddreg [dreg:$0x1];
	p0 =	sne.s32 s2, $0x0  }
0x1de: {  	s3 =	rddreg [dreg:$0x2];
	[bflag:$0x3] =	sbarrier.arrive $0xFFFF;
	s2 =	simm.s32 @!p0 $0x1C03  }
0x1df: {  	[timem:s3], [sflag:s2] =	dma.local @!p0 [hbm:s0], s1  }
0x1e0: {  	s0 =	simm.s32 @!p0 $0x3  }
0x1e1: {  	_ =	swait.ge @!p0 [sflag:s0], s1  }
0x1e2: {  	s1 =	ssub.s32 @!p0 $0x0, s1;
	[sflag:s0] =	ssyncset.done @!p0 $0x0  }
0x1e3: {  	[sflag:s0] =	ssyncadd.s32 @!p0 s1  }
0x1e4: {  	[bflag:$0x3] =	sbarrier.arrive $0xFFFF  }
0x1e5: {  	_ =	shalt  }

// kernel: sparse-core-data-format-call.cloned.1.call-start
scs
called_computation_lowered:
.L_overlay_start_0:
0x0: {  	s2 =	sld [smem:$0x3FD9]  }
0x1: {  	s3 =	sld [smem:$0x3FFE];
	_ =	sdelay $0x1  }
0x2: {  	s1 =	srdreg.scid  }
0x3: {  	s0 =	sand.u32 $0x1, s1  }
0x4: {  	s18 =	sshll.u32 s0, $0xA;
	s2 =	sadd.s32 s3, s2  }
0x5: {  	s2 =	sadd.s32 s2, s18  }
0x6: {  	[smem:$0x3FB8] =	sst s2  }
0x7: {  	_ = 	snop  }
0x8: {  	s2 =	sld [smem:$0x3FD0];
	(tm) =	ssettm $0x1  }
0x9: {  	s19 =	sld [smem:$0x3FFB];
	_ =	sdelay $0x3  }
0xa: {  	_ =	strace s19  }
0xb: {  	s3 =	sld [smem:$0x3FFC];
	_ =	sdelay $0x3  }
0xc: {  	_ =	strace s3  }
0xd: {  	s3 =	sld [smem:$0x3FFD];
	_ =	sdelay $0x3  }
0xe: {  	_ =	strace s3  }
0xf: {  	_ =	strace $0x8FFFFFFF  }
0x10: {  	s20 =	sld [smem:$0x3FDB];
	_ =	sdelay $0x1  }
0x11: {  	s4 =	simm.s32 $_scs_section_size  }
0x12: {  	s5 =	simm.s32 $_size__tile_overlayer_lowered;
	s6 =	simm.s32 $_tile_overlayer_lowered  }
0x13: {  	s23 =	simm.s32 $0x1BFF;
	s22 =	sshll.u32 s6, $0x1;
	s3 =	sadd.s32 s4, s20  }
0x14: {  	s7 =	simm.s32 $0x0;
	s21 =	sshll.u32 s5, $0x1;
	s5 =	sadd.s32 s22, s3  }
0x15: {  	[timem:s7], [sflag:s23] =	dma.local [hbm:s5], s21  }
0x16: {  	_ =	swait.ge [sflag:s23], s21  }
0x17: {  	s4 =	ssub.s32 $0x0, s21;
	[sflag:s23] =	ssyncset.done $0x0  }
0x18: {  	[sflag:s23] =	ssyncadd.s32 s4;
	_ =	sdelay $0x1  }
0x19: {  	s24 =	simm.s32 $0x1B8B  }
0x1a: {  	_ =	swait.ge [sflag:s24], $0x1  }
0x1b: {  	[sflag:s24] =	ssyncset.done $0x0  }
0x1c: {  	s26 =	simm.s32 $0x1B8E;
	s25 =	sld [smem:$0x3FFE];
	[sflag:s24] =	ssyncadd.s32 $0xFFFFFFFF  }
0x1d: {  	s27 =	simm.s32 $execute0_lowered;
	[smem:$0x3FD2] =	sst s26  }
0x1e: {  	s5 =	sshll.u32 s27, $0x1;
	_ =	strace $0x80000049;
	[dreg:$0x1] =	wrdreg $0xFFFFFFFF  }
0x1f: {  	s28 =	simm.s32 $_size_execute0_lowered;
	s3 =	sadd.s32 s3, s5;
	[dreg:$0x0] =	wrdreg $0x0  }
0x20: {  	s5 =	sshll.u32 s28, $0x1;
	[dreg:$0x2] =	wrdreg s3  }
0x21: {  	[dreg:$0x3] =	wrdreg s5  }
0x22: {  	[dreg:$0x4] =	wrdreg $0xC0  }
0x23: {  	_ =	task [dreg:s7], $0x5FFFF  }
0x24: {  	[dreg:$0x1] =	wrdreg $0xFFFFFFFF  }
0x25: {  	[dreg:$0x0] =	wrdreg $0x60  }
0x26: {  	[dreg:$0x2] =	wrdreg s25  }
0x27: {  	[dreg:$0x3] =	wrdreg s2  }
0x28: {  	[dreg:$0x4] =	wrdreg $0x9  }
0x29: {  	_ =	task.clear_ibuf [dreg:s7], $0x5FFFF;
	_ =	strace $0x90000049  }
0x2a: {  	s29 =	simm.s32 $0x9;
	_ =	strace $0x8000004B  }
0x2b: {  	_ =	swait.ge [sflag:s29], $0x1  }
0x2c: {  	[sflag:s29] =	ssyncadd.s32 $0xFFFFFFFF  }
0x2d: {  	_ =	strace $0x9000004B  }
0x2e: {  	_ =	sfence  }
0x2f: {  	s30 =	sld [smem:$0x0];
	_ =	sdelay $0x2  }
0x30: {  	s31 =	sshll.u32 s1, $0xD;
	s1 =	sshrl.u32 s1, $0x2  }
0x31: {  	s3 =	sand.u32 $0x4000, s31;
	s1 =	sadd.s32 s1, s30  }
0x32: {  	s0 =	sor.u32 s3, s0;
	s1 =	sshll.u32 s1, $0x11  }
0x33: {  	s0 =	sor.u32 s1, s0  }
0x34: {  	s0 =	sadd.s32 $0x8F2B, s0  }
0x35: {  	[sflag:s0] =	ssyncadd.remote.s32 $0x1  }
0x36: {  	_ =	sfence.sel $0xFFFF  }
0x37: {  	[dreg:$0x0] =	wrdreg $0xFFFFFFFF;
	(pc) =	sbr.abs _section_cstart, $3  }
0x38: {  	[dreg:$0x1] =	wrdreg $0xFFFFFFFF  }
0x39: {  	_ =	task.clear_ibuf [dreg:s7], $0x2FFFF;
	_ =	strace $0x9FFFFFFF  }
0x3a: {  	(tm) =	ssettm $0x7FFFFFFF  }
0x3b: {  	_ =	shalt  }
tec
execute0_lowered:
.L_overlay_start_1:
0x0: {  	(tag) =	ssettag $0x1  }
0x1: {  	s0 =	stileid.u32  }
0x2: {  	s2 =	srdreg.scid;
	s7 =	rddreg [dreg:$0x0]  }
0x3: {  	s6 =	simm.s32 $0x1;
	s31 =	simm.s32 $0x2;
	s16 =	simm.s32 $0x0  }
0x4: {  	s9 =	simm.s32 $0x2000;
	s15 =	simm.s32 $0x0;
	s10 =	simm.s32 $0x0  }
0x5: {  	s11 =	simm.s32 $0x0;
	s14 =	simm.s32 $0x0;
	s1 =	sshll.u32 s0, $0x7  }
0x6: {  	s3 =	sshll.u32 s0, $0x4;
	s2 =	sshll.u32 s2, $0x8;
	s1 =	sand.u32 $0x380, s1  }
0x7: {  	s7 =	sadd.s32 $0x600, s7;
	s2 =	sor.u32 s3, s2;
	s5 =	ssub.s32 $0x400, s1  }
0x8: {  	s3 =	rddreg [dreg:$0x1];
	s4 =	sand.u32 $0x180, s2;
	s29 =	sand.u32 $0x380, s5  }
0x9: {  	s30 =	ssub.s32 $0xC300, s4;
	s5 =	sshrl.u32 s5, $0xA;
	p0 =	sne.s32 s29, $0x0  }
.Ltmp0:
0xa: {  	s8 =	sshrl.u32 s30, $0x9;
	s6 =	simm.s32 @!p0 $0x0;
	(pc) =	sbr.rel .LBB1_1-.Ltmp0, $4  }
0xb: {  	s2 =	rddreg [dreg:$0x2];
	s8 =	sadd.s32 $0x1, s8;
	s6 =	sadd.s32 s6, s5  }
0xc: {  	_ =	strace $0x8000004A;
	s5 =	simm.s32 $0x1;
	s6 =	smul.u32 s6, s8  }
0xd: {  	s13 =	smov.u32 s1;
	s12 =	smov.u32 s4;
	[sflag:s5] =	ssyncpa.u1 $0x0  }
0xe: {  	p0 =	por $0x0, $0x0;
	[sflag:s31] =	ssyncpa.u1 $0x0;
	s8 =	sadd.s32 $0x1, s6  }
.LBB1_4:
0xf: {  	s21 =	sshra.s32 s21, $0x2;
	s27 =	sshll.u32 s10, $0xA;
	s22 =	sshll.u32 s11, $0x3  }
0x10: {  	s23 =	sshll.u32 s10, $0x7;
	s24 =	sand.u32 $0x78, s11;
	p1 =	sgt.s32 s10, $0xC2D0  }
0x11: {  	s25 =	sshra.s32 s10, $0x1F;
	s26 =	sshra.s32 s11, $0x1F;
	s20 =	sadd.s32 s21, s20  }
0x12: {  	v5 =	vld [tilespmem:s18+$0xFFFFFFD0];
	[tilespmem:s19+$0x2040 ss:$0x81] =	vst.msk $0xffff, v4;
	s21 =	sand.u32 $0xFFFFE000, s27;
	s22 =	sand.u32 $0xFFFFFC00, s22;
	s28 =	sand.u32 $0x380, s23  }
0x13: {  	v58 =	vld [tilespmem:s18+$0xFFFFFFE0];
	[tilespmem:s19+$0x2850 ss:$0x81] =	vst.msk $0xffff, v3;
	s23 =	smov.u32 s10;
	s30 =	sand.u32 s25, s10;
	s25 =	smov.u32 s11  }
0x14: {  	v59 =	vld [tilespmem:s18+$0xFFFFFFF0];
	[tilespmem:s19+$0x3060 ss:$0x81] =	vst.msk $0xffff, v2;
	s31 =	sand.u32 s26, s11;
	s21 =	sadd.s32 s22, s21;
	s22 =	sor.u32 s24, s28  }
0x15: {  	v60 =	vld [tilespmem:s18+$0x0];
	[tilespmem:s19+$0x0 ss:$0x81] =	vst.msk $0xffff, v1;
	s23 =	simm.s32 @!p1 $0xC2D0;
	p1 =	sgt.s32 s11, $0x380;
	s21 =	sshrl.u32 s21, $0xA  }
0x16: {  	v61 =	vld [tilespmem:s18+$0x10];
	[tilespmem:s20+$0x3870 ss:$0x81] =	vst.msk $0xffff, v0;
	s19 =	ssub.s32 s23, s30;
	s25 =	simm.s32 @!p1 $0x380;
	s29 =	smulhi.u32 $0x53E2D7, s21  }
0x17: {  	v62 =	vld [tilespmem:s18+$0x20];
	s23 =	ssub.s32 s25, s31;
	s26 =	sadd.s32 $0xFFFF3D30, s19;
	s19 =	ssub.s32 $0xC350, s19;
	[tilespmem:s20+$0x810 ss:$0x81] =	vst.msk $0xffff, v5  }
0x18: {  	v63 =	vld [tilespmem:s18+$0xFFFFFFC0];
	[tilespmem:s20+$0x1020 ss:$0x81] =	vst.msk $0xffff, v58;
	p1 =	sgt.s32 s26, $0x7F;
	s28 =	sadd.s32 $0xFFFFFC80, s23;
	s24 =	sshrl.u32 s29, $0x6  }
0x19: {  	[tilespmem:s20+$0x1830 ss:$0x81] =	vst.msk $0xffff, v59;
	s23 =	ssub.s32 $0x400, s23;
	p2 =	sgt.s32 s28, $0x7F;
	s27 =	smul.u32 $0xC350, s24  }
0x1a: {  	s30 =	sand.u32 $0x7, s11;
	[tilespmem:s20+$0x2040 ss:$0x81] =	vst.msk $0xffff, v60;
	s19 =	simm.s32 @p1 $0x0;
	s23 =	simm.s32 @p2 $0x0  }
0x1b: {  	[tilespmem:s20+$0x2850 ss:$0x81] =	vst.msk $0xffff, v61;
	s29 =	sshrl.u32 s22, $0x3;
	s19 =	smul.u32 s23, s19;
	s18 =	ssub.s32 s21, s27  }
0x1c: {  	[tilespmem:s20+$0x3060 ss:$0x81] =	vst.msk $0xffff, v62;
	s22 =	sshll.u32 s30, $0x12;
	s21 =	sadd.s32 s3, s29;
	s18 =	sshll.u32 s18, $0x7  }
0x1d: {  	[tilespmem:s20+$0x0 ss:$0x81] =	vst.msk $0xffff, v63;
	s31 =	sor.u32 $0x400, s22;
	s19 =	sand.u32 $0x3FFFFFFF, s19;
	s18 =	sadd.s32 s18, s21  }
0x1e: {  	[hbm4b:s18+s31] =	stream.strided.scatter [tilespmem:s17], [sflag:$0x2], s19, s9, s31, $0x20;
	[tilespmem:$0x10100] =	vst v63  }
.LBB1_5:
0x1f: {  	p1 =	slt.u32 s14, $0x2  }
0x20: {  	s18 =	smov.u32 s16;
	p2 =	sgt.s32 @!p1 s16, $0xC2D0;
	s17 =	sshra.s32 @!p1 s16, $0x1F  }
0x21: {  	p3 =	sgt.s32 @!p1 s15, $0x380;
	s19 =	sshra.s32 @!p1 s15, $0x1F;
	p2 =	por !p2, p1  }
0x22: {  	s16 =	sand.u32 @!p1 s17, s16;
	p3 =	por !p3, p1;
	s17 =	smov.u32 s15  }
0x23: {  	s15 =	sand.u32 @!p1 s19, s15;
	s18 =	simm.s32 @p2 $0xC2D0;
	s17 =	simm.s32 @p3 $0x380  }
0x24: {  	s16 =	ssub.s32 @!p1 s18, s16;
	s15 =	ssub.s32 @!p1 s17, s15  }
0x25: {  	s19 =	smov.u32 s13;
	s17 =	sadd.s32 @!p1 $0xFFFF3D30, s16;
	s18 =	sadd.s32 @!p1 $0xFFFFFC80, s15  }
0x26: {  	s16 =	ssub.s32 @!p1 $0xC350, s16;
	p2 =	sgt.s32 @!p1 s17, $0x7F;
	p3 =	sgt.s32 @!p1 s18, $0x7F  }
0x27: {  	s15 =	ssub.s32 @!p1 $0x400, s15;
	p2 =	por !p2, p1;
	p3 =	por !p3, p1  }
0x28: {  	s17 =	sadd.s32 $0x200, s12;
	s16 =	simm.s32 @!p2 $0x0;
	s15 =	simm.s32 @!p3 $0x0  }
0x29: {  	p2 =	sgt.s32 s17, $0xC34F;
	s15 =	smul.u32 @!p1 s15, s16;
	s16 =	sadd.s32 $0x400, s13  }
0x2a: {  	s19 =	smov.u32 @p2 s16  }
0x2b: {  	s17 =	smov.u32 @p2 s4;
	p2 =	sgt.s32 s19, $0x3FF  }
0x2c: {  	s19 =	smov.u32 @p2 s1;
	p2 =	sne.s32 s14, s8  }
.Ltmp1:
0x2d: {  	p0 =	por !p0, !p0;
	s18 =	simm.s32 @!p1 $0x2;
	(pc) =	sbr.rel @!p2 .LBB1_6-.Ltmp1, $4  }
0x2e: {  	s16 =	smov.u32 s10;
	s10 =	smov.u32 s12;
	s15 =	sand.u32 @!p1 $0x3FFFFFFF, s15  }
0x2f: {  	s12 =	smov.u32 s17;
	_ =	swait.ge @!p1 [sflag:s18], s15;
	s20 =	ssub.s32 @!p1 $0x0, s15  }
0x30: {  	s15 =	smov.u32 s11;
	s14 =	sadd.s32 $0x1, s14;
	[sflag:s18] =	ssyncset.done @!p1 $0x0  }
0x31: {  	s11 =	smov.u32 s13;
	s13 =	smov.u32 s19;
	[sflag:s18] =	ssyncadd.s32 @!p1 s20  }
.LBB1_1:
0x32: {  	p1 =	sge.u32 s14, s6  }
0x33: {  	s17 =	sshrl.u32 @!p1 s13, $0x3  }
0x34: {  	s18 =	sshll.u32 @!p1 s12, $0x3;
	s17 =	smul.u32 @!p1 $0x61C00, s17  }
0x35: {  	s19 =	sshll.u32 @!p1 s13, $0x7;
	s18 =	sand.u32 @!p1 $0xFFFFFC00, s18  }
0x36: {  	s17 =	sadd.s32 @!p1 s17, s18;
	s18 =	sand.u32 @!p1 $0x380, s19  }
0x37: {  	s19 =	sand.u32 @!p1 $0x7F, s12;
	s17 =	sor.u32 @!p1 s18, s17  }
0x38: {  	s18 =	sor.u32 @!p1 s19, s17  }
0x39: {  	s19 =	smulhi.u32 @!p1 $0xA79C7B17, s18;
	_ =	sdelay $0x1  }
0x3a: {  	s17 =	smulhi.u32 @!p1 $0xA79C7B17, s17;
	s19 =	sshrl.u32 @!p1 s19, $0xF  }
0x3b: {  	s19 =	smul.u32 @!p1 $0xC380, s19  }
0x3c: {  	s31 =	sadd.s32 $0xFFFFFFFF, s14;
	s20 =	sxor.u32 @!p1 $0xFFFFFFFF, s14;
	s17 =	sshrl.u32 @!p1 s17, $0xF  }
0x3d: {  	s20 =	sshll.u32 @!p1 s20, $0xE;
	s17 =	sand.u32 @!p1 $0x3FF, s17;
	s18 =	ssub.s32 @!p1 s18, s19  }
0x3e: {  	s17 =	smul.u32 @!p1 $0x1870, s17;
	s19 =	sshrl.u32 @!p1 s18, $0x3;
	s18 =	sand.u32 @!p1 $0x7, s18  }
0x3f: {  	s20 =	sand.u32 @!p1 $0x4000, s20;
	s19 =	sadd.s32 @!p1 s7, s19;
	s18 =	sshll.u32 @!p1 s18, $0x12  }
0x40: {  	s17 =	sadd.s32 @!p1 s17, s19;
	s18 =	sor.u32 @!p1 $0x400, s18;
	s19 =	simm.s32 @!p1 $0x61C00  }
0x41: {  	[tilespmem:s20], [sflag:$0x1] =	stream.strided.gather @!p1 [hbm4b:s17+s18], $0x4000, s19, s18, $0x38;
	[tilespmem:$0x10100] =	vst v63  }
0x42: {  	p1 =	sge.u32 s31, s6  }
.Ltmp2:
0x43: {  	_ = 	snop;
	(pc) =	sbr.rel @p1 .LBB1_5-.Ltmp2, $1  }
0x44: {  	_ =	sdelay $0x3  }
0x45: {  	s17 =	simm.s32 $0x1  }
0x46: {  	_ =	swait.ge [sflag:s5], $0x4000;
	s17 =	simm.s32 @!p0 $0x0  }
0x47: {  	[sflag:s5] =	ssyncset.done $0x0;
	s18 =	sshll.u32 s17, $0xE  }
0x48: {  	[sflag:s5] =	ssyncadd.s32 $0xFFFFC000;
	s18 =	sor.u32 $0x40, s18  }
0x49: {  	s17 =	smul.u32 $0x10200, s17;
	v0 =	vld [tilespmem:s18+$0x30]  }
0x4a: {  	v1 =	vld [tilespmem:s18+$0xFFFFFFD0]  }
0x4b: {  	s17 =	sshrl.u32 s17, $0x2;
	v5 =	vld [tilespmem:s18+$0xFFFFFFE0]  }
0x4c: {  	v6 =	vld [tilespmem:s18+$0xFFFFFFF0];
	s20 =	sor.u32 $0x8000, s17  }
0x4d: {  	s31 =	sand.u32 $0x1, s14;
	v4 =	vld [tilespmem:s18+$0x0];
	s19 =	sadd.s32 $0x0, s20  }
0x4e: {  	v3 =	vld [tilespmem:s18+$0x10];
	s17 =	smul.u32 $0x10200, s31;
	[tilespmem:s19+$0x3870 ss:$0x81] =	vst.msk $0xffff, v0  }
0x4f: {  	v2 =	vld [tilespmem:s18+$0x20];
	[tilespmem:s19+$0x810 ss:$0x81] =	vst.msk $0xffff, v1  }
0x50: {  	s17 =	sshrl.u32 s17, $0x2;
	v1 =	vld [tilespmem:s18+$0xFFFFFFC0];
	[tilespmem:s19+$0x1020 ss:$0x81] =	vst.msk $0xffff, v5;
	s18 =	sadd.s32 $0x80, s18  }
0x51: {  	s21 =	simm.s32 $0x4;
	s22 =	simm.s32 $0x8;
	s17 =	sor.u32 $0x8000, s17;
	[tilespmem:s19+$0x1830 ss:$0x81] =	vst.msk $0xffff, v6;
	v0 =	vld [tilespmem:s18+$0x30]  }
.LBB1_3:
0x52: {  	p1 =	sne.s32 s22, $0x1FC;
	v5 =	vld [tilespmem:s18+$0xFFFFFFD0];
	[tilespmem:s19+$0x2040 ss:$0x81] =	vst.msk $0xffff, v4  }
0x53: {  	v6 =	vld [tilespmem:s18+$0xFFFFFFE0];
	[tilespmem:s19+$0x2850 ss:$0x81] =	vst.msk $0xffff, v3  }
0x54: {  	s23 =	sshra.s32 s21, $0x2;
	s21 =	smov.u32 s22;
	v7 =	vld [tilespmem:s18+$0xFFFFFFF0];
	[tilespmem:s19+$0x3060 ss:$0x81] =	vst.msk $0xffff, v2  }
.Ltmp3:
0x55: {  	v4 =	vld [tilespmem:s18+$0x0];
	[tilespmem:s19+$0x0 ss:$0x81] =	vst.msk $0xffff, v1;
	s19 =	sadd.s32 s23, s20;
	(pc) =	sbr.rel @p1 .LBB1_3-.Ltmp3, $4  }
0x56: {  	v3 =	vld [tilespmem:s18+$0x10];
	[tilespmem:s19+$0x3870 ss:$0x81] =	vst.msk $0xffff, v0  }
0x57: {  	[tilespmem:s19+$0x810 ss:$0x81] =	vst.msk $0xffff, v5;
	v2 =	vld [tilespmem:s18+$0x20]  }
0x58: {  	v1 =	vld [tilespmem:s18+$0xFFFFFFC0];
	[tilespmem:s19+$0x1020 ss:$0x81] =	vst.msk $0xffff, v6;
	s18 =	sadd.s32 $0x80, s18  }
0x59: {  	s22 =	sadd.s32 $0x4, s22;
	v0 =	vld [tilespmem:s18+$0x30];
	[tilespmem:s19+$0x1830 ss:$0x81] =	vst.msk $0xffff, v7  }
.Ltmp4:
0x5a: {  	_ = 	snop;
	(pc) =	sbr.rel .LBB1_4-.Ltmp4, $1  }
0x5b: {  	_ =	sdelay $0x3  }
.LBB1_6:
0x5c: {  	_ =	sfence.sel $0x180000  }
0x5d: {  	s1 =	simm.s32 $0x1;
	[bflag:$0x0] =	sbarrier.arrive $0xFFFF  }
0x5e: {  	s31 =	simm.s32 $0x2;
	[sflag:s1] =	ssyncpa.u1 $0x1  }
0x5f: {  	[sflag:s31] =	ssyncpa.u1 $0x1  }
0x60: {  	p0 =	sne.s32 s0, $0x0;
	_ =	strace $0x9000004A  }
0x61: {  	s0 =	sadd.s32 @!p0 $0x100000, s2;
	[bflag:$0x2] =	sbarrier.arrive $0xFFFF  }
0x62: {  	[sflag:s0] =	ssyncadd.tile.s32 @!p0 $0x1;
	_ =	shalt  }
.Lfunc_end1:
_tile_overlayer_lowered:
.L_overlay_start_2:
0x63: {  	(tag) =	ssettag $0x2  }
0x64: {  	s0 =	rddreg [dreg:$0x0];
	s2 =	stileid.u32  }
0x65: {  	s1 =	rddreg [dreg:$0x1];
	p0 =	sne.s32 s2, $0x0  }
0x66: {  	s3 =	rddreg [dreg:$0x2];
	[bflag:$0x3] =	sbarrier.arrive $0xFFFF;
	s2 =	simm.s32 @!p0 $0x1C01  }
0x67: {  	[timem:s3], [sflag:s2] =	dma.local @!p0 [hbm:s0], s1  }
0x68: {  	s0 =	simm.s32 @!p0 $0x1  }
0x69: {  	_ =	swait.ge @!p0 [sflag:s0], s1  }
0x6a: {  	s1 =	ssub.s32 @!p0 $0x0, s1;
	[sflag:s0] =	ssyncset.done @!p0 $0x0  }
0x6b: {  	[sflag:s0] =	ssyncadd.s32 @!p0 s1  }
0x6c: {  	[bflag:$0x3] =	sbarrier.arrive $0xFFFF  }
0x6d: {  	_ =	shalt  }

</sc_bundles>
